<compile_context>
chip_gen: v7x
topology: tpu7x:2x2x1
jax: 0.10.2.dev20260603
libtpu: 0.0.44.dev20260713+nightly
codegen_flags: <defaults>
</compile_context>

<pallas_src>
import functools

import jax
import jax.numpy as jnp
from jax import lax
from jax.experimental import pallas as pl
from jax.experimental.pallas import tpu as pltpu
from jax.experimental.pallas import tpu_sc as plsc

N = 10000
D_IN = 128
H1, O1 = 8, 16
H2, O2 = 1, 16
D1 = H1 * O1

NW = 32
E_EXT = 320000 + N
C1 = 80
J1 = -(-E_EXT // (NW * C1))
E_PAD1 = NW * J1 * C1
C2 = 128
J2 = -(-E_EXT // (NW * C2))
E_PAD2 = NW * J2 * C2
NA = 10112
RPT = NA // 16
W1T = D1 + 16
W2T = 2 * O2
PK = 16384

_mesh = plsc.VectorSubcoreMesh(core_axis_name="c", subcore_axis_name="s")


def _prep1_body(x_ref, w_ref, as_ref, ad_ref, s_ref, dt_ref):
    h = lax.dot_general(x_ref[...], w_ref[...], (((1,), (0,)), ((), ())),
                        preferred_element_type=jnp.float32)
    asrc = lax.dot_general(h, as_ref[...], (((1,), (0,)), ((), ())),
                           preferred_element_type=jnp.float32)
    adst = lax.dot_general(h, ad_ref[...], (((1,), (0,)), ((), ())),
                           preferred_element_type=jnp.float32)
    s_ref[:, 0:D1] = h
    s_ref[:, D1:D1 + 8] = asrc
    s_ref[:, D1 + 8:W1T] = adst
    dt_ref[:, 0:8] = adst
    dt_ref[:, 8:16] = jnp.zeros_like(adst)


def _prep1(x, w1, asrc_m, adst_m):
    bn = 1000
    return pl.pallas_call(
        _prep1_body,
        grid=(N // bn,),
        in_specs=[
            pl.BlockSpec((bn, D_IN), lambda i: (i, 0)),
            pl.BlockSpec((D_IN, D1), lambda i: (0, 0)),
            pl.BlockSpec((D1, 8), lambda i: (0, 0)),
            pl.BlockSpec((D1, 8), lambda i: (0, 0)),
        ],
        out_specs=[
            pl.BlockSpec((bn, W1T), lambda i: (i, 0)),
            pl.BlockSpec((bn, 16), lambda i: (i, 0)),
        ],
        out_shape=[
            jax.ShapeDtypeStruct((N, W1T), jnp.float32),
            jax.ShapeDtypeStruct((N, 16), jnp.float32),
        ],
    )(x, w1, asrc_m, adst_m)


def _unpack_chunk(pk2, src_c, dst_c, slot, c):
    def unpack(q, carry):
        pk = pk2[slot, pl.ds(q * 16, 16)]
        src_c[slot, pl.ds(q * 16, 16)] = lax.shift_right_logical(pk, 14)
        dst_c[slot, pl.ds(q * 16, 16)] = lax.bitwise_and(pk, PK - 1)
        return carry

    lax.fori_loop(0, c // 16, unpack, 0)


def _make_edge_pass(c, jn, wt, compute_chunk):

    def body(s_hbm, dt_hbm, pk_hbm, z_hbm, out_hbm,
             pk2, src_c, dst_c, srows, drows, acc, sem_g, sem_s, sem_p):
        cc = lax.axis_index("c")
        s = lax.axis_index("s")
        wid = cc * 16 + s
        base = wid * jn
        pltpu.sync_copy(z_hbm.at[pl.ds(s * RPT, RPT)],
                        acc.at[pl.ds(s * RPT, RPT)])
        plsc.subcore_barrier()

        pltpu.sync_copy(pk_hbm.at[base], pk2.at[0])
        _unpack_chunk(pk2, src_c, dst_c, 0, c)
        pltpu.async_copy(s_hbm.at[src_c.at[0]], srows.at[0], sem_g)
        pltpu.async_copy(dt_hbm.at[dst_c.at[0]], drows.at[0], sem_g)

        @pl.when(jn > 1)
        def _():
            pltpu.async_copy(pk_hbm.at[base + 1], pk2.at[1], sem_p)

        def step(j, carry):
            slot = lax.rem(j, 2)
            nxt = 1 - slot

            @pl.when(j >= 1)
            def _():
                pltpu.make_async_copy(
                    srows.at[nxt], acc.at[pl.ds(0, c)], sem_s).wait()

            @pl.when(j < jn - 1)
            def _():
                pltpu.make_async_copy(pk_hbm.at[base], pk2.at[nxt],
                                      sem_p).wait()
                _unpack_chunk(pk2, src_c, dst_c, nxt, c)
                pltpu.async_copy(s_hbm.at[src_c.at[nxt]], srows.at[nxt],
                                 sem_g)
                pltpu.async_copy(dt_hbm.at[dst_c.at[nxt]], drows.at[nxt],
                                 sem_g)

                @pl.when(j < jn - 2)
                def _():
                    pltpu.async_copy(pk_hbm.at[base + j + 2], pk2.at[slot],
                                     sem_p)

            pltpu.make_async_copy(s_hbm.at[pl.ds(0, c)], srows.at[slot],
                                  sem_g).wait()
            pltpu.make_async_copy(dt_hbm.at[pl.ds(0, c)], drows.at[slot],
                                  sem_g).wait()

            compute_chunk(srows, drows, slot)
            pltpu.async_copy(srows.at[slot], acc.at[dst_c.at[slot]], sem_s,
                             add=True)
            return carry

        lax.fori_loop(0, jn, step, 0)
        pltpu.make_async_copy(srows.at[(jn - 1) % 2], acc.at[pl.ds(0, c)],
                              sem_s).wait()
        plsc.subcore_barrier()
        pltpu.sync_copy(acc.at[pl.ds(s * RPT, RPT)],
                        out_hbm.at[cc, pl.ds(s * RPT, RPT)])

    return body


def _compute1(srows, drows, slot):
    @plsc.parallel_loop(0, C1, step=1, unroll=16)
    def edge(e):
        a_s = srows[slot, e, pl.ds(D1, 16)]
        a_d = drows[slot, e, :]
        alpha = a_s + a_d
        alpha = jnp.maximum(alpha, 0.2 * alpha)
        w = jnp.exp(alpha)
        srows[slot, e, pl.ds(D1, 16)] = w
        for hh in range(H1):
            srows[slot, e, pl.ds(hh * 16, 16)] = (
                srows[slot, e, pl.ds(hh * 16, 16)] * w[hh])


def _compute2(srows, drows, slot):
    @plsc.parallel_loop(0, C2, step=1, unroll=16)
    def edge(e):
        a_s = srows[slot, e, pl.ds(O2, 16)]
        a_d = drows[slot, e, :]
        alpha = a_s + a_d
        alpha = jnp.maximum(alpha, 0.2 * alpha)
        w = jnp.exp(alpha)
        srows[slot, e, pl.ds(0, 16)] = srows[slot, e, pl.ds(0, 16)] * w
        srows[slot, e, pl.ds(O2, 16)] = w


_edge_pass1 = functools.partial(
    pl.kernel,
    out_type=jax.ShapeDtypeStruct((2, NA, W1T), jnp.float32),
    mesh=_mesh,
    compiler_params=pltpu.CompilerParams(use_tc_tiling_on_sc=False),
    scratch_types=[
        pltpu.VMEM((2, C1), jnp.int32),
        pltpu.VMEM((2, C1), jnp.int32),
        pltpu.VMEM((2, C1), jnp.int32),
        pltpu.VMEM((2, C1, W1T), jnp.float32),
        pltpu.VMEM((2, C1, 16), jnp.float32),
        pltpu.VMEM_SHARED((NA, W1T), jnp.float32),
        pltpu.SemaphoreType.DMA,
        pltpu.SemaphoreType.DMA,
        pltpu.SemaphoreType.DMA,
    ],
)(_make_edge_pass(C1, J1, W1T, _compute1))

_edge_pass2 = functools.partial(
    pl.kernel,
    out_type=jax.ShapeDtypeStruct((2, NA, W2T), jnp.float32),
    mesh=_mesh,
    compiler_params=pltpu.CompilerParams(use_tc_tiling_on_sc=False),
    scratch_types=[
        pltpu.VMEM((2, C2), jnp.int32),
        pltpu.VMEM((2, C2), jnp.int32),
        pltpu.VMEM((2, C2), jnp.int32),
        pltpu.VMEM((2, C2, W2T), jnp.float32),
        pltpu.VMEM((2, C2, 16), jnp.float32),
        pltpu.VMEM_SHARED((NA, W2T), jnp.float32),
        pltpu.SemaphoreType.DMA,
        pltpu.SemaphoreType.DMA,
        pltpu.SemaphoreType.DMA,
    ],
)(_make_edge_pass(C2, J2, W2T, _compute2))


def _mid_body(p_ref, b1_ref, w2_ref, as2_ref, ad2_ref, exp8_ref,
              s2_ref, dt2_ref):
    p = p_ref[0] + p_ref[1]
    numer = p[:, 0:D1]
    dinv = 1.0 / (p[:, D1:D1 + 8] + 1e-16)
    dfull = lax.dot_general(dinv, exp8_ref[...], (((1,), (0,)), ((), ())),
                            preferred_element_type=jnp.float32)
    out1 = numer * dfull + b1_ref[...]
    x2 = jnp.where(out1 > 0, out1, jnp.exp(out1) - 1.0)
    h2 = lax.dot_general(x2, w2_ref[...], (((1,), (0,)), ((), ())),
                         preferred_element_type=jnp.float32)
    a2s = lax.dot_general(h2, as2_ref[...], (((1,), (0,)), ((), ())),
                          preferred_element_type=jnp.float32)
    a2d = lax.dot_general(h2, ad2_ref[...], (((1,), (0,)), ((), ())),
                          preferred_element_type=jnp.float32)
    s2_ref[:, 0:O2] = h2
    s2_ref[:, O2:W2T] = a2s
    dt2_ref[...] = a2d


def _mid(p1, b1, w2, as2_m, ad2_m, exp8):
    bn = 1000
    return pl.pallas_call(
        _mid_body,
        grid=(N // bn,),
        in_specs=[
            pl.BlockSpec((2, bn, W1T), lambda i: (0, i, 0)),
            pl.BlockSpec((1, D1), lambda i: (0, 0)),
            pl.BlockSpec((D1, O2), lambda i: (0, 0)),
            pl.BlockSpec((O2, 16), lambda i: (0, 0)),
            pl.BlockSpec((O2, 16), lambda i: (0, 0)),
            pl.BlockSpec((8, D1), lambda i: (0, 0)),
        ],
        out_specs=[
            pl.BlockSpec((bn, W2T), lambda i: (i, 0)),
            pl.BlockSpec((bn, 16), lambda i: (i, 0)),
        ],
        out_shape=[
            jax.ShapeDtypeStruct((N, W2T), jnp.float32),
            jax.ShapeDtypeStruct((N, 16), jnp.float32),
        ],
    )(p1, b1, w2, as2_m, ad2_m, exp8)


def _fin_body(p_ref, b2_ref, out_ref):
    p = p_ref[0] + p_ref[1]
    out_ref[...] = p[:, 0:O2] / (p[:, O2:W2T] + 1e-16) + b2_ref[...]


def _fin(p2, b2):
    bn = 1000
    return pl.pallas_call(
        _fin_body,
        grid=(N // bn,),
        in_specs=[
            pl.BlockSpec((2, bn, W2T), lambda i: (0, i, 0)),
            pl.BlockSpec((1, O2), lambda i: (0, 0)),
        ],
        out_specs=pl.BlockSpec((bn, O2), lambda i: (i, 0)),
        out_shape=jax.ShapeDtypeStruct((N, O2), jnp.float32),
    )(p2, b2)


def _pack_edges(src, dst, e_pad, jn, c):
    packed = src * PK + dst
    return jnp.pad(packed, (0, e_pad - E_EXT),
                   constant_values=N).reshape(NW * jn, c)


def kernel(x, edge_index, W1, att_src1, att_dst1, b1, W2, att_src2, att_dst2, b2):
    loop = jnp.arange(N, dtype=jnp.int32)
    src = jnp.concatenate([edge_index[0].astype(jnp.int32), loop])
    dst = jnp.concatenate([edge_index[1].astype(jnp.int32), loop])
    pk1 = _pack_edges(src, dst, E_PAD1, J1, C1)
    pk2 = _pack_edges(src, dst, E_PAD2, J2, C2)

    eye8 = jnp.eye(H1, dtype=jnp.float32)
    asrc_m = (att_src1[:, :, None] * eye8[:, None, :]).reshape(D1, H1)
    adst_m = (att_dst1[:, :, None] * eye8[:, None, :]).reshape(D1, H1)
    exp8 = (eye8[:, :, None] * jnp.ones((1, 1, O1), jnp.float32)).reshape(H1, D1)
    as2_m = jnp.tile(att_src2.reshape(O2, 1), (1, 16))
    ad2_m = jnp.tile(att_dst2.reshape(O2, 1), (1, 16))

    z1 = jnp.zeros((NA, W1T), jnp.float32)
    z2 = jnp.zeros((NA, W2T), jnp.float32)

    s1, dt1 = _prep1(x, W1, asrc_m, adst_m)
    p1 = _edge_pass1(s1, dt1, pk1, z1)
    s2, dt2 = _mid(p1, b1.reshape(1, D1), W2, as2_m, ad2_m, exp8)
    p2 = _edge_pass2(s2, dt2, pk2, z2)
    return _fin(p2, b2.reshape(1, O2))

# --- scband reference (transcript-rebuilt; emitter-appended) ---
"""Pipeline reference for scband-gat-3831110828332 (READ-ONLY COPY).

The authoritative reference and input builder live on the scoring server;
editing this copy changes nothing except your own understanding.
"""

import jax, jax.numpy as jnp
import numpy as np

N_NODES, N_EDGES, D_IN = 10000, 320000, 128
HEADS1, OUT1 = 8, 16
HEADS2, OUT2 = 1, 16


def setup_inputs(seed: int = 0) -> dict:
    key = jax.random.key(seed)
    ks = jax.random.split(key, 10)
    x = jax.random.normal(ks[0], (N_NODES, D_IN), dtype=jnp.float32)
    edge_index = jax.random.randint(ks[1], (2, N_EDGES), 0, N_NODES)
    W1 = jax.random.normal(ks[2], (D_IN, HEADS1 * OUT1), dtype=jnp.float32) * 0.1
    att_src1 = jax.random.normal(ks[3], (HEADS1, OUT1), dtype=jnp.float32) * 0.1
    att_dst1 = jax.random.normal(ks[4], (HEADS1, OUT1), dtype=jnp.float32) * 0.1
    b1 = jnp.zeros((HEADS1 * OUT1,), dtype=jnp.float32)
    W2 = jax.random.normal(ks[5], (HEADS1 * OUT1, HEADS2 * OUT2), dtype=jnp.float32) * 0.1
    att_src2 = jax.random.normal(ks[6], (HEADS2, OUT2), dtype=jnp.float32) * 0.1
    att_dst2 = jax.random.normal(ks[7], (HEADS2, OUT2), dtype=jnp.float32) * 0.1
    b2 = jnp.zeros((OUT2,), dtype=jnp.float32)
    return {"x": x, "edge_index": edge_index, "W1": W1, "att_src1": att_src1,
            "att_dst1": att_dst1, "b1": b1, "W2": W2, "att_src2": att_src2,
            "att_dst2": att_dst2, "b2": b2}


def _gat_layer(x, edge_index, W, att_src, att_dst, bias, heads, out_ch, concat):
    N = x.shape[0]
    loop = jnp.arange(N, dtype=edge_index.dtype)
    src = jnp.concatenate([edge_index[0], loop])
    dst = jnp.concatenate([edge_index[1], loop])
    h = (x @ W).reshape(N, heads, out_ch)
    a_src = jnp.sum(h * att_src[None, :, :], axis=-1)
    a_dst = jnp.sum(h * att_dst[None, :, :], axis=-1)
    alpha = a_src[src] + a_dst[dst]
    alpha = jax.nn.leaky_relu(alpha, negative_slope=0.2)
    amax = jax.lax.stop_gradient(jax.ops.segment_max(alpha, dst, num_segments=N))
    alpha = jnp.exp(alpha - amax[dst])
    denom = jax.ops.segment_sum(alpha, dst, num_segments=N)
    alpha = alpha / (denom[dst] + 1e-16)
    msg = h[src] * alpha[:, :, None]
    out = jax.ops.segment_sum(msg, dst, num_segments=N)
    if concat:
        out = out.reshape(N, heads * out_ch)
    else:
        out = out.mean(axis=1)
    return out + bias


def reference(x, edge_index, W1, att_src1, att_dst1, b1, W2, att_src2, att_dst2, b2):
    # eval mode: all dropout layers are identity
    h = _gat_layer(x, edge_index, W1, att_src1, att_dst1, b1, HEADS1, OUT1, True)
    h = jax.nn.elu(h)
    out = _gat_layer(h, edge_index, W2, att_src2, att_dst2, b2, HEADS2, OUT2, False)
    return out

if __name__ == "__main__":
    import jax
    _d = setup_inputs()
    print(jax.jit(kernel)(*tuple(_d.values())))

</pallas_src>

<mosaic_0001>
#map = affine_map<(d0, d1) -> (0, 0)>
#map1 = affine_map<(d0, d1) -> (0, 0, 0)>
module attributes {stable_mosaic.version = 14 : i64} {
  func.func @body(%arg0: i32, %arg1: i32, %arg2: memref<10000x144xf32, #tpu.memory_space<hbm>>, %arg3: memref<10000x16xf32, #tpu.memory_space<hbm>>, %arg4: memref<4128x80xi32, #tpu.memory_space<hbm>>, %arg5: memref<10112x144xf32, #tpu.memory_space<hbm>>, %arg6: memref<2x10112x144xf32, #tpu.memory_space<hbm>>, %arg7: memref<2x80xi32, #tpu.memory_space<vmem>>, %arg8: memref<2x80xi32, #tpu.memory_space<vmem>>, %arg9: memref<2x80xi32, #tpu.memory_space<vmem>>, %arg10: memref<2x80x144xf32, #tpu.memory_space<vmem>>, %arg11: memref<2x80x16xf32, #tpu.memory_space<vmem>>, %arg12: memref<10112x144xf32, #tpu.memory_space<vmem_shared>>, %arg13: memref<!tpu.dma_semaphore, #tpu.memory_space<semaphore_mem>>, %arg14: memref<!tpu.dma_semaphore, #tpu.memory_space<semaphore_mem>>, %arg15: memref<!tpu.dma_semaphore, #tpu.memory_space<semaphore_mem>>) attributes {dimension_semantics = [#tpu.dimension_semantics<core_parallel>, #tpu.dimension_semantics<subcore_parallel>], iteration_bounds = array<i64: 2, 16>, scalar_prefetch = 0 : i64, scratch_operands = 9 : i64, tpu.core_type = #tpu.core_type<sc_vector_subcore>, window_params = [{transform_indices = #map}, {transform_indices = #map}, {transform_indices = #map}, {transform_indices = #map}, {transform_indices = #map1}]} {
    %mul3A = arith.constant 16 : i32
    %mul3A_0 = arith.muli %arg0, %mul3A : i32
    %add3A = arith.addi %mul3A_0, %arg1 : i32
    %mul3A_1 = arith.constant 129 : i32
    %mul3A_2 = arith.muli %add3A, %mul3A_1 : i32
    %mul3A_3 = arith.constant 632 : i32
    %mul3A_4 = arith.muli %arg1, %mul3A_3 : i32
    %mul3A_5 = arith.constant 632 : i32
    %mul3A_6 = arith.muli %arg1, %mul3A_5 : i32
    "tpu.region"() ({
      %run_scoped3A_75 = tpu.sem_alloc : memref<!tpu.dma_semaphore, #tpu.memory_space<semaphore_mem>>
      %dma_start3A_76 = arith.constant 0 : i32
      %dma_start3A_77 = tpu.memref_slice %arg12[%mul3A_6, %dma_start3A_76] : memref<10112x144xf32, #tpu.memory_space<vmem_shared>> -> memref<632x144xf32, #tpu.memory_space<vmem_shared>>
      %dma_start3A_78 = arith.constant 0 : i32
      %dma_start3A_79 = tpu.memref_slice %arg5[%mul3A_4, %dma_start3A_78] : memref<10112x144xf32, #tpu.memory_space<hbm>> -> memref<632x144xf32, #tpu.memory_space<hbm>>
      tpu.enqueue_dma source(%dma_start3A_79 : memref<632x144xf32, #tpu.memory_space<hbm>>) target(%dma_start3A_77 : memref<632x144xf32, #tpu.memory_space<vmem_shared>>) target_semaphore(%run_scoped3A_75 : memref<!tpu.dma_semaphore, #tpu.memory_space<semaphore_mem>>)
      %dma_wait3A_80 = arith.constant 0 : i32
      %dma_wait3A_81 = tpu.memref_slice %arg12[%mul3A_6, %dma_wait3A_80] : memref<10112x144xf32, #tpu.memory_space<vmem_shared>> -> memref<632x144xf32, #tpu.memory_space<vmem_shared>>
      %dma_wait3A_82 = arith.constant 0 : i32
      %dma_wait3A_83 = tpu.memref_slice %arg5[%mul3A_4, %dma_wait3A_82] : memref<10112x144xf32, #tpu.memory_space<hbm>> -> memref<632x144xf32, #tpu.memory_space<hbm>>
      tpu.wait_dma2 semaphore(%run_scoped3A_75 : memref<!tpu.dma_semaphore, #tpu.memory_space<semaphore_mem>>) src(%dma_wait3A_83 : memref<632x144xf32, #tpu.memory_space<hbm>>) dst(%dma_wait3A_81 : memref<632x144xf32, #tpu.memory_space<vmem_shared>>)
      tpu.yield
    }) : () -> ()
    %barrier3A = arith.constant 0 : index
    tpu.barrier barrier_id(%barrier3A)
    %run_scoped3A = arith.constant 0 : i32
    "tpu.region"() ({
      %run_scoped3A_75 = tpu.sem_alloc : memref<!tpu.dma_semaphore, #tpu.memory_space<semaphore_mem>>
      %dma_start3A_76 = arith.constant 0 : i32
      %dma_start3A_77 = tpu.memref_slice %arg7[%run_scoped3A, %dma_start3A_76] : memref<2x80xi32, #tpu.memory_space<vmem>> -> memref<1x80xi32, #tpu.memory_space<vmem>>
      %dma_start3A_78 = tpu.memref_squeeze %dma_start3A_77 : memref<1x80xi32, #tpu.memory_space<vmem>> -> memref<80xi32, #tpu.memory_space<vmem>>
      %dma_start3A_79 = arith.constant 0 : i32
      %dma_start3A_80 = tpu.memref_slice %arg4[%mul3A_2, %dma_start3A_79] : memref<4128x80xi32, #tpu.memory_space<hbm>> -> memref<1x80xi32, #tpu.memory_space<hbm>>
      %dma_start3A_81 = tpu.memref_squeeze %dma_start3A_80 : memref<1x80xi32, #tpu.memory_space<hbm>> -> memref<80xi32, #tpu.memory_space<hbm>>
      %dma_start3A_82 = arith.constant 0 : i32
      %dma_start3A_83 = tpu.memref_slice %arg7[%run_scoped3A, %dma_start3A_82] : memref<2x80xi32, #tpu.memory_space<vmem>> -> memref<1x80xi32, #tpu.memory_space<vmem>>
      %dma_start3A_84 = tpu.memref_squeeze %dma_start3A_83 : memref<1x80xi32, #tpu.memory_space<vmem>> -> memref<80xi32, #tpu.memory_space<vmem>>
      %dma_start3A_85 = arith.constant 0 : i32
      %dma_start3A_86 = tpu.memref_slice %arg4[%mul3A_2, %dma_start3A_85] : memref<4128x80xi32, #tpu.memory_space<hbm>> -> memref<1x80xi32, #tpu.memory_space<hbm>>
      %dma_start3A_87 = tpu.memref_squeeze %dma_start3A_86 : memref<1x80xi32, #tpu.memory_space<hbm>> -> memref<80xi32, #tpu.memory_space<hbm>>
      tpu.enqueue_dma source(%dma_start3A_87 : memref<80xi32, #tpu.memory_space<hbm>>) target(%dma_start3A_84 : memref<80xi32, #tpu.memory_space<vmem>>) target_semaphore(%run_scoped3A_75 : memref<!tpu.dma_semaphore, #tpu.memory_space<semaphore_mem>>)
      %dma_wait3A_88 = arith.constant 0 : i32
      %dma_wait3A_89 = tpu.memref_slice %arg7[%run_scoped3A, %dma_wait3A_88] : memref<2x80xi32, #tpu.memory_space<vmem>> -> memref<1x80xi32, #tpu.memory_space<vmem>>
      %dma_wait3A_90 = tpu.memref_squeeze %dma_wait3A_89 : memref<1x80xi32, #tpu.memory_space<vmem>> -> memref<80xi32, #tpu.memory_space<vmem>>
      %dma_wait3A_91 = arith.constant 0 : i32
      %dma_wait3A_92 = tpu.memref_slice %arg4[%mul3A_2, %dma_wait3A_91] : memref<4128x80xi32, #tpu.memory_space<hbm>> -> memref<1x80xi32, #tpu.memory_space<hbm>>
      %dma_wait3A_93 = tpu.memref_squeeze %dma_wait3A_92 : memref<1x80xi32, #tpu.memory_space<hbm>> -> memref<80xi32, #tpu.memory_space<hbm>>
      %dma_wait3A_94 = arith.constant 0 : i32
      %dma_wait3A_95 = tpu.memref_slice %arg7[%run_scoped3A, %dma_wait3A_94] : memref<2x80xi32, #tpu.memory_space<vmem>> -> memref<1x80xi32, #tpu.memory_space<vmem>>
      %dma_wait3A_96 = tpu.memref_squeeze %dma_wait3A_95 : memref<1x80xi32, #tpu.memory_space<vmem>> -> memref<80xi32, #tpu.memory_space<vmem>>
      %dma_wait3A_97 = arith.constant 0 : i32
      %dma_wait3A_98 = tpu.memref_slice %arg4[%mul3A_2, %dma_wait3A_97] : memref<4128x80xi32, #tpu.memory_space<hbm>> -> memref<1x80xi32, #tpu.memory_space<hbm>>
      %dma_wait3A_99 = tpu.memref_squeeze %dma_wait3A_98 : memref<1x80xi32, #tpu.memory_space<hbm>> -> memref<80xi32, #tpu.memory_space<hbm>>
      tpu.wait_dma2 semaphore(%run_scoped3A_75 : memref<!tpu.dma_semaphore, #tpu.memory_space<semaphore_mem>>) src(%dma_wait3A_99 : memref<80xi32, #tpu.memory_space<hbm>>) dst(%dma_wait3A_96 : memref<80xi32, #tpu.memory_space<vmem>>)
      tpu.yield
    }) : () -> ()
    %scan3A = arith.constant 0 : i32
    %scan3A_7 = arith.constant 0 : i32
    %scan3A_8 = arith.constant 5 : i32
    %scan3A_9 = arith.addi %scan3A_7, %scan3A_8 : i32
    %scan3A_10 = arith.constant 1 : i32
    scf.for %scan3A_75 = %scan3A_7 to %scan3A_9 step %scan3A_10  : i32 {
      %mul3A_76 = arith.constant 16 : i32
      %mul3A_77 = arith.muli %scan3A_75, %mul3A_76 : i32
      %get3A = arith.constant 0 : i32
      %get3A_78 = arith.index_cast %get3A : i32 to index
      %get3A_79 = arith.index_cast %mul3A_77 : i32 to index
      %get3A_80 = tpu.vector_load %arg7[%get3A_78, %get3A_79] {strides = array<i32>} : memref<2x80xi32, #tpu.memory_space<vmem>>, vector<1x16xi32>,
      %get3A_81 = vector.shape_cast %get3A_80 : vector<1x16xi32> to vector<16xi32>
      %shift_right_logical3A = arith.constant 14 : i32
      %shift_right_logical3A_82 = vector.broadcast %shift_right_logical3A : i32 to vector<16xi32>
      %shift_right_logical3A_83 = arith.shrui %get3A_81, %shift_right_logical3A_82 : vector<16xi32>
      %mul3A_84 = arith.constant 16 : i32
      %mul3A_85 = arith.muli %scan3A_75, %mul3A_84 : i32
      %swap3A = arith.constant 0 : i32
      %swap3A_86 = arith.index_cast %swap3A : i32 to index
      %swap3A_87 = arith.index_cast %mul3A_85 : i32 to index
      %swap3A_88 = tpu.vector_load %arg8[%swap3A_86, %swap3A_87] {strides = array<i32>} : memref<2x80xi32, #tpu.memory_space<vmem>>, vector<1x16xi32>,
      %swap3A_89 = vector.shape_cast %swap3A_88 : vector<1x16xi32> to vector<16xi32>
      %swap3A_90 = vector.shape_cast %shift_right_logical3A_83 : vector<16xi32> to vector<1x16xi32>
      tpu.vector_store %arg8[%swap3A_86, %swap3A_87], %swap3A_90 {strides = array<i32>} : memref<2x80xi32, #tpu.memory_space<vmem>>, vector<1x16xi32>,
      %and3A = arith.constant 16383 : i32
      %and3A_91 = vector.broadcast %and3A : i32 to vector<16xi32>
      %and3A_92 = arith.andi %get3A_81, %and3A_91 : vector<16xi32>
      %mul3A_93 = arith.constant 16 : i32
      %mul3A_94 = arith.muli %scan3A_75, %mul3A_93 : i32
      %swap3A_95 = arith.constant 0 : i32
      %swap3A_96 = arith.index_cast %swap3A_95 : i32 to index
      %swap3A_97 = arith.index_cast %mul3A_94 : i32 to index
      %swap3A_98 = tpu.vector_load %arg9[%swap3A_96, %swap3A_97] {strides = array<i32>} : memref<2x80xi32, #tpu.memory_space<vmem>>, vector<1x16xi32>,
      %swap3A_99 = vector.shape_cast %swap3A_98 : vector<1x16xi32> to vector<16xi32>
      %swap3A_100 = vector.shape_cast %and3A_92 : vector<16xi32> to vector<1x16xi32>
      tpu.vector_store %arg9[%swap3A_96, %swap3A_97], %swap3A_100 {strides = array<i32>} : memref<2x80xi32, #tpu.memory_space<vmem>>, vector<1x16xi32>,
    }
    %scan3A_11 = arith.constant 5 : i32
    %dma_start3A = arith.constant 0 : i32
    %dma_start3A_12 = arith.constant 0 : i32
    %dma_start3A_13 = arith.constant 0 : i32
    %dma_start3A_14 = arith.constant 0 : i32
    %dma_start3A_15 = tpu.memref_slice %arg10[%dma_start3A_12, %dma_start3A_13, %dma_start3A_14] : memref<2x80x144xf32, #tpu.memory_space<vmem>> -> memref<1x80x144xf32, #tpu.memory_space<vmem>>
    %dma_start3A_16 = tpu.memref_squeeze %dma_start3A_15 : memref<1x80x144xf32, #tpu.memory_space<vmem>> -> memref<80x144xf32, #tpu.memory_space<vmem>>
    %dma_start3A_17 = arith.constant 0 : i32
    %dma_start3A_18 = tpu.memref_slice %arg8[%dma_start3A, %dma_start3A_17] : memref<2x80xi32, #tpu.memory_space<vmem>> -> memref<1x80xi32, #tpu.memory_space<vmem>>
    %dma_start3A_19 = tpu.memref_squeeze %dma_start3A_18 : memref<1x80xi32, #tpu.memory_space<vmem>> -> memref<80xi32, #tpu.memory_space<vmem>>
    %dma_start3A_20 = arith.constant 0 : i32
    %dma_start3A_21 = arith.constant 0 : i32
    %dma_start3A_22 = tpu.memref_slice %arg2[%dma_start3A_20, %dma_start3A_21] : memref<10000x144xf32, #tpu.memory_space<hbm>> -> memref<10000x144xf32, #tpu.memory_space<hbm>>
    tpu.enqueue_indirect_dma source(%dma_start3A_22 : memref<10000x144xf32, #tpu.memory_space<hbm>>) target(%dma_start3A_16 : memref<80x144xf32, #tpu.memory_space<vmem>>) offsets(%dma_start3A_19 : memref<80xi32, #tpu.memory_space<vmem>>) semaphore(%arg13 : memref<!tpu.dma_semaphore, #tpu.memory_space<semaphore_mem>>)
    %dma_start3A_23 = arith.constant 0 : i32
    %dma_start3A_24 = arith.constant 0 : i32
    %dma_start3A_25 = arith.constant 0 : i32
    %dma_start3A_26 = arith.constant 0 : i32
    %dma_start3A_27 = tpu.memref_slice %arg11[%dma_start3A_24, %dma_start3A_25, %dma_start3A_26] : memref<2x80x16xf32, #tpu.memory_space<vmem>> -> memref<1x80x16xf32, #tpu.memory_space<vmem>>
    %dma_start3A_28 = tpu.memref_squeeze %dma_start3A_27 : memref<1x80x16xf32, #tpu.memory_space<vmem>> -> memref<80x16xf32, #tpu.memory_space<vmem>>
    %dma_start3A_29 = arith.constant 0 : i32
    %dma_start3A_30 = tpu.memref_slice %arg9[%dma_start3A_23, %dma_start3A_29] : memref<2x80xi32, #tpu.memory_space<vmem>> -> memref<1x80xi32, #tpu.memory_space<vmem>>
    %dma_start3A_31 = tpu.memref_squeeze %dma_start3A_30 : memref<1x80xi32, #tpu.memory_space<vmem>> -> memref<80xi32, #tpu.memory_space<vmem>>
    %dma_start3A_32 = arith.constant 0 : i32
    %dma_start3A_33 = arith.constant 0 : i32
    %dma_start3A_34 = tpu.memref_slice %arg3[%dma_start3A_32, %dma_start3A_33] : memref<10000x16xf32, #tpu.memory_space<hbm>> -> memref<10000x16xf32, #tpu.memory_space<hbm>>
    tpu.enqueue_indirect_dma source(%dma_start3A_34 : memref<10000x16xf32, #tpu.memory_space<hbm>>) target(%dma_start3A_28 : memref<80x16xf32, #tpu.memory_space<vmem>>) offsets(%dma_start3A_31 : memref<80xi32, #tpu.memory_space<vmem>>) semaphore(%arg13 : memref<!tpu.dma_semaphore, #tpu.memory_space<semaphore_mem>>)
    %add3A_35 = arith.constant 1 : i32
    %add3A_36 = arith.addi %mul3A_2, %add3A_35 : i32
    %dma_start3A_37 = arith.constant 1 : i32
    %dma_start3A_38 = arith.constant 0 : i32
    %dma_start3A_39 = tpu.memref_slice %arg7[%dma_start3A_37, %dma_start3A_38] : memref<2x80xi32, #tpu.memory_space<vmem>> -> memref<1x80xi32, #tpu.memory_space<vmem>>
    %dma_start3A_40 = tpu.memref_squeeze %dma_start3A_39 : memref<1x80xi32, #tpu.memory_space<vmem>> -> memref<80xi32, #tpu.memory_space<vmem>>
    %dma_start3A_41 = arith.constant 0 : i32
    %dma_start3A_42 = tpu.memref_slice %arg4[%add3A_36, %dma_start3A_41] : memref<4128x80xi32, #tpu.memory_space<hbm>> -> memref<1x80xi32, #tpu.memory_space<hbm>>
    %dma_start3A_43 = tpu.memref_squeeze %dma_start3A_42 : memref<1x80xi32, #tpu.memory_space<hbm>> -> memref<80xi32, #tpu.memory_space<hbm>>
    %dma_start3A_44 = arith.constant 0 : i32
    %dma_start3A_45 = tpu.memref_slice %arg7[%dma_start3A_37, %dma_start3A_44] : memref<2x80xi32, #tpu.memory_space<vmem>> -> memref<1x80xi32, #tpu.memory_space<vmem>>
    %dma_start3A_46 = tpu.memref_squeeze %dma_start3A_45 : memref<1x80xi32, #tpu.memory_space<vmem>> -> memref<80xi32, #tpu.memory_space<vmem>>
    %dma_start3A_47 = arith.constant 0 : i32
    %dma_start3A_48 = tpu.memref_slice %arg4[%add3A_36, %dma_start3A_47] : memref<4128x80xi32, #tpu.memory_space<hbm>> -> memref<1x80xi32, #tpu.memory_space<hbm>>
    %dma_start3A_49 = tpu.memref_squeeze %dma_start3A_48 : memref<1x80xi32, #tpu.memory_space<hbm>> -> memref<80xi32, #tpu.memory_space<hbm>>
    tpu.enqueue_dma source(%dma_start3A_49 : memref<80xi32, #tpu.memory_space<hbm>>) target(%dma_start3A_46 : memref<80xi32, #tpu.memory_space<vmem>>) target_semaphore(%arg15 : memref<!tpu.dma_semaphore, #tpu.memory_space<semaphore_mem>>)
    %scan3A_50 = arith.constant 0 : i32
    %scan3A_51 = arith.constant 0 : i32
    %scan3A_52 = arith.constant 129 : i32
    %scan3A_53 = arith.addi %scan3A_51, %scan3A_52 : i32
    %scan3A_54 = arith.constant 1 : i32
    scf.for %scan3A_75 = %scan3A_51 to %scan3A_53 step %scan3A_54  : i32 {
      %rem3A = arith.constant 2 : i32
      %rem3A_76 = arith.remsi %scan3A_75, %rem3A : i32
      %sub3A = arith.constant 1 : i32
      %sub3A_77 = arith.subi %sub3A, %rem3A_76 : i32
      %ge3A = arith.constant 1 : i32
      %ge3A_78 = arith.cmpi sge, %scan3A_75, %ge3A : i32
      %convert_element_type3A = arith.extui %ge3A_78 : i1 to i32
      %cond3A = arith.constant 0 : i32
      %cond3A_79 = arith.cmpi ne, %convert_element_type3A, %cond3A : i32
      scf.if %cond3A_79 {
        %dma_wait3A_124 = arith.constant 0 : i32
        %dma_wait3A_125 = arith.constant 0 : i32
        %dma_wait3A_126 = tpu.memref_slice %arg10[%sub3A_77, %dma_wait3A_124, %dma_wait3A_125] : memref<2x80x144xf32, #tpu.memory_space<vmem>> -> memref<1x80x144xf32, #tpu.memory_space<vmem>>
        %dma_wait3A_127 = tpu.memref_squeeze %dma_wait3A_126 : memref<1x80x144xf32, #tpu.memory_space<vmem>> -> memref<80x144xf32, #tpu.memory_space<vmem>>
        %dma_wait3A_128 = arith.constant 0 : i32
        %dma_wait3A_129 = arith.constant 0 : i32
        %dma_wait3A_130 = tpu.memref_slice %arg12[%dma_wait3A_128, %dma_wait3A_129] : memref<10112x144xf32, #tpu.memory_space<vmem_shared>> -> memref<80x144xf32, #tpu.memory_space<vmem_shared>>
        %dma_wait3A_131 = arith.constant 0 : i32
        %dma_wait3A_132 = arith.constant 0 : i32
        %dma_wait3A_133 = tpu.memref_slice %arg12[%dma_wait3A_131, %dma_wait3A_132] : memref<10112x144xf32, #tpu.memory_space<vmem_shared>> -> memref<80x144xf32, #tpu.memory_space<vmem_shared>>
        %dma_wait3A_134 = arith.constant 0 : i32
        %dma_wait3A_135 = arith.constant 0 : i32
        %dma_wait3A_136 = tpu.memref_slice %arg10[%sub3A_77, %dma_wait3A_134, %dma_wait3A_135] : memref<2x80x144xf32, #tpu.memory_space<vmem>> -> memref<1x80x144xf32, #tpu.memory_space<vmem>>
        %dma_wait3A_137 = tpu.memref_squeeze %dma_wait3A_136 : memref<1x80x144xf32, #tpu.memory_space<vmem>> -> memref<80x144xf32, #tpu.memory_space<vmem>>
        tpu.wait_dma2 semaphore(%arg14 : memref<!tpu.dma_semaphore, #tpu.memory_space<semaphore_mem>>) src(%dma_wait3A_137 : memref<80x144xf32, #tpu.memory_space<vmem>>) dst(%dma_wait3A_133 : memref<80x144xf32, #tpu.memory_space<vmem_shared>>)
      } else {
      }
      %lt3A = arith.constant 128 : i32
      %lt3A_80 = arith.cmpi slt, %scan3A_75, %lt3A : i32
      %convert_element_type3A_81 = arith.extui %lt3A_80 : i1 to i32
      %cond3A_82 = arith.constant 0 : i32
      %cond3A_83 = arith.cmpi ne, %convert_element_type3A_81, %cond3A_82 : i32
      scf.if %cond3A_83 {
        %dma_wait3A_124 = arith.constant 0 : i32
        %dma_wait3A_125 = tpu.memref_slice %arg7[%sub3A_77, %dma_wait3A_124] : memref<2x80xi32, #tpu.memory_space<vmem>> -> memref<1x80xi32, #tpu.memory_space<vmem>>
        %dma_wait3A_126 = tpu.memref_squeeze %dma_wait3A_125 : memref<1x80xi32, #tpu.memory_space<vmem>> -> memref<80xi32, #tpu.memory_space<vmem>>
        %dma_wait3A_127 = arith.constant 0 : i32
        %dma_wait3A_128 = tpu.memref_slice %arg4[%mul3A_2, %dma_wait3A_127] : memref<4128x80xi32, #tpu.memory_space<hbm>> -> memref<1x80xi32, #tpu.memory_space<hbm>>
        %dma_wait3A_129 = tpu.memref_squeeze %dma_wait3A_128 : memref<1x80xi32, #tpu.memory_space<hbm>> -> memref<80xi32, #tpu.memory_space<hbm>>
        %dma_wait3A_130 = arith.constant 0 : i32
        %dma_wait3A_131 = tpu.memref_slice %arg7[%sub3A_77, %dma_wait3A_130] : memref<2x80xi32, #tpu.memory_space<vmem>> -> memref<1x80xi32, #tpu.memory_space<vmem>>
        %dma_wait3A_132 = tpu.memref_squeeze %dma_wait3A_131 : memref<1x80xi32, #tpu.memory_space<vmem>> -> memref<80xi32, #tpu.memory_space<vmem>>
        %dma_wait3A_133 = arith.constant 0 : i32
        %dma_wait3A_134 = tpu.memref_slice %arg4[%mul3A_2, %dma_wait3A_133] : memref<4128x80xi32, #tpu.memory_space<hbm>> -> memref<1x80xi32, #tpu.memory_space<hbm>>
        %dma_wait3A_135 = tpu.memref_squeeze %dma_wait3A_134 : memref<1x80xi32, #tpu.memory_space<hbm>> -> memref<80xi32, #tpu.memory_space<hbm>>
        tpu.wait_dma2 semaphore(%arg15 : memref<!tpu.dma_semaphore, #tpu.memory_space<semaphore_mem>>) src(%dma_wait3A_135 : memref<80xi32, #tpu.memory_space<hbm>>) dst(%dma_wait3A_132 : memref<80xi32, #tpu.memory_space<vmem>>)
        %scan3A_136 = arith.constant 0 : i32
        %scan3A_137 = arith.constant 0 : i32
        %scan3A_138 = arith.constant 5 : i32
        %scan3A_139 = arith.addi %scan3A_137, %scan3A_138 : i32
        %scan3A_140 = arith.constant 1 : i32
        scf.for %scan3A_167 = %scan3A_137 to %scan3A_139 step %scan3A_140  : i32 {
          %mul3A_168 = arith.constant 16 : i32
          %mul3A_169 = arith.muli %scan3A_167, %mul3A_168 : i32
          %get3A = arith.index_cast %sub3A_77 : i32 to index
          %get3A_170 = arith.index_cast %mul3A_169 : i32 to index
          %get3A_171 = tpu.vector_load %arg7[%get3A, %get3A_170] {strides = array<i32>} : memref<2x80xi32, #tpu.memory_space<vmem>>, vector<1x16xi32>,
          %get3A_172 = vector.shape_cast %get3A_171 : vector<1x16xi32> to vector<16xi32>
          %shift_right_logical3A = arith.constant 14 : i32
          %shift_right_logical3A_173 = vector.broadcast %shift_right_logical3A : i32 to vector<16xi32>
          %shift_right_logical3A_174 = arith.shrui %get3A_172, %shift_right_logical3A_173 : vector<16xi32>
          %mul3A_175 = arith.constant 16 : i32
          %mul3A_176 = arith.muli %scan3A_167, %mul3A_175 : i32
          %swap3A = arith.index_cast %sub3A_77 : i32 to index
          %swap3A_177 = arith.index_cast %mul3A_176 : i32 to index
          %swap3A_178 = tpu.vector_load %arg8[%swap3A, %swap3A_177] {strides = array<i32>} : memref<2x80xi32, #tpu.memory_space<vmem>>, vector<1x16xi32>,
          %swap3A_179 = vector.shape_cast %swap3A_178 : vector<1x16xi32> to vector<16xi32>
          %swap3A_180 = vector.shape_cast %shift_right_logical3A_174 : vector<16xi32> to vector<1x16xi32>
          tpu.vector_store %arg8[%swap3A, %swap3A_177], %swap3A_180 {strides = array<i32>} : memref<2x80xi32, #tpu.memory_space<vmem>>, vector<1x16xi32>,
          %and3A = arith.constant 16383 : i32
          %and3A_181 = vector.broadcast %and3A : i32 to vector<16xi32>
          %and3A_182 = arith.andi %get3A_172, %and3A_181 : vector<16xi32>
          %mul3A_183 = arith.constant 16 : i32
          %mul3A_184 = arith.muli %scan3A_167, %mul3A_183 : i32
          %swap3A_185 = arith.index_cast %sub3A_77 : i32 to index
          %swap3A_186 = arith.index_cast %mul3A_184 : i32 to index
          %swap3A_187 = tpu.vector_load %arg9[%swap3A_185, %swap3A_186] {strides = array<i32>} : memref<2x80xi32, #tpu.memory_space<vmem>>, vector<1x16xi32>,
          %swap3A_188 = vector.shape_cast %swap3A_187 : vector<1x16xi32> to vector<16xi32>
          %swap3A_189 = vector.shape_cast %and3A_182 : vector<16xi32> to vector<1x16xi32>
          tpu.vector_store %arg9[%swap3A_185, %swap3A_186], %swap3A_189 {strides = array<i32>} : memref<2x80xi32, #tpu.memory_space<vmem>>, vector<1x16xi32>,
        }
        %scan3A_141 = arith.constant 5 : i32
        %dma_start3A_142 = arith.constant 0 : i32
        %dma_start3A_143 = arith.constant 0 : i32
        %dma_start3A_144 = tpu.memref_slice %arg10[%sub3A_77, %dma_start3A_142, %dma_start3A_143] : memref<2x80x144xf32, #tpu.memory_space<vmem>> -> memref<1x80x144xf32, #tpu.memory_space<vmem>>
        %dma_start3A_145 = tpu.memref_squeeze %dma_start3A_144 : memref<1x80x144xf32, #tpu.memory_space<vmem>> -> memref<80x144xf32, #tpu.memory_space<vmem>>
        %dma_start3A_146 = arith.constant 0 : i32
        %dma_start3A_147 = tpu.memref_slice %arg8[%sub3A_77, %dma_start3A_146] : memref<2x80xi32, #tpu.memory_space<vmem>> -> memref<1x80xi32, #tpu.memory_space<vmem>>
        %dma_start3A_148 = tpu.memref_squeeze %dma_start3A_147 : memref<1x80xi32, #tpu.memory_space<vmem>> -> memref<80xi32, #tpu.memory_space<vmem>>
        %dma_start3A_149 = arith.constant 0 : i32
        %dma_start3A_150 = arith.constant 0 : i32
        %dma_start3A_151 = tpu.memref_slice %arg2[%dma_start3A_149, %dma_start3A_150] : memref<10000x144xf32, #tpu.memory_space<hbm>> -> memref<10000x144xf32, #tpu.memory_space<hbm>>
        tpu.enqueue_indirect_dma source(%dma_start3A_151 : memref<10000x144xf32, #tpu.memory_space<hbm>>) target(%dma_start3A_145 : memref<80x144xf32, #tpu.memory_space<vmem>>) offsets(%dma_start3A_148 : memref<80xi32, #tpu.memory_space<vmem>>) semaphore(%arg13 : memref<!tpu.dma_semaphore, #tpu.memory_space<semaphore_mem>>)
        %dma_start3A_152 = arith.constant 0 : i32
        %dma_start3A_153 = arith.constant 0 : i32
        %dma_start3A_154 = tpu.memref_slice %arg11[%sub3A_77, %dma_start3A_152, %dma_start3A_153] : memref<2x80x16xf32, #tpu.memory_space<vmem>> -> memref<1x80x16xf32, #tpu.memory_space<vmem>>
        %dma_start3A_155 = tpu.memref_squeeze %dma_start3A_154 : memref<1x80x16xf32, #tpu.memory_space<vmem>> -> memref<80x16xf32, #tpu.memory_space<vmem>>
        %dma_start3A_156 = arith.constant 0 : i32
        %dma_start3A_157 = tpu.memref_slice %arg9[%sub3A_77, %dma_start3A_156] : memref<2x80xi32, #tpu.memory_space<vmem>> -> memref<1x80xi32, #tpu.memory_space<vmem>>
        %dma_start3A_158 = tpu.memref_squeeze %dma_start3A_157 : memref<1x80xi32, #tpu.memory_space<vmem>> -> memref<80xi32, #tpu.memory_space<vmem>>
        %dma_start3A_159 = arith.constant 0 : i32
        %dma_start3A_160 = arith.constant 0 : i32
        %dma_start3A_161 = tpu.memref_slice %arg3[%dma_start3A_159, %dma_start3A_160] : memref<10000x16xf32, #tpu.memory_space<hbm>> -> memref<10000x16xf32, #tpu.memory_space<hbm>>
        tpu.enqueue_indirect_dma source(%dma_start3A_161 : memref<10000x16xf32, #tpu.memory_space<hbm>>) target(%dma_start3A_155 : memref<80x16xf32, #tpu.memory_space<vmem>>) offsets(%dma_start3A_158 : memref<80xi32, #tpu.memory_space<vmem>>) semaphore(%arg13 : memref<!tpu.dma_semaphore, #tpu.memory_space<semaphore_mem>>)
        %lt3A_162 = arith.constant 127 : i32
        %lt3A_163 = arith.cmpi slt, %scan3A_75, %lt3A_162 : i32
        %convert_element_type3A_164 = arith.extui %lt3A_163 : i1 to i32
        %cond3A_165 = arith.constant 0 : i32
        %cond3A_166 = arith.cmpi ne, %convert_element_type3A_164, %cond3A_165 : i32
        scf.if %cond3A_166 {
          %add3A_167 = arith.addi %mul3A_2, %scan3A_75 : i32
          %add3A_168 = arith.constant 2 : i32
          %add3A_169 = arith.addi %add3A_167, %add3A_168 : i32
          %dma_start3A_170 = arith.constant 0 : i32
          %dma_start3A_171 = tpu.memref_slice %arg7[%rem3A_76, %dma_start3A_170] : memref<2x80xi32, #tpu.memory_space<vmem>> -> memref<1x80xi32, #tpu.memory_space<vmem>>
          %dma_start3A_172 = tpu.memref_squeeze %dma_start3A_171 : memref<1x80xi32, #tpu.memory_space<vmem>> -> memref<80xi32, #tpu.memory_space<vmem>>
          %dma_start3A_173 = arith.constant 0 : i32
          %dma_start3A_174 = tpu.memref_slice %arg4[%add3A_169, %dma_start3A_173] : memref<4128x80xi32, #tpu.memory_space<hbm>> -> memref<1x80xi32, #tpu.memory_space<hbm>>
          %dma_start3A_175 = tpu.memref_squeeze %dma_start3A_174 : memref<1x80xi32, #tpu.memory_space<hbm>> -> memref<80xi32, #tpu.memory_space<hbm>>
          %dma_start3A_176 = arith.constant 0 : i32
          %dma_start3A_177 = tpu.memref_slice %arg7[%rem3A_76, %dma_start3A_176] : memref<2x80xi32, #tpu.memory_space<vmem>> -> memref<1x80xi32, #tpu.memory_space<vmem>>
          %dma_start3A_178 = tpu.memref_squeeze %dma_start3A_177 : memref<1x80xi32, #tpu.memory_space<vmem>> -> memref<80xi32, #tpu.memory_space<vmem>>
          %dma_start3A_179 = arith.constant 0 : i32
          %dma_start3A_180 = tpu.memref_slice %arg4[%add3A_169, %dma_start3A_179] : memref<4128x80xi32, #tpu.memory_space<hbm>> -> memref<1x80xi32, #tpu.memory_space<hbm>>
          %dma_start3A_181 = tpu.memref_squeeze %dma_start3A_180 : memref<1x80xi32, #tpu.memory_space<hbm>> -> memref<80xi32, #tpu.memory_space<hbm>>
          tpu.enqueue_dma source(%dma_start3A_181 : memref<80xi32, #tpu.memory_space<hbm>>) target(%dma_start3A_178 : memref<80xi32, #tpu.memory_space<vmem>>) target_semaphore(%arg15 : memref<!tpu.dma_semaphore, #tpu.memory_space<semaphore_mem>>)
        } else {
        }
      } else {
      }
      %dma_wait3A_84 = arith.constant 0 : i32
      %dma_wait3A_85 = arith.constant 0 : i32
      %dma_wait3A_86 = tpu.memref_slice %arg10[%rem3A_76, %dma_wait3A_84, %dma_wait3A_85] : memref<2x80x144xf32, #tpu.memory_space<vmem>> -> memref<1x80x144xf32, #tpu.memory_space<vmem>>
      %dma_wait3A_87 = tpu.memref_squeeze %dma_wait3A_86 : memref<1x80x144xf32, #tpu.memory_space<vmem>> -> memref<80x144xf32, #tpu.memory_space<vmem>>
      %dma_wait3A_88 = arith.constant 0 : i32
      %dma_wait3A_89 = arith.constant 0 : i32
      %dma_wait3A_90 = tpu.memref_slice %arg2[%dma_wait3A_88, %dma_wait3A_89] : memref<10000x144xf32, #tpu.memory_space<hbm>> -> memref<80x144xf32, #tpu.memory_space<hbm>>
      %dma_wait3A_91 = arith.constant 0 : i32
      %dma_wait3A_92 = arith.constant 0 : i32
      %dma_wait3A_93 = tpu.memref_slice %arg10[%rem3A_76, %dma_wait3A_91, %dma_wait3A_92] : memref<2x80x144xf32, #tpu.memory_space<vmem>> -> memref<1x80x144xf32, #tpu.memory_space<vmem>>
      %dma_wait3A_94 = tpu.memref_squeeze %dma_wait3A_93 : memref<1x80x144xf32, #tpu.memory_space<vmem>> -> memref<80x144xf32, #tpu.memory_space<vmem>>
      %dma_wait3A_95 = arith.constant 0 : i32
      %dma_wait3A_96 = arith.constant 0 : i32
      %dma_wait3A_97 = tpu.memref_slice %arg2[%dma_wait3A_95, %dma_wait3A_96] : memref<10000x144xf32, #tpu.memory_space<hbm>> -> memref<80x144xf32, #tpu.memory_space<hbm>>
      tpu.wait_dma2 semaphore(%arg13 : memref<!tpu.dma_semaphore, #tpu.memory_space<semaphore_mem>>) src(%dma_wait3A_97 : memref<80x144xf32, #tpu.memory_space<hbm>>) dst(%dma_wait3A_94 : memref<80x144xf32, #tpu.memory_space<vmem>>)
      %dma_wait3A_98 = arith.constant 0 : i32
      %dma_wait3A_99 = arith.constant 0 : i32
      %dma_wait3A_100 = tpu.memref_slice %arg11[%rem3A_76, %dma_wait3A_98, %dma_wait3A_99] : memref<2x80x16xf32, #tpu.memory_space<vmem>> -> memref<1x80x16xf32, #tpu.memory_space<vmem>>
      %dma_wait3A_101 = tpu.memref_squeeze %dma_wait3A_100 : memref<1x80x16xf32, #tpu.memory_space<vmem>> -> memref<80x16xf32, #tpu.memory_space<vmem>>
      %dma_wait3A_102 = arith.constant 0 : i32
      %dma_wait3A_103 = arith.constant 0 : i32
      %dma_wait3A_104 = tpu.memref_slice %arg3[%dma_wait3A_102, %dma_wait3A_103] : memref<10000x16xf32, #tpu.memory_space<hbm>> -> memref<80x16xf32, #tpu.memory_space<hbm>>
      %dma_wait3A_105 = arith.constant 0 : i32
      %dma_wait3A_106 = arith.constant 0 : i32
      %dma_wait3A_107 = tpu.memref_slice %arg11[%rem3A_76, %dma_wait3A_105, %dma_wait3A_106] : memref<2x80x16xf32, #tpu.memory_space<vmem>> -> memref<1x80x16xf32, #tpu.memory_space<vmem>>
      %dma_wait3A_108 = tpu.memref_squeeze %dma_wait3A_107 : memref<1x80x16xf32, #tpu.memory_space<vmem>> -> memref<80x16xf32, #tpu.memory_space<vmem>>
      %dma_wait3A_109 = arith.constant 0 : i32
      %dma_wait3A_110 = arith.constant 0 : i32
      %dma_wait3A_111 = tpu.memref_slice %arg3[%dma_wait3A_109, %dma_wait3A_110] : memref<10000x16xf32, #tpu.memory_space<hbm>> -> memref<80x16xf32, #tpu.memory_space<hbm>>
      tpu.wait_dma2 semaphore(%arg13 : memref<!tpu.dma_semaphore, #tpu.memory_space<semaphore_mem>>) src(%dma_wait3A_111 : memref<80x16xf32, #tpu.memory_space<hbm>>) dst(%dma_wait3A_108 : memref<80x16xf32, #tpu.memory_space<vmem>>)
      %parallel_loop3A = arith.constant 0 : i32
      %parallel_loop3A_112 = arith.constant 80 : i32
      %parallel_loop3A_113 = arith.constant 1 : i32
      scf.for %parallel_loop3A_124 = %parallel_loop3A to %parallel_loop3A_112 step %parallel_loop3A_113  : i32 {
        %parallel_loop3A_125 = arith.index_cast %rem3A_76 : i32 to index
        %parallel_loop3A_126 = arith.index_cast %parallel_loop3A_124 : i32 to index
        %parallel_loop3A_127 = arith.constant 128 : index
        %parallel_loop3A_128 = tpu.vector_load %arg10[%parallel_loop3A_125, %parallel_loop3A_126, %parallel_loop3A_127] {strides = array<i32>} : memref<2x80x144xf32, #tpu.memory_space<vmem>>, vector<1x1x16xf32>,
        %parallel_loop3A_129 = vector.shape_cast %parallel_loop3A_128 : vector<1x1x16xf32> to vector<16xf32>
        %parallel_loop3A_130 = arith.index_cast %rem3A_76 : i32 to index
        %parallel_loop3A_131 = arith.index_cast %parallel_loop3A_124 : i32 to index
        %parallel_loop3A_132 = arith.constant 0 : index
        %parallel_loop3A_133 = tpu.vector_load %arg11[%parallel_loop3A_130, %parallel_loop3A_131, %parallel_loop3A_132] {strides = array<i32>} : memref<2x80x16xf32, #tpu.memory_space<vmem>>, vector<1x1x16xf32>,
        %parallel_loop3A_134 = vector.shape_cast %parallel_loop3A_133 : vector<1x1x16xf32> to vector<16xf32>
        %parallel_loop3A_135 = arith.addf %parallel_loop3A_129, %parallel_loop3A_134 : vector<16xf32>
        %parallel_loop3A_136 = arith.constant 2.000000e-01 : f32
        %parallel_loop3A_137 = vector.broadcast %parallel_loop3A_136 : f32 to vector<16xf32>
        %parallel_loop3A_138 = arith.mulf %parallel_loop3A_137, %parallel_loop3A_135 : vector<16xf32>
        %parallel_loop3A_139 = arith.maximumf %parallel_loop3A_135, %parallel_loop3A_138 : vector<16xf32>
        %parallel_loop3A_140 = math.exp %parallel_loop3A_139 : vector<16xf32>
        %parallel_loop3A_141 = arith.index_cast %rem3A_76 : i32 to index
        %parallel_loop3A_142 = arith.index_cast %parallel_loop3A_124 : i32 to index
        %parallel_loop3A_143 = arith.constant 128 : index
        %parallel_loop3A_144 = tpu.vector_load %arg10[%parallel_loop3A_141, %parallel_loop3A_142, %parallel_loop3A_143] {strides = array<i32>} : memref<2x80x144xf32, #tpu.memory_space<vmem>>, vector<1x1x16xf32>,
        %parallel_loop3A_145 = vector.shape_cast %parallel_loop3A_144 : vector<1x1x16xf32> to vector<16xf32>
        %parallel_loop3A_146 = vector.shape_cast %parallel_loop3A_140 : vector<16xf32> to vector<1x1x16xf32>
        tpu.vector_store %arg10[%parallel_loop3A_141, %parallel_loop3A_142, %parallel_loop3A_143], %parallel_loop3A_146 {strides = array<i32>} : memref<2x80x144xf32, #tpu.memory_space<vmem>>, vector<1x1x16xf32>,
        %parallel_loop3A_147 = arith.index_cast %rem3A_76 : i32 to index
        %parallel_loop3A_148 = arith.index_cast %parallel_loop3A_124 : i32 to index
        %parallel_loop3A_149 = arith.constant 0 : index
        %parallel_loop3A_150 = tpu.vector_load %arg10[%parallel_loop3A_147, %parallel_loop3A_148, %parallel_loop3A_149] {strides = array<i32>} : memref<2x80x144xf32, #tpu.memory_space<vmem>>, vector<1x1x16xf32>,
        %parallel_loop3A_151 = vector.shape_cast %parallel_loop3A_150 : vector<1x1x16xf32> to vector<16xf32>
        %parallel_loop3A_152 = vector.extract_strided_slice %parallel_loop3A_140 {offsets = [0], sizes = [1], strides = [1]} : vector<16xf32> to vector<1xf32>
        %parallel_loop3A_153 = vector.extract %parallel_loop3A_152[0] : f32 from vector<1xf32>
        %parallel_loop3A_154 = vector.broadcast %parallel_loop3A_153 : f32 to vector<16xf32>
        %parallel_loop3A_155 = arith.mulf %parallel_loop3A_151, %parallel_loop3A_154 : vector<16xf32>
        %parallel_loop3A_156 = arith.index_cast %rem3A_76 : i32 to index
        %parallel_loop3A_157 = arith.index_cast %parallel_loop3A_124 : i32 to index
        %parallel_loop3A_158 = arith.constant 0 : index
        %parallel_loop3A_159 = tpu.vector_load %arg10[%parallel_loop3A_156, %parallel_loop3A_157, %parallel_loop3A_158] {strides = array<i32>} : memref<2x80x144xf32, #tpu.memory_space<vmem>>, vector<1x1x16xf32>,
        %parallel_loop3A_160 = vector.shape_cast %parallel_loop3A_159 : vector<1x1x16xf32> to vector<16xf32>
        %parallel_loop3A_161 = vector.shape_cast %parallel_loop3A_155 : vector<16xf32> to vector<1x1x16xf32>
        tpu.vector_store %arg10[%parallel_loop3A_156, %parallel_loop3A_157, %parallel_loop3A_158], %parallel_loop3A_161 {strides = array<i32>} : memref<2x80x144xf32, #tpu.memory_space<vmem>>, vector<1x1x16xf32>,
        %parallel_loop3A_162 = arith.index_cast %rem3A_76 : i32 to index
        %parallel_loop3A_163 = arith.index_cast %parallel_loop3A_124 : i32 to index
        %parallel_loop3A_164 = arith.constant 16 : index
        %parallel_loop3A_165 = tpu.vector_load %arg10[%parallel_loop3A_162, %parallel_loop3A_163, %parallel_loop3A_164] {strides = array<i32>} : memref<2x80x144xf32, #tpu.memory_space<vmem>>, vector<1x1x16xf32>,
        %parallel_loop3A_166 = vector.shape_cast %parallel_loop3A_165 : vector<1x1x16xf32> to vector<16xf32>
        %parallel_loop3A_167 = vector.extract_strided_slice %parallel_loop3A_140 {offsets = [1], sizes = [1], strides = [1]} : vector<16xf32> to vector<1xf32>
        %parallel_loop3A_168 = vector.extract %parallel_loop3A_167[0] : f32 from vector<1xf32>
        %parallel_loop3A_169 = vector.broadcast %parallel_loop3A_168 : f32 to vector<16xf32>
        %parallel_loop3A_170 = arith.mulf %parallel_loop3A_166, %parallel_loop3A_169 : vector<16xf32>
        %parallel_loop3A_171 = arith.index_cast %rem3A_76 : i32 to index
        %parallel_loop3A_172 = arith.index_cast %parallel_loop3A_124 : i32 to index
        %parallel_loop3A_173 = arith.constant 16 : index
        %parallel_loop3A_174 = tpu.vector_load %arg10[%parallel_loop3A_171, %parallel_loop3A_172, %parallel_loop3A_173] {strides = array<i32>} : memref<2x80x144xf32, #tpu.memory_space<vmem>>, vector<1x1x16xf32>,
        %parallel_loop3A_175 = vector.shape_cast %parallel_loop3A_174 : vector<1x1x16xf32> to vector<16xf32>
        %parallel_loop3A_176 = vector.shape_cast %parallel_loop3A_170 : vector<16xf32> to vector<1x1x16xf32>
        tpu.vector_store %arg10[%parallel_loop3A_171, %parallel_loop3A_172, %parallel_loop3A_173], %parallel_loop3A_176 {strides = array<i32>} : memref<2x80x144xf32, #tpu.memory_space<vmem>>, vector<1x1x16xf32>,
        %parallel_loop3A_177 = arith.index_cast %rem3A_76 : i32 to index
        %parallel_loop3A_178 = arith.index_cast %parallel_loop3A_124 : i32 to index
        %parallel_loop3A_179 = arith.constant 32 : index
        %parallel_loop3A_180 = tpu.vector_load %arg10[%parallel_loop3A_177, %parallel_loop3A_178, %parallel_loop3A_179] {strides = array<i32>} : memref<2x80x144xf32, #tpu.memory_space<vmem>>, vector<1x1x16xf32>,
        %parallel_loop3A_181 = vector.shape_cast %parallel_loop3A_180 : vector<1x1x16xf32> to vector<16xf32>
        %parallel_loop3A_182 = vector.extract_strided_slice %parallel_loop3A_140 {offsets = [2], sizes = [1], strides = [1]} : vector<16xf32> to vector<1xf32>
        %parallel_loop3A_183 = vector.extract %parallel_loop3A_182[0] : f32 from vector<1xf32>
        %parallel_loop3A_184 = vector.broadcast %parallel_loop3A_183 : f32 to vector<16xf32>
        %parallel_loop3A_185 = arith.mulf %parallel_loop3A_181, %parallel_loop3A_184 : vector<16xf32>
        %parallel_loop3A_186 = arith.index_cast %rem3A_76 : i32 to index
        %parallel_loop3A_187 = arith.index_cast %parallel_loop3A_124 : i32 to index
        %parallel_loop3A_188 = arith.constant 32 : index
        %parallel_loop3A_189 = tpu.vector_load %arg10[%parallel_loop3A_186, %parallel_loop3A_187, %parallel_loop3A_188] {strides = array<i32>} : memref<2x80x144xf32, #tpu.memory_space<vmem>>, vector<1x1x16xf32>,
        %parallel_loop3A_190 = vector.shape_cast %parallel_loop3A_189 : vector<1x1x16xf32> to vector<16xf32>
        %parallel_loop3A_191 = vector.shape_cast %parallel_loop3A_185 : vector<16xf32> to vector<1x1x16xf32>
        tpu.vector_store %arg10[%parallel_loop3A_186, %parallel_loop3A_187, %parallel_loop3A_188], %parallel_loop3A_191 {strides = array<i32>} : memref<2x80x144xf32, #tpu.memory_space<vmem>>, vector<1x1x16xf32>,
        %parallel_loop3A_192 = arith.index_cast %rem3A_76 : i32 to index
        %parallel_loop3A_193 = arith.index_cast %parallel_loop3A_124 : i32 to index
        %parallel_loop3A_194 = arith.constant 48 : index
        %parallel_loop3A_195 = tpu.vector_load %arg10[%parallel_loop3A_192, %parallel_loop3A_193, %parallel_loop3A_194] {strides = array<i32>} : memref<2x80x144xf32, #tpu.memory_space<vmem>>, vector<1x1x16xf32>,
        %parallel_loop3A_196 = vector.shape_cast %parallel_loop3A_195 : vector<1x1x16xf32> to vector<16xf32>
        %parallel_loop3A_197 = vector.extract_strided_slice %parallel_loop3A_140 {offsets = [3], sizes = [1], strides = [1]} : vector<16xf32> to vector<1xf32>
        %parallel_loop3A_198 = vector.extract %parallel_loop3A_197[0] : f32 from vector<1xf32>
        %parallel_loop3A_199 = vector.broadcast %parallel_loop3A_198 : f32 to vector<16xf32>
        %parallel_loop3A_200 = arith.mulf %parallel_loop3A_196, %parallel_loop3A_199 : vector<16xf32>
        %parallel_loop3A_201 = arith.index_cast %rem3A_76 : i32 to index
        %parallel_loop3A_202 = arith.index_cast %parallel_loop3A_124 : i32 to index
        %parallel_loop3A_203 = arith.constant 48 : index
        %parallel_loop3A_204 = tpu.vector_load %arg10[%parallel_loop3A_201, %parallel_loop3A_202, %parallel_loop3A_203] {strides = array<i32>} : memref<2x80x144xf32, #tpu.memory_space<vmem>>, vector<1x1x16xf32>,
        %parallel_loop3A_205 = vector.shape_cast %parallel_loop3A_204 : vector<1x1x16xf32> to vector<16xf32>
        %parallel_loop3A_206 = vector.shape_cast %parallel_loop3A_200 : vector<16xf32> to vector<1x1x16xf32>
        tpu.vector_store %arg10[%parallel_loop3A_201, %parallel_loop3A_202, %parallel_loop3A_203], %parallel_loop3A_206 {strides = array<i32>} : memref<2x80x144xf32, #tpu.memory_space<vmem>>, vector<1x1x16xf32>,
        %parallel_loop3A_207 = arith.index_cast %rem3A_76 : i32 to index
        %parallel_loop3A_208 = arith.index_cast %parallel_loop3A_124 : i32 to index
        %parallel_loop3A_209 = arith.constant 64 : index
        %parallel_loop3A_210 = tpu.vector_load %arg10[%parallel_loop3A_207, %parallel_loop3A_208, %parallel_loop3A_209] {strides = array<i32>} : memref<2x80x144xf32, #tpu.memory_space<vmem>>, vector<1x1x16xf32>,
        %parallel_loop3A_211 = vector.shape_cast %parallel_loop3A_210 : vector<1x1x16xf32> to vector<16xf32>
        %parallel_loop3A_212 = vector.extract_strided_slice %parallel_loop3A_140 {offsets = [4], sizes = [1], strides = [1]} : vector<16xf32> to vector<1xf32>
        %parallel_loop3A_213 = vector.extract %parallel_loop3A_212[0] : f32 from vector<1xf32>
        %parallel_loop3A_214 = vector.broadcast %parallel_loop3A_213 : f32 to vector<16xf32>
        %parallel_loop3A_215 = arith.mulf %parallel_loop3A_211, %parallel_loop3A_214 : vector<16xf32>
        %parallel_loop3A_216 = arith.index_cast %rem3A_76 : i32 to index
        %parallel_loop3A_217 = arith.index_cast %parallel_loop3A_124 : i32 to index
        %parallel_loop3A_218 = arith.constant 64 : index
        %parallel_loop3A_219 = tpu.vector_load %arg10[%parallel_loop3A_216, %parallel_loop3A_217, %parallel_loop3A_218] {strides = array<i32>} : memref<2x80x144xf32, #tpu.memory_space<vmem>>, vector<1x1x16xf32>,
        %parallel_loop3A_220 = vector.shape_cast %parallel_loop3A_219 : vector<1x1x16xf32> to vector<16xf32>
        %parallel_loop3A_221 = vector.shape_cast %parallel_loop3A_215 : vector<16xf32> to vector<1x1x16xf32>
        tpu.vector_store %arg10[%parallel_loop3A_216, %parallel_loop3A_217, %parallel_loop3A_218], %parallel_loop3A_221 {strides = array<i32>} : memref<2x80x144xf32, #tpu.memory_space<vmem>>, vector<1x1x16xf32>,
        %parallel_loop3A_222 = arith.index_cast %rem3A_76 : i32 to index
        %parallel_loop3A_223 = arith.index_cast %parallel_loop3A_124 : i32 to index
        %parallel_loop3A_224 = arith.constant 80 : index
        %parallel_loop3A_225 = tpu.vector_load %arg10[%parallel_loop3A_222, %parallel_loop3A_223, %parallel_loop3A_224] {strides = array<i32>} : memref<2x80x144xf32, #tpu.memory_space<vmem>>, vector<1x1x16xf32>,
        %parallel_loop3A_226 = vector.shape_cast %parallel_loop3A_225 : vector<1x1x16xf32> to vector<16xf32>
        %parallel_loop3A_227 = vector.extract_strided_slice %parallel_loop3A_140 {offsets = [5], sizes = [1], strides = [1]} : vector<16xf32> to vector<1xf32>
        %parallel_loop3A_228 = vector.extract %parallel_loop3A_227[0] : f32 from vector<1xf32>
        %parallel_loop3A_229 = vector.broadcast %parallel_loop3A_228 : f32 to vector<16xf32>
        %parallel_loop3A_230 = arith.mulf %parallel_loop3A_226, %parallel_loop3A_229 : vector<16xf32>
        %parallel_loop3A_231 = arith.index_cast %rem3A_76 : i32 to index
        %parallel_loop3A_232 = arith.index_cast %parallel_loop3A_124 : i32 to index
        %parallel_loop3A_233 = arith.constant 80 : index
        %parallel_loop3A_234 = tpu.vector_load %arg10[%parallel_loop3A_231, %parallel_loop3A_232, %parallel_loop3A_233] {strides = array<i32>} : memref<2x80x144xf32, #tpu.memory_space<vmem>>, vector<1x1x16xf32>,
        %parallel_loop3A_235 = vector.shape_cast %parallel_loop3A_234 : vector<1x1x16xf32> to vector<16xf32>
        %parallel_loop3A_236 = vector.shape_cast %parallel_loop3A_230 : vector<16xf32> to vector<1x1x16xf32>
        tpu.vector_store %arg10[%parallel_loop3A_231, %parallel_loop3A_232, %parallel_loop3A_233], %parallel_loop3A_236 {strides = array<i32>} : memref<2x80x144xf32, #tpu.memory_space<vmem>>, vector<1x1x16xf32>,
        %parallel_loop3A_237 = arith.index_cast %rem3A_76 : i32 to index
        %parallel_loop3A_238 = arith.index_cast %parallel_loop3A_124 : i32 to index
        %parallel_loop3A_239 = arith.constant 96 : index
        %parallel_loop3A_240 = tpu.vector_load %arg10[%parallel_loop3A_237, %parallel_loop3A_238, %parallel_loop3A_239] {strides = array<i32>} : memref<2x80x144xf32, #tpu.memory_space<vmem>>, vector<1x1x16xf32>,
        %parallel_loop3A_241 = vector.shape_cast %parallel_loop3A_240 : vector<1x1x16xf32> to vector<16xf32>
        %parallel_loop3A_242 = vector.extract_strided_slice %parallel_loop3A_140 {offsets = [6], sizes = [1], strides = [1]} : vector<16xf32> to vector<1xf32>
        %parallel_loop3A_243 = vector.extract %parallel_loop3A_242[0] : f32 from vector<1xf32>
        %parallel_loop3A_244 = vector.broadcast %parallel_loop3A_243 : f32 to vector<16xf32>
        %parallel_loop3A_245 = arith.mulf %parallel_loop3A_241, %parallel_loop3A_244 : vector<16xf32>
        %parallel_loop3A_246 = arith.index_cast %rem3A_76 : i32 to index
        %parallel_loop3A_247 = arith.index_cast %parallel_loop3A_124 : i32 to index
        %parallel_loop3A_248 = arith.constant 96 : index
        %parallel_loop3A_249 = tpu.vector_load %arg10[%parallel_loop3A_246, %parallel_loop3A_247, %parallel_loop3A_248] {strides = array<i32>} : memref<2x80x144xf32, #tpu.memory_space<vmem>>, vector<1x1x16xf32>,
        %parallel_loop3A_250 = vector.shape_cast %parallel_loop3A_249 : vector<1x1x16xf32> to vector<16xf32>
        %parallel_loop3A_251 = vector.shape_cast %parallel_loop3A_245 : vector<16xf32> to vector<1x1x16xf32>
        tpu.vector_store %arg10[%parallel_loop3A_246, %parallel_loop3A_247, %parallel_loop3A_248], %parallel_loop3A_251 {strides = array<i32>} : memref<2x80x144xf32, #tpu.memory_space<vmem>>, vector<1x1x16xf32>,
        %parallel_loop3A_252 = arith.index_cast %rem3A_76 : i32 to index
        %parallel_loop3A_253 = arith.index_cast %parallel_loop3A_124 : i32 to index
        %parallel_loop3A_254 = arith.constant 112 : index
        %parallel_loop3A_255 = tpu.vector_load %arg10[%parallel_loop3A_252, %parallel_loop3A_253, %parallel_loop3A_254] {strides = array<i32>} : memref<2x80x144xf32, #tpu.memory_space<vmem>>, vector<1x1x16xf32>,
        %parallel_loop3A_256 = vector.shape_cast %parallel_loop3A_255 : vector<1x1x16xf32> to vector<16xf32>
        %parallel_loop3A_257 = vector.extract_strided_slice %parallel_loop3A_140 {offsets = [7], sizes = [1], strides = [1]} : vector<16xf32> to vector<1xf32>
        %parallel_loop3A_258 = vector.extract %parallel_loop3A_257[0] : f32 from vector<1xf32>
        %parallel_loop3A_259 = vector.broadcast %parallel_loop3A_258 : f32 to vector<16xf32>
        %parallel_loop3A_260 = arith.mulf %parallel_loop3A_256, %parallel_loop3A_259 : vector<16xf32>
        %parallel_loop3A_261 = arith.index_cast %rem3A_76 : i32 to index
        %parallel_loop3A_262 = arith.index_cast %parallel_loop3A_124 : i32 to index
        %parallel_loop3A_263 = arith.constant 112 : index
        %parallel_loop3A_264 = tpu.vector_load %arg10[%parallel_loop3A_261, %parallel_loop3A_262, %parallel_loop3A_263] {strides = array<i32>} : memref<2x80x144xf32, #tpu.memory_space<vmem>>, vector<1x1x16xf32>,
        %parallel_loop3A_265 = vector.shape_cast %parallel_loop3A_264 : vector<1x1x16xf32> to vector<16xf32>
        %parallel_loop3A_266 = vector.shape_cast %parallel_loop3A_260 : vector<16xf32> to vector<1x1x16xf32>
        tpu.vector_store %arg10[%parallel_loop3A_261, %parallel_loop3A_262, %parallel_loop3A_263], %parallel_loop3A_266 {strides = array<i32>} : memref<2x80x144xf32, #tpu.memory_space<vmem>>, vector<1x1x16xf32>,
      } {sc.loop_unroll_factor = 16 : i64, sc.parallel_access}
      %dma_start3A_114 = arith.constant 0 : i32
      %dma_start3A_115 = arith.constant 0 : i32
      %dma_start3A_116 = tpu.memref_slice %arg10[%rem3A_76, %dma_start3A_114, %dma_start3A_115] : memref<2x80x144xf32, #tpu.memory_space<vmem>> -> memref<1x80x144xf32, #tpu.memory_space<vmem>>
      %dma_start3A_117 = tpu.memref_squeeze %dma_start3A_116 : memref<1x80x144xf32, #tpu.memory_space<vmem>> -> memref<80x144xf32, #tpu.memory_space<vmem>>
      %dma_start3A_118 = arith.constant 0 : i32
      %dma_start3A_119 = tpu.memref_slice %arg9[%rem3A_76, %dma_start3A_118] : memref<2x80xi32, #tpu.memory_space<vmem>> -> memref<1x80xi32, #tpu.memory_space<vmem>>
      %dma_start3A_120 = tpu.memref_squeeze %dma_start3A_119 : memref<1x80xi32, #tpu.memory_space<vmem>> -> memref<80xi32, #tpu.memory_space<vmem>>
      %dma_start3A_121 = arith.constant 0 : i32
      %dma_start3A_122 = arith.constant 0 : i32
      %dma_start3A_123 = tpu.memref_slice %arg12[%dma_start3A_121, %dma_start3A_122] : memref<10112x144xf32, #tpu.memory_space<vmem_shared>> -> memref<10112x144xf32, #tpu.memory_space<vmem_shared>>
      tpu.enqueue_indirect_dma source(%dma_start3A_117 : memref<80x144xf32, #tpu.memory_space<vmem>>) target(%dma_start3A_123 : memref<10112x144xf32, #tpu.memory_space<vmem_shared>>) offsets(%dma_start3A_120 : memref<80xi32, #tpu.memory_space<vmem>>) semaphore(%arg14 : memref<!tpu.dma_semaphore, #tpu.memory_space<semaphore_mem>>) {add = true}
    }
    %scan3A_55 = arith.constant 129 : i32
    %dma_wait3A = arith.constant 0 : i32
    %dma_wait3A_56 = arith.constant 0 : i32
    %dma_wait3A_57 = arith.constant 0 : i32
    %dma_wait3A_58 = tpu.memref_slice %arg10[%dma_wait3A, %dma_wait3A_56, %dma_wait3A_57] : memref<2x80x144xf32, #tpu.memory_space<vmem>> -> memref<1x80x144xf32, #tpu.memory_space<vmem>>
    %dma_wait3A_59 = tpu.memref_squeeze %dma_wait3A_58 : memref<1x80x144xf32, #tpu.memory_space<vmem>> -> memref<80x144xf32, #tpu.memory_space<vmem>>
    %dma_wait3A_60 = arith.constant 0 : i32
    %dma_wait3A_61 = arith.constant 0 : i32
    %dma_wait3A_62 = tpu.memref_slice %arg12[%dma_wait3A_60, %dma_wait3A_61] : memref<10112x144xf32, #tpu.memory_space<vmem_shared>> -> memref<80x144xf32, #tpu.memory_space<vmem_shared>>
    %dma_wait3A_63 = arith.constant 0 : i32
    %dma_wait3A_64 = arith.constant 0 : i32
    %dma_wait3A_65 = tpu.memref_slice %arg12[%dma_wait3A_63, %dma_wait3A_64] : memref<10112x144xf32, #tpu.memory_space<vmem_shared>> -> memref<80x144xf32, #tpu.memory_space<vmem_shared>>
    %dma_wait3A_66 = arith.constant 0 : i32
    %dma_wait3A_67 = arith.constant 0 : i32
    %dma_wait3A_68 = tpu.memref_slice %arg10[%dma_wait3A, %dma_wait3A_66, %dma_wait3A_67] : memref<2x80x144xf32, #tpu.memory_space<vmem>> -> memref<1x80x144xf32, #tpu.memory_space<vmem>>
    %dma_wait3A_69 = tpu.memref_squeeze %dma_wait3A_68 : memref<1x80x144xf32, #tpu.memory_space<vmem>> -> memref<80x144xf32, #tpu.memory_space<vmem>>
    tpu.wait_dma2 semaphore(%arg14 : memref<!tpu.dma_semaphore, #tpu.memory_space<semaphore_mem>>) src(%dma_wait3A_69 : memref<80x144xf32, #tpu.memory_space<vmem>>) dst(%dma_wait3A_65 : memref<80x144xf32, #tpu.memory_space<vmem_shared>>)
    %barrier3A_70 = arith.constant 0 : index
    tpu.barrier barrier_id(%barrier3A_70)
    %mul3A_71 = arith.constant 632 : i32
    %mul3A_72 = arith.muli %arg1, %mul3A_71 : i32
    %mul3A_73 = arith.constant 632 : i32
    %mul3A_74 = arith.muli %arg1, %mul3A_73 : i32
    "tpu.region"() ({
      %run_scoped3A_75 = tpu.sem_alloc : memref<!tpu.dma_semaphore, #tpu.memory_space<semaphore_mem>>
      %dma_start3A_76 = arith.constant 0 : i32
      %dma_start3A_77 = tpu.memref_slice %arg6[%arg0, %mul3A_74, %dma_start3A_76] : memref<2x10112x144xf32, #tpu.memory_space<hbm>> -> memref<1x632x144xf32, #tpu.memory_space<hbm>>
      %dma_start3A_78 = tpu.memref_squeeze %dma_start3A_77 : memref<1x632x144xf32, #tpu.memory_space<hbm>> -> memref<632x144xf32, #tpu.memory_space<hbm>>
      %dma_start3A_79 = arith.constant 0 : i32
      %dma_start3A_80 = tpu.memref_slice %arg12[%mul3A_72, %dma_start3A_79] : memref<10112x144xf32, #tpu.memory_space<vmem_shared>> -> memref<632x144xf32, #tpu.memory_space<vmem_shared>>
      tpu.enqueue_dma source(%dma_start3A_80 : memref<632x144xf32, #tpu.memory_space<vmem_shared>>) target(%dma_start3A_78 : memref<632x144xf32, #tpu.memory_space<hbm>>) target_semaphore(%run_scoped3A_75 : memref<!tpu.dma_semaphore, #tpu.memory_space<semaphore_mem>>)
      %dma_wait3A_81 = arith.constant 0 : i32
      %dma_wait3A_82 = tpu.memref_slice %arg6[%arg0, %mul3A_74, %dma_wait3A_81] : memref<2x10112x144xf32, #tpu.memory_space<hbm>> -> memref<1x632x144xf32, #tpu.memory_space<hbm>>
      %dma_wait3A_83 = tpu.memref_squeeze %dma_wait3A_82 : memref<1x632x144xf32, #tpu.memory_space<hbm>> -> memref<632x144xf32, #tpu.memory_space<hbm>>
      %dma_wait3A_84 = arith.constant 0 : i32
      %dma_wait3A_85 = tpu.memref_slice %arg12[%mul3A_72, %dma_wait3A_84] : memref<10112x144xf32, #tpu.memory_space<vmem_shared>> -> memref<632x144xf32, #tpu.memory_space<vmem_shared>>
      tpu.wait_dma2 semaphore(%run_scoped3A_75 : memref<!tpu.dma_semaphore, #tpu.memory_space<semaphore_mem>>) src(%dma_wait3A_85 : memref<632x144xf32, #tpu.memory_space<vmem_shared>>) dst(%dma_wait3A_83 : memref<632x144xf32, #tpu.memory_space<hbm>>)
      tpu.yield
    }) : () -> ()
    return
  }
}

#map = affine_map<(d0, d1) -> (0, 0)>
#map1 = affine_map<(d0, d1) -> (0, 0, 0)>
module attributes {stable_mosaic.version = 14 : i64} {
  func.func @body(%arg0: i32, %arg1: i32, %arg2: memref<10000x32xf32, #tpu.memory_space<hbm>>, %arg3: memref<10000x16xf32, #tpu.memory_space<hbm>>, %arg4: memref<2592x128xi32, #tpu.memory_space<hbm>>, %arg5: memref<10112x32xf32, #tpu.memory_space<hbm>>, %arg6: memref<2x10112x32xf32, #tpu.memory_space<hbm>>, %arg7: memref<2x128xi32, #tpu.memory_space<vmem>>, %arg8: memref<2x128xi32, #tpu.memory_space<vmem>>, %arg9: memref<2x128xi32, #tpu.memory_space<vmem>>, %arg10: memref<2x128x32xf32, #tpu.memory_space<vmem>>, %arg11: memref<2x128x16xf32, #tpu.memory_space<vmem>>, %arg12: memref<10112x32xf32, #tpu.memory_space<vmem_shared>>, %arg13: memref<!tpu.dma_semaphore, #tpu.memory_space<semaphore_mem>>, %arg14: memref<!tpu.dma_semaphore, #tpu.memory_space<semaphore_mem>>, %arg15: memref<!tpu.dma_semaphore, #tpu.memory_space<semaphore_mem>>) attributes {dimension_semantics = [#tpu.dimension_semantics<core_parallel>, #tpu.dimension_semantics<subcore_parallel>], iteration_bounds = array<i64: 2, 16>, scalar_prefetch = 0 : i64, scratch_operands = 9 : i64, tpu.core_type = #tpu.core_type<sc_vector_subcore>, window_params = [{transform_indices = #map}, {transform_indices = #map}, {transform_indices = #map}, {transform_indices = #map}, {transform_indices = #map1}]} {
    %mul3A = arith.constant 16 : i32
    %mul3A_0 = arith.muli %arg0, %mul3A : i32
    %add3A = arith.addi %mul3A_0, %arg1 : i32
    %mul3A_1 = arith.constant 81 : i32
    %mul3A_2 = arith.muli %add3A, %mul3A_1 : i32
    %mul3A_3 = arith.constant 632 : i32
    %mul3A_4 = arith.muli %arg1, %mul3A_3 : i32
    %mul3A_5 = arith.constant 632 : i32
    %mul3A_6 = arith.muli %arg1, %mul3A_5 : i32
    "tpu.region"() ({
      %run_scoped3A_75 = tpu.sem_alloc : memref<!tpu.dma_semaphore, #tpu.memory_space<semaphore_mem>>
      %dma_start3A_76 = arith.constant 0 : i32
      %dma_start3A_77 = tpu.memref_slice %arg12[%mul3A_6, %dma_start3A_76] : memref<10112x32xf32, #tpu.memory_space<vmem_shared>> -> memref<632x32xf32, #tpu.memory_space<vmem_shared>>
      %dma_start3A_78 = arith.constant 0 : i32
      %dma_start3A_79 = tpu.memref_slice %arg5[%mul3A_4, %dma_start3A_78] : memref<10112x32xf32, #tpu.memory_space<hbm>> -> memref<632x32xf32, #tpu.memory_space<hbm>>
      tpu.enqueue_dma source(%dma_start3A_79 : memref<632x32xf32, #tpu.memory_space<hbm>>) target(%dma_start3A_77 : memref<632x32xf32, #tpu.memory_space<vmem_shared>>) target_semaphore(%run_scoped3A_75 : memref<!tpu.dma_semaphore, #tpu.memory_space<semaphore_mem>>)
      %dma_wait3A_80 = arith.constant 0 : i32
      %dma_wait3A_81 = tpu.memref_slice %arg12[%mul3A_6, %dma_wait3A_80] : memref<10112x32xf32, #tpu.memory_space<vmem_shared>> -> memref<632x32xf32, #tpu.memory_space<vmem_shared>>
      %dma_wait3A_82 = arith.constant 0 : i32
      %dma_wait3A_83 = tpu.memref_slice %arg5[%mul3A_4, %dma_wait3A_82] : memref<10112x32xf32, #tpu.memory_space<hbm>> -> memref<632x32xf32, #tpu.memory_space<hbm>>
      tpu.wait_dma2 semaphore(%run_scoped3A_75 : memref<!tpu.dma_semaphore, #tpu.memory_space<semaphore_mem>>) src(%dma_wait3A_83 : memref<632x32xf32, #tpu.memory_space<hbm>>) dst(%dma_wait3A_81 : memref<632x32xf32, #tpu.memory_space<vmem_shared>>)
      tpu.yield
    }) : () -> ()
    %barrier3A = arith.constant 0 : index
    tpu.barrier barrier_id(%barrier3A)
    %run_scoped3A = arith.constant 0 : i32
    "tpu.region"() ({
      %run_scoped3A_75 = tpu.sem_alloc : memref<!tpu.dma_semaphore, #tpu.memory_space<semaphore_mem>>
      %dma_start3A_76 = arith.constant 0 : i32
      %dma_start3A_77 = tpu.memref_slice %arg7[%run_scoped3A, %dma_start3A_76] : memref<2x128xi32, #tpu.memory_space<vmem>> -> memref<1x128xi32, #tpu.memory_space<vmem>>
      %dma_start3A_78 = tpu.memref_squeeze %dma_start3A_77 : memref<1x128xi32, #tpu.memory_space<vmem>> -> memref<128xi32, #tpu.memory_space<vmem>>
      %dma_start3A_79 = arith.constant 0 : i32
      %dma_start3A_80 = tpu.memref_slice %arg4[%mul3A_2, %dma_start3A_79] : memref<2592x128xi32, #tpu.memory_space<hbm>> -> memref<1x128xi32, #tpu.memory_space<hbm>>
      %dma_start3A_81 = tpu.memref_squeeze %dma_start3A_80 : memref<1x128xi32, #tpu.memory_space<hbm>> -> memref<128xi32, #tpu.memory_space<hbm>>
      %dma_start3A_82 = arith.constant 0 : i32
      %dma_start3A_83 = tpu.memref_slice %arg7[%run_scoped3A, %dma_start3A_82] : memref<2x128xi32, #tpu.memory_space<vmem>> -> memref<1x128xi32, #tpu.memory_space<vmem>>
      %dma_start3A_84 = tpu.memref_squeeze %dma_start3A_83 : memref<1x128xi32, #tpu.memory_space<vmem>> -> memref<128xi32, #tpu.memory_space<vmem>>
      %dma_start3A_85 = arith.constant 0 : i32
      %dma_start3A_86 = tpu.memref_slice %arg4[%mul3A_2, %dma_start3A_85] : memref<2592x128xi32, #tpu.memory_space<hbm>> -> memref<1x128xi32, #tpu.memory_space<hbm>>
      %dma_start3A_87 = tpu.memref_squeeze %dma_start3A_86 : memref<1x128xi32, #tpu.memory_space<hbm>> -> memref<128xi32, #tpu.memory_space<hbm>>
      tpu.enqueue_dma source(%dma_start3A_87 : memref<128xi32, #tpu.memory_space<hbm>>) target(%dma_start3A_84 : memref<128xi32, #tpu.memory_space<vmem>>) target_semaphore(%run_scoped3A_75 : memref<!tpu.dma_semaphore, #tpu.memory_space<semaphore_mem>>)
      %dma_wait3A_88 = arith.constant 0 : i32
      %dma_wait3A_89 = tpu.memref_slice %arg7[%run_scoped3A, %dma_wait3A_88] : memref<2x128xi32, #tpu.memory_space<vmem>> -> memref<1x128xi32, #tpu.memory_space<vmem>>
      %dma_wait3A_90 = tpu.memref_squeeze %dma_wait3A_89 : memref<1x128xi32, #tpu.memory_space<vmem>> -> memref<128xi32, #tpu.memory_space<vmem>>
      %dma_wait3A_91 = arith.constant 0 : i32
      %dma_wait3A_92 = tpu.memref_slice %arg4[%mul3A_2, %dma_wait3A_91] : memref<2592x128xi32, #tpu.memory_space<hbm>> -> memref<1x128xi32, #tpu.memory_space<hbm>>
      %dma_wait3A_93 = tpu.memref_squeeze %dma_wait3A_92 : memref<1x128xi32, #tpu.memory_space<hbm>> -> memref<128xi32, #tpu.memory_space<hbm>>
      %dma_wait3A_94 = arith.constant 0 : i32
      %dma_wait3A_95 = tpu.memref_slice %arg7[%run_scoped3A, %dma_wait3A_94] : memref<2x128xi32, #tpu.memory_space<vmem>> -> memref<1x128xi32, #tpu.memory_space<vmem>>
      %dma_wait3A_96 = tpu.memref_squeeze %dma_wait3A_95 : memref<1x128xi32, #tpu.memory_space<vmem>> -> memref<128xi32, #tpu.memory_space<vmem>>
      %dma_wait3A_97 = arith.constant 0 : i32
      %dma_wait3A_98 = tpu.memref_slice %arg4[%mul3A_2, %dma_wait3A_97] : memref<2592x128xi32, #tpu.memory_space<hbm>> -> memref<1x128xi32, #tpu.memory_space<hbm>>
      %dma_wait3A_99 = tpu.memref_squeeze %dma_wait3A_98 : memref<1x128xi32, #tpu.memory_space<hbm>> -> memref<128xi32, #tpu.memory_space<hbm>>
      tpu.wait_dma2 semaphore(%run_scoped3A_75 : memref<!tpu.dma_semaphore, #tpu.memory_space<semaphore_mem>>) src(%dma_wait3A_99 : memref<128xi32, #tpu.memory_space<hbm>>) dst(%dma_wait3A_96 : memref<128xi32, #tpu.memory_space<vmem>>)
      tpu.yield
    }) : () -> ()
    %scan3A = arith.constant 0 : i32
    %scan3A_7 = arith.constant 0 : i32
    %scan3A_8 = arith.constant 8 : i32
    %scan3A_9 = arith.addi %scan3A_7, %scan3A_8 : i32
    %scan3A_10 = arith.constant 1 : i32
    scf.for %scan3A_75 = %scan3A_7 to %scan3A_9 step %scan3A_10  : i32 {
      %mul3A_76 = arith.constant 16 : i32
      %mul3A_77 = arith.muli %scan3A_75, %mul3A_76 : i32
      %get3A = arith.constant 0 : i32
      %get3A_78 = arith.index_cast %get3A : i32 to index
      %get3A_79 = arith.index_cast %mul3A_77 : i32 to index
      %get3A_80 = tpu.vector_load %arg7[%get3A_78, %get3A_79] {strides = array<i32>} : memref<2x128xi32, #tpu.memory_space<vmem>>, vector<1x16xi32>,
      %get3A_81 = vector.shape_cast %get3A_80 : vector<1x16xi32> to vector<16xi32>
      %shift_right_logical3A = arith.constant 14 : i32
      %shift_right_logical3A_82 = vector.broadcast %shift_right_logical3A : i32 to vector<16xi32>
      %shift_right_logical3A_83 = arith.shrui %get3A_81, %shift_right_logical3A_82 : vector<16xi32>
      %mul3A_84 = arith.constant 16 : i32
      %mul3A_85 = arith.muli %scan3A_75, %mul3A_84 : i32
      %swap3A = arith.constant 0 : i32
      %swap3A_86 = arith.index_cast %swap3A : i32 to index
      %swap3A_87 = arith.index_cast %mul3A_85 : i32 to index
      %swap3A_88 = tpu.vector_load %arg8[%swap3A_86, %swap3A_87] {strides = array<i32>} : memref<2x128xi32, #tpu.memory_space<vmem>>, vector<1x16xi32>,
      %swap3A_89 = vector.shape_cast %swap3A_88 : vector<1x16xi32> to vector<16xi32>
      %swap3A_90 = vector.shape_cast %shift_right_logical3A_83 : vector<16xi32> to vector<1x16xi32>
      tpu.vector_store %arg8[%swap3A_86, %swap3A_87], %swap3A_90 {strides = array<i32>} : memref<2x128xi32, #tpu.memory_space<vmem>>, vector<1x16xi32>,
      %and3A = arith.constant 16383 : i32
      %and3A_91 = vector.broadcast %and3A : i32 to vector<16xi32>
      %and3A_92 = arith.andi %get3A_81, %and3A_91 : vector<16xi32>
      %mul3A_93 = arith.constant 16 : i32
      %mul3A_94 = arith.muli %scan3A_75, %mul3A_93 : i32
      %swap3A_95 = arith.constant 0 : i32
      %swap3A_96 = arith.index_cast %swap3A_95 : i32 to index
      %swap3A_97 = arith.index_cast %mul3A_94 : i32 to index
      %swap3A_98 = tpu.vector_load %arg9[%swap3A_96, %swap3A_97] {strides = array<i32>} : memref<2x128xi32, #tpu.memory_space<vmem>>, vector<1x16xi32>,
      %swap3A_99 = vector.shape_cast %swap3A_98 : vector<1x16xi32> to vector<16xi32>
      %swap3A_100 = vector.shape_cast %and3A_92 : vector<16xi32> to vector<1x16xi32>
      tpu.vector_store %arg9[%swap3A_96, %swap3A_97], %swap3A_100 {strides = array<i32>} : memref<2x128xi32, #tpu.memory_space<vmem>>, vector<1x16xi32>,
    }
    %scan3A_11 = arith.constant 8 : i32
    %dma_start3A = arith.constant 0 : i32
    %dma_start3A_12 = arith.constant 0 : i32
    %dma_start3A_13 = arith.constant 0 : i32
    %dma_start3A_14 = arith.constant 0 : i32
    %dma_start3A_15 = tpu.memref_slice %arg10[%dma_start3A_12, %dma_start3A_13, %dma_start3A_14] : memref<2x128x32xf32, #tpu.memory_space<vmem>> -> memref<1x128x32xf32, #tpu.memory_space<vmem>>
    %dma_start3A_16 = tpu.memref_squeeze %dma_start3A_15 : memref<1x128x32xf32, #tpu.memory_space<vmem>> -> memref<128x32xf32, #tpu.memory_space<vmem>>
    %dma_start3A_17 = arith.constant 0 : i32
    %dma_start3A_18 = tpu.memref_slice %arg8[%dma_start3A, %dma_start3A_17] : memref<2x128xi32, #tpu.memory_space<vmem>> -> memref<1x128xi32, #tpu.memory_space<vmem>>
    %dma_start3A_19 = tpu.memref_squeeze %dma_start3A_18 : memref<1x128xi32, #tpu.memory_space<vmem>> -> memref<128xi32, #tpu.memory_space<vmem>>
    %dma_start3A_20 = arith.constant 0 : i32
    %dma_start3A_21 = arith.constant 0 : i32
    %dma_start3A_22 = tpu.memref_slice %arg2[%dma_start3A_20, %dma_start3A_21] : memref<10000x32xf32, #tpu.memory_space<hbm>> -> memref<10000x32xf32, #tpu.memory_space<hbm>>
    tpu.enqueue_indirect_dma source(%dma_start3A_22 : memref<10000x32xf32, #tpu.memory_space<hbm>>) target(%dma_start3A_16 : memref<128x32xf32, #tpu.memory_space<vmem>>) offsets(%dma_start3A_19 : memref<128xi32, #tpu.memory_space<vmem>>) semaphore(%arg13 : memref<!tpu.dma_semaphore, #tpu.memory_space<semaphore_mem>>)
    %dma_start3A_23 = arith.constant 0 : i32
    %dma_start3A_24 = arith.constant 0 : i32
    %dma_start3A_25 = arith.constant 0 : i32
    %dma_start3A_26 = arith.constant 0 : i32
    %dma_start3A_27 = tpu.memref_slice %arg11[%dma_start3A_24, %dma_start3A_25, %dma_start3A_26] : memref<2x128x16xf32, #tpu.memory_space<vmem>> -> memref<1x128x16xf32, #tpu.memory_space<vmem>>
    %dma_start3A_28 = tpu.memref_squeeze %dma_start3A_27 : memref<1x128x16xf32, #tpu.memory_space<vmem>> -> memref<128x16xf32, #tpu.memory_space<vmem>>
    %dma_start3A_29 = arith.constant 0 : i32
    %dma_start3A_30 = tpu.memref_slice %arg9[%dma_start3A_23, %dma_start3A_29] : memref<2x128xi32, #tpu.memory_space<vmem>> -> memref<1x128xi32, #tpu.memory_space<vmem>>
    %dma_start3A_31 = tpu.memref_squeeze %dma_start3A_30 : memref<1x128xi32, #tpu.memory_space<vmem>> -> memref<128xi32, #tpu.memory_space<vmem>>
    %dma_start3A_32 = arith.constant 0 : i32
    %dma_start3A_33 = arith.constant 0 : i32
    %dma_start3A_34 = tpu.memref_slice %arg3[%dma_start3A_32, %dma_start3A_33] : memref<10000x16xf32, #tpu.memory_space<hbm>> -> memref<10000x16xf32, #tpu.memory_space<hbm>>
    tpu.enqueue_indirect_dma source(%dma_start3A_34 : memref<10000x16xf32, #tpu.memory_space<hbm>>) target(%dma_start3A_28 : memref<128x16xf32, #tpu.memory_space<vmem>>) offsets(%dma_start3A_31 : memref<128xi32, #tpu.memory_space<vmem>>) semaphore(%arg13 : memref<!tpu.dma_semaphore, #tpu.memory_space<semaphore_mem>>)
    %add3A_35 = arith.constant 1 : i32
    %add3A_36 = arith.addi %mul3A_2, %add3A_35 : i32
    %dma_start3A_37 = arith.constant 1 : i32
    %dma_start3A_38 = arith.constant 0 : i32
    %dma_start3A_39 = tpu.memref_slice %arg7[%dma_start3A_37, %dma_start3A_38] : memref<2x128xi32, #tpu.memory_space<vmem>> -> memref<1x128xi32, #tpu.memory_space<vmem>>
    %dma_start3A_40 = tpu.memref_squeeze %dma_start3A_39 : memref<1x128xi32, #tpu.memory_space<vmem>> -> memref<128xi32, #tpu.memory_space<vmem>>
    %dma_start3A_41 = arith.constant 0 : i32
    %dma_start3A_42 = tpu.memref_slice %arg4[%add3A_36, %dma_start3A_41] : memref<2592x128xi32, #tpu.memory_space<hbm>> -> memref<1x128xi32, #tpu.memory_space<hbm>>
    %dma_start3A_43 = tpu.memref_squeeze %dma_start3A_42 : memref<1x128xi32, #tpu.memory_space<hbm>> -> memref<128xi32, #tpu.memory_space<hbm>>
    %dma_start3A_44 = arith.constant 0 : i32
    %dma_start3A_45 = tpu.memref_slice %arg7[%dma_start3A_37, %dma_start3A_44] : memref<2x128xi32, #tpu.memory_space<vmem>> -> memref<1x128xi32, #tpu.memory_space<vmem>>
    %dma_start3A_46 = tpu.memref_squeeze %dma_start3A_45 : memref<1x128xi32, #tpu.memory_space<vmem>> -> memref<128xi32, #tpu.memory_space<vmem>>
    %dma_start3A_47 = arith.constant 0 : i32
    %dma_start3A_48 = tpu.memref_slice %arg4[%add3A_36, %dma_start3A_47] : memref<2592x128xi32, #tpu.memory_space<hbm>> -> memref<1x128xi32, #tpu.memory_space<hbm>>
    %dma_start3A_49 = tpu.memref_squeeze %dma_start3A_48 : memref<1x128xi32, #tpu.memory_space<hbm>> -> memref<128xi32, #tpu.memory_space<hbm>>
    tpu.enqueue_dma source(%dma_start3A_49 : memref<128xi32, #tpu.memory_space<hbm>>) target(%dma_start3A_46 : memref<128xi32, #tpu.memory_space<vmem>>) target_semaphore(%arg15 : memref<!tpu.dma_semaphore, #tpu.memory_space<semaphore_mem>>)
    %scan3A_50 = arith.constant 0 : i32
    %scan3A_51 = arith.constant 0 : i32
    %scan3A_52 = arith.constant 81 : i32
    %scan3A_53 = arith.addi %scan3A_51, %scan3A_52 : i32
    %scan3A_54 = arith.constant 1 : i32
    scf.for %scan3A_75 = %scan3A_51 to %scan3A_53 step %scan3A_54  : i32 {
      %rem3A = arith.constant 2 : i32
      %rem3A_76 = arith.remsi %scan3A_75, %rem3A : i32
      %sub3A = arith.constant 1 : i32
      %sub3A_77 = arith.subi %sub3A, %rem3A_76 : i32
      %ge3A = arith.constant 1 : i32
      %ge3A_78 = arith.cmpi sge, %scan3A_75, %ge3A : i32
      %convert_element_type3A = arith.extui %ge3A_78 : i1 to i32
      %cond3A = arith.constant 0 : i32
      %cond3A_79 = arith.cmpi ne, %convert_element_type3A, %cond3A : i32
      scf.if %cond3A_79 {
        %dma_wait3A_124 = arith.constant 0 : i32
        %dma_wait3A_125 = arith.constant 0 : i32
        %dma_wait3A_126 = tpu.memref_slice %arg10[%sub3A_77, %dma_wait3A_124, %dma_wait3A_125] : memref<2x128x32xf32, #tpu.memory_space<vmem>> -> memref<1x128x32xf32, #tpu.memory_space<vmem>>
        %dma_wait3A_127 = tpu.memref_squeeze %dma_wait3A_126 : memref<1x128x32xf32, #tpu.memory_space<vmem>> -> memref<128x32xf32, #tpu.memory_space<vmem>>
        %dma_wait3A_128 = arith.constant 0 : i32
        %dma_wait3A_129 = arith.constant 0 : i32
        %dma_wait3A_130 = tpu.memref_slice %arg12[%dma_wait3A_128, %dma_wait3A_129] : memref<10112x32xf32, #tpu.memory_space<vmem_shared>> -> memref<128x32xf32, #tpu.memory_space<vmem_shared>>
        %dma_wait3A_131 = arith.constant 0 : i32
        %dma_wait3A_132 = arith.constant 0 : i32
        %dma_wait3A_133 = tpu.memref_slice %arg12[%dma_wait3A_131, %dma_wait3A_132] : memref<10112x32xf32, #tpu.memory_space<vmem_shared>> -> memref<128x32xf32, #tpu.memory_space<vmem_shared>>
        %dma_wait3A_134 = arith.constant 0 : i32
        %dma_wait3A_135 = arith.constant 0 : i32
        %dma_wait3A_136 = tpu.memref_slice %arg10[%sub3A_77, %dma_wait3A_134, %dma_wait3A_135] : memref<2x128x32xf32, #tpu.memory_space<vmem>> -> memref<1x128x32xf32, #tpu.memory_space<vmem>>
        %dma_wait3A_137 = tpu.memref_squeeze %dma_wait3A_136 : memref<1x128x32xf32, #tpu.memory_space<vmem>> -> memref<128x32xf32, #tpu.memory_space<vmem>>
        tpu.wait_dma2 semaphore(%arg14 : memref<!tpu.dma_semaphore, #tpu.memory_space<semaphore_mem>>) src(%dma_wait3A_137 : memref<128x32xf32, #tpu.memory_space<vmem>>) dst(%dma_wait3A_133 : memref<128x32xf32, #tpu.memory_space<vmem_shared>>)
      } else {
      }
      %lt3A = arith.constant 80 : i32
      %lt3A_80 = arith.cmpi slt, %scan3A_75, %lt3A : i32
      %convert_element_type3A_81 = arith.extui %lt3A_80 : i1 to i32
      %cond3A_82 = arith.constant 0 : i32
      %cond3A_83 = arith.cmpi ne, %convert_element_type3A_81, %cond3A_82 : i32
      scf.if %cond3A_83 {
        %dma_wait3A_124 = arith.constant 0 : i32
        %dma_wait3A_125 = tpu.memref_slice %arg7[%sub3A_77, %dma_wait3A_124] : memref<2x128xi32, #tpu.memory_space<vmem>> -> memref<1x128xi32, #tpu.memory_space<vmem>>
        %dma_wait3A_126 = tpu.memref_squeeze %dma_wait3A_125 : memref<1x128xi32, #tpu.memory_space<vmem>> -> memref<128xi32, #tpu.memory_space<vmem>>
        %dma_wait3A_127 = arith.constant 0 : i32
        %dma_wait3A_128 = tpu.memref_slice %arg4[%mul3A_2, %dma_wait3A_127] : memref<2592x128xi32, #tpu.memory_space<hbm>> -> memref<1x128xi32, #tpu.memory_space<hbm>>
        %dma_wait3A_129 = tpu.memref_squeeze %dma_wait3A_128 : memref<1x128xi32, #tpu.memory_space<hbm>> -> memref<128xi32, #tpu.memory_space<hbm>>
        %dma_wait3A_130 = arith.constant 0 : i32
        %dma_wait3A_131 = tpu.memref_slice %arg7[%sub3A_77, %dma_wait3A_130] : memref<2x128xi32, #tpu.memory_space<vmem>> -> memref<1x128xi32, #tpu.memory_space<vmem>>
        %dma_wait3A_132 = tpu.memref_squeeze %dma_wait3A_131 : memref<1x128xi32, #tpu.memory_space<vmem>> -> memref<128xi32, #tpu.memory_space<vmem>>
        %dma_wait3A_133 = arith.constant 0 : i32
        %dma_wait3A_134 = tpu.memref_slice %arg4[%mul3A_2, %dma_wait3A_133] : memref<2592x128xi32, #tpu.memory_space<hbm>> -> memref<1x128xi32, #tpu.memory_space<hbm>>
        %dma_wait3A_135 = tpu.memref_squeeze %dma_wait3A_134 : memref<1x128xi32, #tpu.memory_space<hbm>> -> memref<128xi32, #tpu.memory_space<hbm>>
        tpu.wait_dma2 semaphore(%arg15 : memref<!tpu.dma_semaphore, #tpu.memory_space<semaphore_mem>>) src(%dma_wait3A_135 : memref<128xi32, #tpu.memory_space<hbm>>) dst(%dma_wait3A_132 : memref<128xi32, #tpu.memory_space<vmem>>)
        %scan3A_136 = arith.constant 0 : i32
        %scan3A_137 = arith.constant 0 : i32
        %scan3A_138 = arith.constant 8 : i32
        %scan3A_139 = arith.addi %scan3A_137, %scan3A_138 : i32
        %scan3A_140 = arith.constant 1 : i32
        scf.for %scan3A_167 = %scan3A_137 to %scan3A_139 step %scan3A_140  : i32 {
          %mul3A_168 = arith.constant 16 : i32
          %mul3A_169 = arith.muli %scan3A_167, %mul3A_168 : i32
          %get3A = arith.index_cast %sub3A_77 : i32 to index
          %get3A_170 = arith.index_cast %mul3A_169 : i32 to index
          %get3A_171 = tpu.vector_load %arg7[%get3A, %get3A_170] {strides = array<i32>} : memref<2x128xi32, #tpu.memory_space<vmem>>, vector<1x16xi32>,
          %get3A_172 = vector.shape_cast %get3A_171 : vector<1x16xi32> to vector<16xi32>
          %shift_right_logical3A = arith.constant 14 : i32
          %shift_right_logical3A_173 = vector.broadcast %shift_right_logical3A : i32 to vector<16xi32>
          %shift_right_logical3A_174 = arith.shrui %get3A_172, %shift_right_logical3A_173 : vector<16xi32>
          %mul3A_175 = arith.constant 16 : i32
          %mul3A_176 = arith.muli %scan3A_167, %mul3A_175 : i32
          %swap3A = arith.index_cast %sub3A_77 : i32 to index
          %swap3A_177 = arith.index_cast %mul3A_176 : i32 to index
          %swap3A_178 = tpu.vector_load %arg8[%swap3A, %swap3A_177] {strides = array<i32>} : memref<2x128xi32, #tpu.memory_space<vmem>>, vector<1x16xi32>,
          %swap3A_179 = vector.shape_cast %swap3A_178 : vector<1x16xi32> to vector<16xi32>
          %swap3A_180 = vector.shape_cast %shift_right_logical3A_174 : vector<16xi32> to vector<1x16xi32>
          tpu.vector_store %arg8[%swap3A, %swap3A_177], %swap3A_180 {strides = array<i32>} : memref<2x128xi32, #tpu.memory_space<vmem>>, vector<1x16xi32>,
          %and3A = arith.constant 16383 : i32
          %and3A_181 = vector.broadcast %and3A : i32 to vector<16xi32>
          %and3A_182 = arith.andi %get3A_172, %and3A_181 : vector<16xi32>
          %mul3A_183 = arith.constant 16 : i32
          %mul3A_184 = arith.muli %scan3A_167, %mul3A_183 : i32
          %swap3A_185 = arith.index_cast %sub3A_77 : i32 to index
          %swap3A_186 = arith.index_cast %mul3A_184 : i32 to index
          %swap3A_187 = tpu.vector_load %arg9[%swap3A_185, %swap3A_186] {strides = array<i32>} : memref<2x128xi32, #tpu.memory_space<vmem>>, vector<1x16xi32>,
          %swap3A_188 = vector.shape_cast %swap3A_187 : vector<1x16xi32> to vector<16xi32>
          %swap3A_189 = vector.shape_cast %and3A_182 : vector<16xi32> to vector<1x16xi32>
          tpu.vector_store %arg9[%swap3A_185, %swap3A_186], %swap3A_189 {strides = array<i32>} : memref<2x128xi32, #tpu.memory_space<vmem>>, vector<1x16xi32>,
        }
        %scan3A_141 = arith.constant 8 : i32
        %dma_start3A_142 = arith.constant 0 : i32
        %dma_start3A_143 = arith.constant 0 : i32
        %dma_start3A_144 = tpu.memref_slice %arg10[%sub3A_77, %dma_start3A_142, %dma_start3A_143] : memref<2x128x32xf32, #tpu.memory_space<vmem>> -> memref<1x128x32xf32, #tpu.memory_space<vmem>>
        %dma_start3A_145 = tpu.memref_squeeze %dma_start3A_144 : memref<1x128x32xf32, #tpu.memory_space<vmem>> -> memref<128x32xf32, #tpu.memory_space<vmem>>
        %dma_start3A_146 = arith.constant 0 : i32
        %dma_start3A_147 = tpu.memref_slice %arg8[%sub3A_77, %dma_start3A_146] : memref<2x128xi32, #tpu.memory_space<vmem>> -> memref<1x128xi32, #tpu.memory_space<vmem>>
        %dma_start3A_148 = tpu.memref_squeeze %dma_start3A_147 : memref<1x128xi32, #tpu.memory_space<vmem>> -> memref<128xi32, #tpu.memory_space<vmem>>
        %dma_start3A_149 = arith.constant 0 : i32
        %dma_start3A_150 = arith.constant 0 : i32
        %dma_start3A_151 = tpu.memref_slice %arg2[%dma_start3A_149, %dma_start3A_150] : memref<10000x32xf32, #tpu.memory_space<hbm>> -> memref<10000x32xf32, #tpu.memory_space<hbm>>
        tpu.enqueue_indirect_dma source(%dma_start3A_151 : memref<10000x32xf32, #tpu.memory_space<hbm>>) target(%dma_start3A_145 : memref<128x32xf32, #tpu.memory_space<vmem>>) offsets(%dma_start3A_148 : memref<128xi32, #tpu.memory_space<vmem>>) semaphore(%arg13 : memref<!tpu.dma_semaphore, #tpu.memory_space<semaphore_mem>>)
        %dma_start3A_152 = arith.constant 0 : i32
        %dma_start3A_153 = arith.constant 0 : i32
        %dma_start3A_154 = tpu.memref_slice %arg11[%sub3A_77, %dma_start3A_152, %dma_start3A_153] : memref<2x128x16xf32, #tpu.memory_space<vmem>> -> memref<1x128x16xf32, #tpu.memory_space<vmem>>
        %dma_start3A_155 = tpu.memref_squeeze %dma_start3A_154 : memref<1x128x16xf32, #tpu.memory_space<vmem>> -> memref<128x16xf32, #tpu.memory_space<vmem>>
        %dma_start3A_156 = arith.constant 0 : i32
        %dma_start3A_157 = tpu.memref_slice %arg9[%sub3A_77, %dma_start3A_156] : memref<2x128xi32, #tpu.memory_space<vmem>> -> memref<1x128xi32, #tpu.memory_space<vmem>>
        %dma_start3A_158 = tpu.memref_squeeze %dma_start3A_157 : memref<1x128xi32, #tpu.memory_space<vmem>> -> memref<128xi32, #tpu.memory_space<vmem>>
        %dma_start3A_159 = arith.constant 0 : i32
        %dma_start3A_160 = arith.constant 0 : i32
        %dma_start3A_161 = tpu.memref_slice %arg3[%dma_start3A_159, %dma_start3A_160] : memref<10000x16xf32, #tpu.memory_space<hbm>> -> memref<10000x16xf32, #tpu.memory_space<hbm>>
        tpu.enqueue_indirect_dma source(%dma_start3A_161 : memref<10000x16xf32, #tpu.memory_space<hbm>>) target(%dma_start3A_155 : memref<128x16xf32, #tpu.memory_space<vmem>>) offsets(%dma_start3A_158 : memref<128xi32, #tpu.memory_space<vmem>>) semaphore(%arg13 : memref<!tpu.dma_semaphore, #tpu.memory_space<semaphore_mem>>)
        %lt3A_162 = arith.constant 79 : i32
        %lt3A_163 = arith.cmpi slt, %scan3A_75, %lt3A_162 : i32
        %convert_element_type3A_164 = arith.extui %lt3A_163 : i1 to i32
        %cond3A_165 = arith.constant 0 : i32
        %cond3A_166 = arith.cmpi ne, %convert_element_type3A_164, %cond3A_165 : i32
        scf.if %cond3A_166 {
          %add3A_167 = arith.addi %mul3A_2, %scan3A_75 : i32
          %add3A_168 = arith.constant 2 : i32
          %add3A_169 = arith.addi %add3A_167, %add3A_168 : i32
          %dma_start3A_170 = arith.constant 0 : i32
          %dma_start3A_171 = tpu.memref_slice %arg7[%rem3A_76, %dma_start3A_170] : memref<2x128xi32, #tpu.memory_space<vmem>> -> memref<1x128xi32, #tpu.memory_space<vmem>>
          %dma_start3A_172 = tpu.memref_squeeze %dma_start3A_171 : memref<1x128xi32, #tpu.memory_space<vmem>> -> memref<128xi32, #tpu.memory_space<vmem>>
          %dma_start3A_173 = arith.constant 0 : i32
          %dma_start3A_174 = tpu.memref_slice %arg4[%add3A_169, %dma_start3A_173] : memref<2592x128xi32, #tpu.memory_space<hbm>> -> memref<1x128xi32, #tpu.memory_space<hbm>>
          %dma_start3A_175 = tpu.memref_squeeze %dma_start3A_174 : memref<1x128xi32, #tpu.memory_space<hbm>> -> memref<128xi32, #tpu.memory_space<hbm>>
          %dma_start3A_176 = arith.constant 0 : i32
          %dma_start3A_177 = tpu.memref_slice %arg7[%rem3A_76, %dma_start3A_176] : memref<2x128xi32, #tpu.memory_space<vmem>> -> memref<1x128xi32, #tpu.memory_space<vmem>>
          %dma_start3A_178 = tpu.memref_squeeze %dma_start3A_177 : memref<1x128xi32, #tpu.memory_space<vmem>> -> memref<128xi32, #tpu.memory_space<vmem>>
          %dma_start3A_179 = arith.constant 0 : i32
          %dma_start3A_180 = tpu.memref_slice %arg4[%add3A_169, %dma_start3A_179] : memref<2592x128xi32, #tpu.memory_space<hbm>> -> memref<1x128xi32, #tpu.memory_space<hbm>>
          %dma_start3A_181 = tpu.memref_squeeze %dma_start3A_180 : memref<1x128xi32, #tpu.memory_space<hbm>> -> memref<128xi32, #tpu.memory_space<hbm>>
          tpu.enqueue_dma source(%dma_start3A_181 : memref<128xi32, #tpu.memory_space<hbm>>) target(%dma_start3A_178 : memref<128xi32, #tpu.memory_space<vmem>>) target_semaphore(%arg15 : memref<!tpu.dma_semaphore, #tpu.memory_space<semaphore_mem>>)
        } else {
        }
      } else {
      }
      %dma_wait3A_84 = arith.constant 0 : i32
      %dma_wait3A_85 = arith.constant 0 : i32
      %dma_wait3A_86 = tpu.memref_slice %arg10[%rem3A_76, %dma_wait3A_84, %dma_wait3A_85] : memref<2x128x32xf32, #tpu.memory_space<vmem>> -> memref<1x128x32xf32, #tpu.memory_space<vmem>>
      %dma_wait3A_87 = tpu.memref_squeeze %dma_wait3A_86 : memref<1x128x32xf32, #tpu.memory_space<vmem>> -> memref<128x32xf32, #tpu.memory_space<vmem>>
      %dma_wait3A_88 = arith.constant 0 : i32
      %dma_wait3A_89 = arith.constant 0 : i32
      %dma_wait3A_90 = tpu.memref_slice %arg2[%dma_wait3A_88, %dma_wait3A_89] : memref<10000x32xf32, #tpu.memory_space<hbm>> -> memref<128x32xf32, #tpu.memory_space<hbm>>
      %dma_wait3A_91 = arith.constant 0 : i32
      %dma_wait3A_92 = arith.constant 0 : i32
      %dma_wait3A_93 = tpu.memref_slice %arg10[%rem3A_76, %dma_wait3A_91, %dma_wait3A_92] : memref<2x128x32xf32, #tpu.memory_space<vmem>> -> memref<1x128x32xf32, #tpu.memory_space<vmem>>
      %dma_wait3A_94 = tpu.memref_squeeze %dma_wait3A_93 : memref<1x128x32xf32, #tpu.memory_space<vmem>> -> memref<128x32xf32, #tpu.memory_space<vmem>>
      %dma_wait3A_95 = arith.constant 0 : i32
      %dma_wait3A_96 = arith.constant 0 : i32
      %dma_wait3A_97 = tpu.memref_slice %arg2[%dma_wait3A_95, %dma_wait3A_96] : memref<10000x32xf32, #tpu.memory_space<hbm>> -> memref<128x32xf32, #tpu.memory_space<hbm>>
      tpu.wait_dma2 semaphore(%arg13 : memref<!tpu.dma_semaphore, #tpu.memory_space<semaphore_mem>>) src(%dma_wait3A_97 : memref<128x32xf32, #tpu.memory_space<hbm>>) dst(%dma_wait3A_94 : memref<128x32xf32, #tpu.memory_space<vmem>>)
      %dma_wait3A_98 = arith.constant 0 : i32
      %dma_wait3A_99 = arith.constant 0 : i32
      %dma_wait3A_100 = tpu.memref_slice %arg11[%rem3A_76, %dma_wait3A_98, %dma_wait3A_99] : memref<2x128x16xf32, #tpu.memory_space<vmem>> -> memref<1x128x16xf32, #tpu.memory_space<vmem>>
      %dma_wait3A_101 = tpu.memref_squeeze %dma_wait3A_100 : memref<1x128x16xf32, #tpu.memory_space<vmem>> -> memref<128x16xf32, #tpu.memory_space<vmem>>
      %dma_wait3A_102 = arith.constant 0 : i32
      %dma_wait3A_103 = arith.constant 0 : i32
      %dma_wait3A_104 = tpu.memref_slice %arg3[%dma_wait3A_102, %dma_wait3A_103] : memref<10000x16xf32, #tpu.memory_space<hbm>> -> memref<128x16xf32, #tpu.memory_space<hbm>>
      %dma_wait3A_105 = arith.constant 0 : i32
      %dma_wait3A_106 = arith.constant 0 : i32
      %dma_wait3A_107 = tpu.memref_slice %arg11[%rem3A_76, %dma_wait3A_105, %dma_wait3A_106] : memref<2x128x16xf32, #tpu.memory_space<vmem>> -> memref<1x128x16xf32, #tpu.memory_space<vmem>>
      %dma_wait3A_108 = tpu.memref_squeeze %dma_wait3A_107 : memref<1x128x16xf32, #tpu.memory_space<vmem>> -> memref<128x16xf32, #tpu.memory_space<vmem>>
      %dma_wait3A_109 = arith.constant 0 : i32
      %dma_wait3A_110 = arith.constant 0 : i32
      %dma_wait3A_111 = tpu.memref_slice %arg3[%dma_wait3A_109, %dma_wait3A_110] : memref<10000x16xf32, #tpu.memory_space<hbm>> -> memref<128x16xf32, #tpu.memory_space<hbm>>
      tpu.wait_dma2 semaphore(%arg13 : memref<!tpu.dma_semaphore, #tpu.memory_space<semaphore_mem>>) src(%dma_wait3A_111 : memref<128x16xf32, #tpu.memory_space<hbm>>) dst(%dma_wait3A_108 : memref<128x16xf32, #tpu.memory_space<vmem>>)
      %parallel_loop3A = arith.constant 0 : i32
      %parallel_loop3A_112 = arith.constant 128 : i32
      %parallel_loop3A_113 = arith.constant 1 : i32
      scf.for %parallel_loop3A_124 = %parallel_loop3A to %parallel_loop3A_112 step %parallel_loop3A_113  : i32 {
        %parallel_loop3A_125 = arith.index_cast %rem3A_76 : i32 to index
        %parallel_loop3A_126 = arith.index_cast %parallel_loop3A_124 : i32 to index
        %parallel_loop3A_127 = arith.constant 16 : index
        %parallel_loop3A_128 = tpu.vector_load %arg10[%parallel_loop3A_125, %parallel_loop3A_126, %parallel_loop3A_127] {strides = array<i32>} : memref<2x128x32xf32, #tpu.memory_space<vmem>>, vector<1x1x16xf32>,
        %parallel_loop3A_129 = vector.shape_cast %parallel_loop3A_128 : vector<1x1x16xf32> to vector<16xf32>
        %parallel_loop3A_130 = arith.index_cast %rem3A_76 : i32 to index
        %parallel_loop3A_131 = arith.index_cast %parallel_loop3A_124 : i32 to index
        %parallel_loop3A_132 = arith.constant 0 : index
        %parallel_loop3A_133 = tpu.vector_load %arg11[%parallel_loop3A_130, %parallel_loop3A_131, %parallel_loop3A_132] {strides = array<i32>} : memref<2x128x16xf32, #tpu.memory_space<vmem>>, vector<1x1x16xf32>,
        %parallel_loop3A_134 = vector.shape_cast %parallel_loop3A_133 : vector<1x1x16xf32> to vector<16xf32>
        %parallel_loop3A_135 = arith.addf %parallel_loop3A_129, %parallel_loop3A_134 : vector<16xf32>
        %parallel_loop3A_136 = arith.constant 2.000000e-01 : f32
        %parallel_loop3A_137 = vector.broadcast %parallel_loop3A_136 : f32 to vector<16xf32>
        %parallel_loop3A_138 = arith.mulf %parallel_loop3A_137, %parallel_loop3A_135 : vector<16xf32>
        %parallel_loop3A_139 = arith.maximumf %parallel_loop3A_135, %parallel_loop3A_138 : vector<16xf32>
        %parallel_loop3A_140 = math.exp %parallel_loop3A_139 : vector<16xf32>
        %parallel_loop3A_141 = arith.index_cast %rem3A_76 : i32 to index
        %parallel_loop3A_142 = arith.index_cast %parallel_loop3A_124 : i32 to index
        %parallel_loop3A_143 = arith.constant 0 : index
        %parallel_loop3A_144 = tpu.vector_load %arg10[%parallel_loop3A_141, %parallel_loop3A_142, %parallel_loop3A_143] {strides = array<i32>} : memref<2x128x32xf32, #tpu.memory_space<vmem>>, vector<1x1x16xf32>,
        %parallel_loop3A_145 = vector.shape_cast %parallel_loop3A_144 : vector<1x1x16xf32> to vector<16xf32>
        %parallel_loop3A_146 = arith.mulf %parallel_loop3A_145, %parallel_loop3A_140 : vector<16xf32>
        %parallel_loop3A_147 = arith.index_cast %rem3A_76 : i32 to index
        %parallel_loop3A_148 = arith.index_cast %parallel_loop3A_124 : i32 to index
        %parallel_loop3A_149 = arith.constant 0 : index
        %parallel_loop3A_150 = tpu.vector_load %arg10[%parallel_loop3A_147, %parallel_loop3A_148, %parallel_loop3A_149] {strides = array<i32>} : memref<2x128x32xf32, #tpu.memory_space<vmem>>, vector<1x1x16xf32>,
        %parallel_loop3A_151 = vector.shape_cast %parallel_loop3A_150 : vector<1x1x16xf32> to vector<16xf32>
        %parallel_loop3A_152 = vector.shape_cast %parallel_loop3A_146 : vector<16xf32> to vector<1x1x16xf32>
        tpu.vector_store %arg10[%parallel_loop3A_147, %parallel_loop3A_148, %parallel_loop3A_149], %parallel_loop3A_152 {strides = array<i32>} : memref<2x128x32xf32, #tpu.memory_space<vmem>>, vector<1x1x16xf32>,
        %parallel_loop3A_153 = arith.index_cast %rem3A_76 : i32 to index
        %parallel_loop3A_154 = arith.index_cast %parallel_loop3A_124 : i32 to index
        %parallel_loop3A_155 = arith.constant 16 : index
        %parallel_loop3A_156 = tpu.vector_load %arg10[%parallel_loop3A_153, %parallel_loop3A_154, %parallel_loop3A_155] {strides = array<i32>} : memref<2x128x32xf32, #tpu.memory_space<vmem>>, vector<1x1x16xf32>,
        %parallel_loop3A_157 = vector.shape_cast %parallel_loop3A_156 : vector<1x1x16xf32> to vector<16xf32>
        %parallel_loop3A_158 = vector.shape_cast %parallel_loop3A_140 : vector<16xf32> to vector<1x1x16xf32>
        tpu.vector_store %arg10[%parallel_loop3A_153, %parallel_loop3A_154, %parallel_loop3A_155], %parallel_loop3A_158 {strides = array<i32>} : memref<2x128x32xf32, #tpu.memory_space<vmem>>, vector<1x1x16xf32>,
      } {sc.loop_unroll_factor = 16 : i64, sc.parallel_access}
      %dma_start3A_114 = arith.constant 0 : i32
      %dma_start3A_115 = arith.constant 0 : i32
      %dma_start3A_116 = tpu.memref_slice %arg10[%rem3A_76, %dma_start3A_114, %dma_start3A_115] : memref<2x128x32xf32, #tpu.memory_space<vmem>> -> memref<1x128x32xf32, #tpu.memory_space<vmem>>
      %dma_start3A_117 = tpu.memref_squeeze %dma_start3A_116 : memref<1x128x32xf32, #tpu.memory_space<vmem>> -> memref<128x32xf32, #tpu.memory_space<vmem>>
      %dma_start3A_118 = arith.constant 0 : i32
      %dma_start3A_119 = tpu.memref_slice %arg9[%rem3A_76, %dma_start3A_118] : memref<2x128xi32, #tpu.memory_space<vmem>> -> memref<1x128xi32, #tpu.memory_space<vmem>>
      %dma_start3A_120 = tpu.memref_squeeze %dma_start3A_119 : memref<1x128xi32, #tpu.memory_space<vmem>> -> memref<128xi32, #tpu.memory_space<vmem>>
      %dma_start3A_121 = arith.constant 0 : i32
      %dma_start3A_122 = arith.constant 0 : i32
      %dma_start3A_123 = tpu.memref_slice %arg12[%dma_start3A_121, %dma_start3A_122] : memref<10112x32xf32, #tpu.memory_space<vmem_shared>> -> memref<10112x32xf32, #tpu.memory_space<vmem_shared>>
      tpu.enqueue_indirect_dma source(%dma_start3A_117 : memref<128x32xf32, #tpu.memory_space<vmem>>) target(%dma_start3A_123 : memref<10112x32xf32, #tpu.memory_space<vmem_shared>>) offsets(%dma_start3A_120 : memref<128xi32, #tpu.memory_space<vmem>>) semaphore(%arg14 : memref<!tpu.dma_semaphore, #tpu.memory_space<semaphore_mem>>) {add = true}
    }
    %scan3A_55 = arith.constant 81 : i32
    %dma_wait3A = arith.constant 0 : i32
    %dma_wait3A_56 = arith.constant 0 : i32
    %dma_wait3A_57 = arith.constant 0 : i32
    %dma_wait3A_58 = tpu.memref_slice %arg10[%dma_wait3A, %dma_wait3A_56, %dma_wait3A_57] : memref<2x128x32xf32, #tpu.memory_space<vmem>> -> memref<1x128x32xf32, #tpu.memory_space<vmem>>
    %dma_wait3A_59 = tpu.memref_squeeze %dma_wait3A_58 : memref<1x128x32xf32, #tpu.memory_space<vmem>> -> memref<128x32xf32, #tpu.memory_space<vmem>>
    %dma_wait3A_60 = arith.constant 0 : i32
    %dma_wait3A_61 = arith.constant 0 : i32
    %dma_wait3A_62 = tpu.memref_slice %arg12[%dma_wait3A_60, %dma_wait3A_61] : memref<10112x32xf32, #tpu.memory_space<vmem_shared>> -> memref<128x32xf32, #tpu.memory_space<vmem_shared>>
    %dma_wait3A_63 = arith.constant 0 : i32
    %dma_wait3A_64 = arith.constant 0 : i32
    %dma_wait3A_65 = tpu.memref_slice %arg12[%dma_wait3A_63, %dma_wait3A_64] : memref<10112x32xf32, #tpu.memory_space<vmem_shared>> -> memref<128x32xf32, #tpu.memory_space<vmem_shared>>
    %dma_wait3A_66 = arith.constant 0 : i32
    %dma_wait3A_67 = arith.constant 0 : i32
    %dma_wait3A_68 = tpu.memref_slice %arg10[%dma_wait3A, %dma_wait3A_66, %dma_wait3A_67] : memref<2x128x32xf32, #tpu.memory_space<vmem>> -> memref<1x128x32xf32, #tpu.memory_space<vmem>>
    %dma_wait3A_69 = tpu.memref_squeeze %dma_wait3A_68 : memref<1x128x32xf32, #tpu.memory_space<vmem>> -> memref<128x32xf32, #tpu.memory_space<vmem>>
    tpu.wait_dma2 semaphore(%arg14 : memref<!tpu.dma_semaphore, #tpu.memory_space<semaphore_mem>>) src(%dma_wait3A_69 : memref<128x32xf32, #tpu.memory_space<vmem>>) dst(%dma_wait3A_65 : memref<128x32xf32, #tpu.memory_space<vmem_shared>>)
    %barrier3A_70 = arith.constant 0 : index
    tpu.barrier barrier_id(%barrier3A_70)
    %mul3A_71 = arith.constant 632 : i32
    %mul3A_72 = arith.muli %arg1, %mul3A_71 : i32
    %mul3A_73 = arith.constant 632 : i32
    %mul3A_74 = arith.muli %arg1, %mul3A_73 : i32
    "tpu.region"() ({
      %run_scoped3A_75 = tpu.sem_alloc : memref<!tpu.dma_semaphore, #tpu.memory_space<semaphore_mem>>
      %dma_start3A_76 = arith.constant 0 : i32
      %dma_start3A_77 = tpu.memref_slice %arg6[%arg0, %mul3A_74, %dma_start3A_76] : memref<2x10112x32xf32, #tpu.memory_space<hbm>> -> memref<1x632x32xf32, #tpu.memory_space<hbm>>
      %dma_start3A_78 = tpu.memref_squeeze %dma_start3A_77 : memref<1x632x32xf32, #tpu.memory_space<hbm>> -> memref<632x32xf32, #tpu.memory_space<hbm>>
      %dma_start3A_79 = arith.constant 0 : i32
      %dma_start3A_80 = tpu.memref_slice %arg12[%mul3A_72, %dma_start3A_79] : memref<10112x32xf32, #tpu.memory_space<vmem_shared>> -> memref<632x32xf32, #tpu.memory_space<vmem_shared>>
      tpu.enqueue_dma source(%dma_start3A_80 : memref<632x32xf32, #tpu.memory_space<vmem_shared>>) target(%dma_start3A_78 : memref<632x32xf32, #tpu.memory_space<hbm>>) target_semaphore(%run_scoped3A_75 : memref<!tpu.dma_semaphore, #tpu.memory_space<semaphore_mem>>)
      %dma_wait3A_81 = arith.constant 0 : i32
      %dma_wait3A_82 = tpu.memref_slice %arg6[%arg0, %mul3A_74, %dma_wait3A_81] : memref<2x10112x32xf32, #tpu.memory_space<hbm>> -> memref<1x632x32xf32, #tpu.memory_space<hbm>>
      %dma_wait3A_83 = tpu.memref_squeeze %dma_wait3A_82 : memref<1x632x32xf32, #tpu.memory_space<hbm>> -> memref<632x32xf32, #tpu.memory_space<hbm>>
      %dma_wait3A_84 = arith.constant 0 : i32
      %dma_wait3A_85 = tpu.memref_slice %arg12[%mul3A_72, %dma_wait3A_84] : memref<10112x32xf32, #tpu.memory_space<vmem_shared>> -> memref<632x32xf32, #tpu.memory_space<vmem_shared>>
      tpu.wait_dma2 semaphore(%run_scoped3A_75 : memref<!tpu.dma_semaphore, #tpu.memory_space<semaphore_mem>>) src(%dma_wait3A_85 : memref<632x32xf32, #tpu.memory_space<vmem_shared>>) dst(%dma_wait3A_83 : memref<632x32xf32, #tpu.memory_space<hbm>>)
      tpu.yield
    }) : () -> ()
    return
  }
}

module attributes {stable_mosaic.version = 14 : i64} {
  func.func @_prep1_body(%arg0: i32, %arg1: memref<1000x128xf32, #tpu.memory_space<vmem>>, %arg2: memref<128x128xf32, #tpu.memory_space<vmem>>, %arg3: memref<128x8xf32, #tpu.memory_space<vmem>>, %arg4: memref<128x8xf32, #tpu.memory_space<vmem>>, %arg5: memref<1000x144xf32, #tpu.memory_space<vmem>>, %arg6: memref<1000x16xf32, #tpu.memory_space<vmem>>) attributes {dimension_semantics = [#tpu.dimension_semantics<arbitrary>], iteration_bounds = array<i64: 10>, scalar_prefetch = 0 : i64, scratch_operands = 0 : i64, tpu.core_type = #tpu.core_type<tc>, window_params = [{transform_indices = @transform_0, window_bounds = array<i64: 1000, 128>}, {pipeline_mode = #tpu.pipeline_mode<synchronous>, transform_indices = @transform_1, window_bounds = array<i64: 128, 128>}, {pipeline_mode = #tpu.pipeline_mode<synchronous>, transform_indices = @transform_2, window_bounds = array<i64: 128, 8>}, {pipeline_mode = #tpu.pipeline_mode<synchronous>, transform_indices = @transform_3, window_bounds = array<i64: 128, 8>}, {transform_indices = @transform_4, window_bounds = array<i64: 1000, 144>}, {transform_indices = @transform_5, window_bounds = array<i64: 1000, 16>}]} {
    %get3A = arith.constant 0 : index
    %get3A_0 = arith.constant 0 : index
    %get3A_1 = vector.load %arg1[%get3A, %get3A_0] : memref<1000x128xf32, #tpu.memory_space<vmem>>, vector<1000x128xf32>
    %get3A_2 = arith.constant 0 : index
    %get3A_3 = arith.constant 0 : index
    %get3A_4 = vector.load %arg2[%get3A_2, %get3A_3] : memref<128x128xf32, #tpu.memory_space<vmem>>, vector<128x128xf32>
    %dot_general3A = arith.constant dense<0.000000e+00> : vector<1000x128xf32>
    %dot_general3A_5 = tpu.matmul %get3A_1, %get3A_4, %dot_general3A {dimension_numbers = #tpu.dot_dimension_numbers<[1], [0], [0], [1], [0, 0, 1, 1], [], []>, transpose_lhs_hint = false} : vector<1000x128xf32>, vector<128x128xf32>, vector<1000x128xf32> -> vector<1000x128xf32>
    %get3A_6 = arith.constant 0 : index
    %get3A_7 = arith.constant 0 : index
    %get3A_8 = vector.load %arg3[%get3A_6, %get3A_7] : memref<128x8xf32, #tpu.memory_space<vmem>>, vector<128x8xf32>
    %dot_general3A_9 = arith.constant dense<0.000000e+00> : vector<1000x8xf32>
    %dot_general3A_10 = tpu.matmul %dot_general3A_5, %get3A_8, %dot_general3A_9 {dimension_numbers = #tpu.dot_dimension_numbers<[1], [0], [0], [1], [0, 0, 1, 1], [], []>, transpose_lhs_hint = false} : vector<1000x128xf32>, vector<128x8xf32>, vector<1000x8xf32> -> vector<1000x8xf32>
    %get3A_11 = arith.constant 0 : index
    %get3A_12 = arith.constant 0 : index
    %get3A_13 = vector.load %arg4[%get3A_11, %get3A_12] : memref<128x8xf32, #tpu.memory_space<vmem>>, vector<128x8xf32>
    %dot_general3A_14 = arith.constant dense<0.000000e+00> : vector<1000x8xf32>
    %dot_general3A_15 = tpu.matmul %dot_general3A_5, %get3A_13, %dot_general3A_14 {dimension_numbers = #tpu.dot_dimension_numbers<[1], [0], [0], [1], [0, 0, 1, 1], [], []>, transpose_lhs_hint = false} : vector<1000x128xf32>, vector<128x8xf32>, vector<1000x8xf32> -> vector<1000x8xf32>
    %swap3A = arith.constant 0 : index
    %swap3A_16 = arith.constant 0 : index
    %swap3A_17 = vector.load %arg5[%swap3A, %swap3A_16] : memref<1000x144xf32, #tpu.memory_space<vmem>>, vector<1000x128xf32>
    tpu.vector_store %arg5[%swap3A, %swap3A_16], %dot_general3A_5 {strides = array<i32>} : memref<1000x144xf32, #tpu.memory_space<vmem>>, vector<1000x128xf32>,
    %swap3A_18 = arith.constant 0 : index
    %swap3A_19 = arith.constant 128 : index
    %swap3A_20 = vector.load %arg5[%swap3A_18, %swap3A_19] : memref<1000x144xf32, #tpu.memory_space<vmem>>, vector<1000x8xf32>
    tpu.vector_store %arg5[%swap3A_18, %swap3A_19], %dot_general3A_10 {strides = array<i32>} : memref<1000x144xf32, #tpu.memory_space<vmem>>, vector<1000x8xf32>,
    %swap3A_21 = arith.constant 0 : index
    %swap3A_22 = arith.constant 136 : index
    %swap3A_23 = vector.load %arg5[%swap3A_21, %swap3A_22] : memref<1000x144xf32, #tpu.memory_space<vmem>>, vector<1000x8xf32>
    tpu.vector_store %arg5[%swap3A_21, %swap3A_22], %dot_general3A_15 {strides = array<i32>} : memref<1000x144xf32, #tpu.memory_space<vmem>>, vector<1000x8xf32>,
    %swap3A_24 = arith.constant 0 : index
    %swap3A_25 = arith.constant 0 : index
    %swap3A_26 = vector.load %arg6[%swap3A_24, %swap3A_25] : memref<1000x16xf32, #tpu.memory_space<vmem>>, vector<1000x8xf32>
    tpu.vector_store %arg6[%swap3A_24, %swap3A_25], %dot_general3A_15 {strides = array<i32>} : memref<1000x16xf32, #tpu.memory_space<vmem>>, vector<1000x8xf32>,
    %broadcast_in_dim3A = arith.constant 0.000000e+00 : f32
    %broadcast_in_dim3A_27 = vector.broadcast %broadcast_in_dim3A : f32 to vector<1000x8xf32>
    %swap3A_28 = arith.constant 0 : index
    %swap3A_29 = arith.constant 8 : index
    %swap3A_30 = vector.load %arg6[%swap3A_28, %swap3A_29] : memref<1000x16xf32, #tpu.memory_space<vmem>>, vector<1000x8xf32>
    tpu.vector_store %arg6[%swap3A_28, %swap3A_29], %broadcast_in_dim3A_27 {strides = array<i32>} : memref<1000x16xf32, #tpu.memory_space<vmem>>, vector<1000x8xf32>,
    return
  }
  func.func @transform_0(%arg0: i32) -> (i32, i32) {
    %c0_i32 = arith.constant 0 : i32
    %c0_i32_0 = arith.constant 0 : i32
    return %arg0, %c0_i32 : i32, i32
  }
  func.func @transform_1(%arg0: i32) -> (i32, i32) {
    %c0_i32 = arith.constant 0 : i32
    %c0_i32_0 = arith.constant 0 : i32
    %c0_i32_1 = arith.constant 0 : i32
    return %c0_i32, %c0_i32_0 : i32, i32
  }
  func.func @transform_2(%arg0: i32) -> (i32, i32) {
    %c0_i32 = arith.constant 0 : i32
    %c0_i32_0 = arith.constant 0 : i32
    %c0_i32_1 = arith.constant 0 : i32
    return %c0_i32, %c0_i32_0 : i32, i32
  }
  func.func @transform_3(%arg0: i32) -> (i32, i32) {
    %c0_i32 = arith.constant 0 : i32
    %c0_i32_0 = arith.constant 0 : i32
    %c0_i32_1 = arith.constant 0 : i32
    return %c0_i32, %c0_i32_0 : i32, i32
  }
  func.func @transform_4(%arg0: i32) -> (i32, i32) {
    %c0_i32 = arith.constant 0 : i32
    %c0_i32_0 = arith.constant 0 : i32
    return %arg0, %c0_i32 : i32, i32
  }
  func.func @transform_5(%arg0: i32) -> (i32, i32) {
    %c0_i32 = arith.constant 0 : i32
    %c0_i32_0 = arith.constant 0 : i32
    return %arg0, %c0_i32 : i32, i32
  }
}

module attributes {stable_mosaic.version = 14 : i64} {
  func.func @_mid_body(%arg0: i32, %arg1: memref<2x1000x144xf32, #tpu.memory_space<vmem>>, %arg2: memref<1x128xf32, #tpu.memory_space<vmem>>, %arg3: memref<128x16xf32, #tpu.memory_space<vmem>>, %arg4: memref<16x16xf32, #tpu.memory_space<vmem>>, %arg5: memref<16x16xf32, #tpu.memory_space<vmem>>, %arg6: memref<8x128xf32, #tpu.memory_space<vmem>>, %arg7: memref<1000x32xf32, #tpu.memory_space<vmem>>, %arg8: memref<1000x16xf32, #tpu.memory_space<vmem>>) attributes {dimension_semantics = [#tpu.dimension_semantics<arbitrary>], iteration_bounds = array<i64: 10>, scalar_prefetch = 0 : i64, scratch_operands = 0 : i64, tpu.core_type = #tpu.core_type<tc>, window_params = [{transform_indices = @transform_0, window_bounds = array<i64: 2, 1000, 144>}, {pipeline_mode = #tpu.pipeline_mode<synchronous>, transform_indices = @transform_1, window_bounds = array<i64: 1, 128>}, {pipeline_mode = #tpu.pipeline_mode<synchronous>, transform_indices = @transform_2, window_bounds = array<i64: 128, 16>}, {pipeline_mode = #tpu.pipeline_mode<synchronous>, transform_indices = @transform_3, window_bounds = array<i64: 16, 16>}, {pipeline_mode = #tpu.pipeline_mode<synchronous>, transform_indices = @transform_4, window_bounds = array<i64: 16, 16>}, {pipeline_mode = #tpu.pipeline_mode<synchronous>, transform_indices = @transform_5, window_bounds = array<i64: 8, 128>}, {transform_indices = @transform_6, window_bounds = array<i64: 1000, 32>}, {transform_indices = @transform_7, window_bounds = array<i64: 1000, 16>}]} {
    %get3A = arith.constant 0 : index
    %get3A_0 = arith.constant 0 : index
    %get3A_1 = arith.constant 0 : index
    %get3A_2 = vector.load %arg1[%get3A, %get3A_0, %get3A_1] : memref<2x1000x144xf32, #tpu.memory_space<vmem>>, vector<1x1000x144xf32>
    %get3A_3 = vector.shape_cast %get3A_2 : vector<1x1000x144xf32> to vector<1000x144xf32>
    %get3A_4 = arith.constant 1 : index
    %get3A_5 = arith.constant 0 : index
    %get3A_6 = arith.constant 0 : index
    %get3A_7 = vector.load %arg1[%get3A_4, %get3A_5, %get3A_6] : memref<2x1000x144xf32, #tpu.memory_space<vmem>>, vector<1x1000x144xf32>
    %get3A_8 = vector.shape_cast %get3A_7 : vector<1x1000x144xf32> to vector<1000x144xf32>
    %add3A = arith.addf %get3A_3, %get3A_8 : vector<1000x144xf32>
    %slice3A = vector.extract_strided_slice %add3A {offsets = [0, 0], sizes = [1000, 128], strides = [1, 1]} : vector<1000x144xf32> to vector<1000x128xf32>
    %slice3A_9 = vector.extract_strided_slice %add3A {offsets = [0, 128], sizes = [1000, 8], strides = [1, 1]} : vector<1000x144xf32> to vector<1000x8xf32>
    %add3A_10 = arith.constant 1.000000e-16 : f32
    %add3A_11 = vector.broadcast %add3A_10 : f32 to vector<1000x8xf32>
    %add3A_12 = arith.addf %slice3A_9, %add3A_11 : vector<1000x8xf32>
    %div3A = arith.constant 1.000000e+00 : f32
    %div3A_13 = vector.broadcast %div3A : f32 to vector<1000x8xf32>
    %div3A_14 = arith.divf %div3A_13, %add3A_12 : vector<1000x8xf32>
    %get3A_15 = arith.constant 0 : index
    %get3A_16 = arith.constant 0 : index
    %get3A_17 = vector.load %arg6[%get3A_15, %get3A_16] : memref<8x128xf32, #tpu.memory_space<vmem>>, vector<8x128xf32>
    %dot_general3A = arith.constant dense<0.000000e+00> : vector<1000x128xf32>
    %dot_general3A_18 = tpu.matmul %div3A_14, %get3A_17, %dot_general3A {dimension_numbers = #tpu.dot_dimension_numbers<[1], [0], [0], [1], [0, 0, 1, 1], [], []>, transpose_lhs_hint = false} : vector<1000x8xf32>, vector<8x128xf32>, vector<1000x128xf32> -> vector<1000x128xf32>
    %mul3A = arith.mulf %slice3A, %dot_general3A_18 : vector<1000x128xf32>
    %get3A_19 = arith.constant 0 : index
    %get3A_20 = arith.constant 0 : index
    %get3A_21 = vector.load %arg2[%get3A_19, %get3A_20] : memref<1x128xf32, #tpu.memory_space<vmem>>, vector<1x128xf32>
    %add3A_22 = vector.broadcast %get3A_21 : vector<1x128xf32> to vector<1000x128xf32>
    %add3A_23 = arith.addf %mul3A, %add3A_22 : vector<1000x128xf32>
    %gt3A = arith.constant 0.000000e+00 : f32
    %gt3A_24 = vector.broadcast %gt3A : f32 to vector<1000x128xf32>
    %gt3A_25 = arith.cmpf ogt, %add3A_23, %gt3A_24 : vector<1000x128xf32>
    %exp3A = math.exp %add3A_23 : vector<1000x128xf32>
    %sub3A = arith.constant 1.000000e+00 : f32
    %sub3A_26 = vector.broadcast %sub3A : f32 to vector<1000x128xf32>
    %sub3A_27 = arith.subf %exp3A, %sub3A_26 : vector<1000x128xf32>
    %select_n3A = arith.select %gt3A_25, %add3A_23, %sub3A_27 : vector<1000x128xi1>, vector<1000x128xf32>
    %get3A_28 = arith.constant 0 : index
    %get3A_29 = arith.constant 0 : index
    %get3A_30 = vector.load %arg3[%get3A_28, %get3A_29] : memref<128x16xf32, #tpu.memory_space<vmem>>, vector<128x16xf32>
    %dot_general3A_31 = arith.constant dense<0.000000e+00> : vector<1000x16xf32>
    %dot_general3A_32 = tpu.matmul %select_n3A, %get3A_30, %dot_general3A_31 {dimension_numbers = #tpu.dot_dimension_numbers<[1], [0], [0], [1], [0, 0, 1, 1], [], []>, transpose_lhs_hint = false} : vector<1000x128xf32>, vector<128x16xf32>, vector<1000x16xf32> -> vector<1000x16xf32>
    %get3A_33 = arith.constant 0 : index
    %get3A_34 = arith.constant 0 : index
    %get3A_35 = vector.load %arg4[%get3A_33, %get3A_34] : memref<16x16xf32, #tpu.memory_space<vmem>>, vector<16x16xf32>
    %dot_general3A_36 = arith.constant dense<0.000000e+00> : vector<1000x16xf32>
    %dot_general3A_37 = tpu.matmul %dot_general3A_32, %get3A_35, %dot_general3A_36 {dimension_numbers = #tpu.dot_dimension_numbers<[1], [0], [0], [1], [0, 0, 1, 1], [], []>, transpose_lhs_hint = false} : vector<1000x16xf32>, vector<16x16xf32>, vector<1000x16xf32> -> vector<1000x16xf32>
    %get3A_38 = arith.constant 0 : index
    %get3A_39 = arith.constant 0 : index
    %get3A_40 = vector.load %arg5[%get3A_38, %get3A_39] : memref<16x16xf32, #tpu.memory_space<vmem>>, vector<16x16xf32>
    %dot_general3A_41 = arith.constant dense<0.000000e+00> : vector<1000x16xf32>
    %dot_general3A_42 = tpu.matmul %dot_general3A_32, %get3A_40, %dot_general3A_41 {dimension_numbers = #tpu.dot_dimension_numbers<[1], [0], [0], [1], [0, 0, 1, 1], [], []>, transpose_lhs_hint = false} : vector<1000x16xf32>, vector<16x16xf32>, vector<1000x16xf32> -> vector<1000x16xf32>
    %swap3A = arith.constant 0 : index
    %swap3A_43 = arith.constant 0 : index
    %swap3A_44 = vector.load %arg7[%swap3A, %swap3A_43] : memref<1000x32xf32, #tpu.memory_space<vmem>>, vector<1000x16xf32>
    tpu.vector_store %arg7[%swap3A, %swap3A_43], %dot_general3A_32 {strides = array<i32>} : memref<1000x32xf32, #tpu.memory_space<vmem>>, vector<1000x16xf32>,
    %swap3A_45 = arith.constant 0 : index
    %swap3A_46 = arith.constant 16 : index
    %swap3A_47 = vector.load %arg7[%swap3A_45, %swap3A_46] : memref<1000x32xf32, #tpu.memory_space<vmem>>, vector<1000x16xf32>
    tpu.vector_store %arg7[%swap3A_45, %swap3A_46], %dot_general3A_37 {strides = array<i32>} : memref<1000x32xf32, #tpu.memory_space<vmem>>, vector<1000x16xf32>,
    %swap3A_48 = arith.constant 0 : index
    %swap3A_49 = arith.constant 0 : index
    %swap3A_50 = vector.load %arg8[%swap3A_48, %swap3A_49] : memref<1000x16xf32, #tpu.memory_space<vmem>>, vector<1000x16xf32>
    tpu.vector_store %arg8[%swap3A_48, %swap3A_49], %dot_general3A_42 {strides = array<i32>} : memref<1000x16xf32, #tpu.memory_space<vmem>>, vector<1000x16xf32>,
    return
  }
  func.func @transform_0(%arg0: i32) -> (i32, i32, i32) {
    %c0_i32 = arith.constant 0 : i32
    %c0_i32_0 = arith.constant 0 : i32
    %c0_i32_1 = arith.constant 0 : i32
    return %c0_i32, %arg0, %c0_i32_0 : i32, i32, i32
  }
  func.func @transform_1(%arg0: i32) -> (i32, i32) {
    %c0_i32 = arith.constant 0 : i32
    %c0_i32_0 = arith.constant 0 : i32
    %c0_i32_1 = arith.constant 0 : i32
    return %c0_i32, %c0_i32_0 : i32, i32
  }
  func.func @transform_2(%arg0: i32) -> (i32, i32) {
    %c0_i32 = arith.constant 0 : i32
    %c0_i32_0 = arith.constant 0 : i32
    %c0_i32_1 = arith.constant 0 : i32
    return %c0_i32, %c0_i32_0 : i32, i32
  }
  func.func @transform_3(%arg0: i32) -> (i32, i32) {
    %c0_i32 = arith.constant 0 : i32
    %c0_i32_0 = arith.constant 0 : i32
    %c0_i32_1 = arith.constant 0 : i32
    return %c0_i32, %c0_i32_0 : i32, i32
  }
  func.func @transform_4(%arg0: i32) -> (i32, i32) {
    %c0_i32 = arith.constant 0 : i32
    %c0_i32_0 = arith.constant 0 : i32
    %c0_i32_1 = arith.constant 0 : i32
    return %c0_i32, %c0_i32_0 : i32, i32
  }
  func.func @transform_5(%arg0: i32) -> (i32, i32) {
    %c0_i32 = arith.constant 0 : i32
    %c0_i32_0 = arith.constant 0 : i32
    %c0_i32_1 = arith.constant 0 : i32
    return %c0_i32, %c0_i32_0 : i32, i32
  }
  func.func @transform_6(%arg0: i32) -> (i32, i32) {
    %c0_i32 = arith.constant 0 : i32
    %c0_i32_0 = arith.constant 0 : i32
    return %arg0, %c0_i32 : i32, i32
  }
  func.func @transform_7(%arg0: i32) -> (i32, i32) {
    %c0_i32 = arith.constant 0 : i32
    %c0_i32_0 = arith.constant 0 : i32
    return %arg0, %c0_i32 : i32, i32
  }
}

module attributes {stable_mosaic.version = 14 : i64} {
  func.func @_fin_body(%arg0: i32, %arg1: memref<2x1000x32xf32, #tpu.memory_space<vmem>>, %arg2: memref<1x16xf32, #tpu.memory_space<vmem>>, %arg3: memref<1000x16xf32, #tpu.memory_space<vmem>>) attributes {dimension_semantics = [#tpu.dimension_semantics<arbitrary>], iteration_bounds = array<i64: 10>, scalar_prefetch = 0 : i64, scratch_operands = 0 : i64, tpu.core_type = #tpu.core_type<tc>, window_params = [{transform_indices = @transform_0, window_bounds = array<i64: 2, 1000, 32>}, {pipeline_mode = #tpu.pipeline_mode<synchronous>, transform_indices = @transform_1, window_bounds = array<i64: 1, 16>}, {transform_indices = @transform_2, window_bounds = array<i64: 1000, 16>}]} {
    %get3A = arith.constant 0 : index
    %get3A_0 = arith.constant 0 : index
    %get3A_1 = arith.constant 0 : index
    %get3A_2 = vector.load %arg1[%get3A, %get3A_0, %get3A_1] : memref<2x1000x32xf32, #tpu.memory_space<vmem>>, vector<1x1000x32xf32>
    %get3A_3 = vector.shape_cast %get3A_2 : vector<1x1000x32xf32> to vector<1000x32xf32>
    %get3A_4 = arith.constant 1 : index
    %get3A_5 = arith.constant 0 : index
    %get3A_6 = arith.constant 0 : index
    %get3A_7 = vector.load %arg1[%get3A_4, %get3A_5, %get3A_6] : memref<2x1000x32xf32, #tpu.memory_space<vmem>>, vector<1x1000x32xf32>
    %get3A_8 = vector.shape_cast %get3A_7 : vector<1x1000x32xf32> to vector<1000x32xf32>
    %add3A = arith.addf %get3A_3, %get3A_8 : vector<1000x32xf32>
    %slice3A = vector.extract_strided_slice %add3A {offsets = [0, 0], sizes = [1000, 16], strides = [1, 1]} : vector<1000x32xf32> to vector<1000x16xf32>
    %slice3A_9 = vector.extract_strided_slice %add3A {offsets = [0, 16], sizes = [1000, 16], strides = [1, 1]} : vector<1000x32xf32> to vector<1000x16xf32>
    %add3A_10 = arith.constant 1.000000e-16 : f32
    %add3A_11 = vector.broadcast %add3A_10 : f32 to vector<1000x16xf32>
    %add3A_12 = arith.addf %slice3A_9, %add3A_11 : vector<1000x16xf32>
    %div3A = arith.divf %slice3A, %add3A_12 : vector<1000x16xf32>
    %get3A_13 = arith.constant 0 : index
    %get3A_14 = arith.constant 0 : index
    %get3A_15 = vector.load %arg2[%get3A_13, %get3A_14] : memref<1x16xf32, #tpu.memory_space<vmem>>, vector<1x16xf32>
    %add3A_16 = vector.broadcast %get3A_15 : vector<1x16xf32> to vector<1000x16xf32>
    %add3A_17 = arith.addf %div3A, %add3A_16 : vector<1000x16xf32>
    %swap3A = arith.constant 0 : index
    %swap3A_18 = arith.constant 0 : index
    %swap3A_19 = vector.load %arg3[%swap3A, %swap3A_18] : memref<1000x16xf32, #tpu.memory_space<vmem>>, vector<1000x16xf32>
    tpu.vector_store %arg3[%swap3A, %swap3A_18], %add3A_17 {strides = array<i32>} : memref<1000x16xf32, #tpu.memory_space<vmem>>, vector<1000x16xf32>,
    return
  }
  func.func @transform_0(%arg0: i32) -> (i32, i32, i32) {
    %c0_i32 = arith.constant 0 : i32
    %c0_i32_0 = arith.constant 0 : i32
    %c0_i32_1 = arith.constant 0 : i32
    return %c0_i32, %arg0, %c0_i32_0 : i32, i32, i32
  }
  func.func @transform_1(%arg0: i32) -> (i32, i32) {
    %c0_i32 = arith.constant 0 : i32
    %c0_i32_0 = arith.constant 0 : i32
    %c0_i32_1 = arith.constant 0 : i32
    return %c0_i32, %c0_i32_0 : i32, i32
  }
  func.func @transform_2(%arg0: i32) -> (i32, i32) {
    %c0_i32 = arith.constant 0 : i32
    %c0_i32_0 = arith.constant 0 : i32
    return %arg0, %c0_i32 : i32, i32
  }
}

</mosaic_0001>

<sc_bundles>
// kernel: kernel.10.cloned.1.call-start
scs
__scs_entry_jumppad:
0x0: {  	(pc) =	sbr.rel $0x88, $3  }
0x1: {  	(tag) =	ssettag $0x0;
	lr =	simm.s32 $0x1  }
0x2: {  	[smem:$0x3F97] =	sst lr;
	_ =	strace $0xD0000000  }
0x3: {  	_ = 	snop  }
0x4: {  	_ = 	snop  }
0x5: {  	_ = 	snop  }
0x6: {  	_ = 	snop  }
0x7: {  	_ = 	snop  }
__scs_overlays_trampoline_lowered:
0x8: {  	[smem:$0x3FA6] =	sst s0  }
0x9: {  	[smem:$0x3FA7] =	sst s1  }
0xa: {  	[smem:$0x3FA8] =	sst s2  }
0xb: {  	[smem:$0x3FA9] =	sst s3  }
0xc: {  	[smem:$0x3FAA] =	sst s4  }
0xd: {  	[smem:$0x3FAB] =	sst s5  }
0xe: {  	[smem:$0x3FAC] =	sst s6  }
0xf: {  	[smem:$0x3FAD] =	sst s7  }
0x10: {  	[smem:$0x3FAE] =	sst s8  }
0x11: {  	[smem:$0x3FAF] =	sst s9;
	s0 =	simm.s32 @!p0 $0x0  }
0x12: {  	s1 =	sld [smem:$0x3F95];
	s0 =	simm.s32 @p0 $0x1  }
0x13: {  	[smem:$0x3FB0] =	sst s0;
	s0 =	simm.s32 @!p1 $0x0  }
0x14: {  	s2 =	sld [smem:$0x3F94];
	s0 =	simm.s32 @p1 $0x1  }
0x15: {  	[smem:$0x3FB1] =	sst s0;
	s0 =	simm.s32 @!p2 $0x0  }
0x16: {  	s3 =	sld [smem:$0x3FDB];
	s0 =	simm.s32 @p2 $0x1  }
0x17: {  	s4 =	simm.s32 $0x1BF5;
	[smem:$0x3FB3] =	sst s0  }
0x18: {  	s0 =	sld [smem:$0x3F96];
	_ =	swait.ge [sflag:s4], $0x0  }
0x19: {  	s7 =	sld [smem:$0x3F97]  }
0x1a: {  	s8 =	sadd.s32 $0xFFFFE003, lr  }
0x1b: {  	s9 =	sadd.s32 $0xFFFFFEF7, lr;
	s5 =	simm.s32 $0xFFFFFFFF;
	p2 =	slt.u32 s8, $0xFFFFF086  }
0x1c: {  	p1 =	slt.u32 s9, $0xF7A;
	s5 =	simm.s32 @!p2 $0x0  }
0x1d: {  	s5 =	simm.s32 @p1 $0x1;
	p0 =	seq.s32 s7, s2  }
0x1e: {  	s7 =	smul.u32 @!p0 $0xF7A, s2;
	p2 =	seq.s32 @!p0 s5, $0x0  }
0x1f: {  	s9 =	smul.u32 $0xF7A, s1;
	s8 =	simm.s32 @!p0 $0x1BF5;
	p2 =	por !p2, p0  }
0x20: {  	[sflag:s8] =	ssyncset.s32 @!p0 $0xFFFFF086;
	s6 =	sadd.s32 @!p0 s3, s7;
	s7 =	simm.s32 @!p0 $0x108  }
0x21: {  	s3 =	sadd.s32 s3, s9;
	s6 =	sadd.s32 @!p0 $0x88, s6;
	s7 =	simm.s32 @p2 $0x1082  }
0x22: {  	[simem:s7], [sflag:s8] =	dma.local @!p0 [hbm:s6], $0xF7A  }
0x23: {  	s9 =	sor.u32 $0xD0000000, s2;
	s6 =	simm.s32 $0x108;
	_ =	swait.ge @!p0 [sflag:s8], $0x0  }
0x24: {  	s3 =	sadd.s32 $0x88, s3;
	s6 =	simm.s32 @!p1 $0x1082;
	[sflag:s4] =	ssyncset.s32 $0xFFFFF086  }
0x25: {  	[simem:s6], [sflag:s4] =	dma.local [hbm:s3], $0xF7A  }
0x26: {  	[smem:$0x3F97] =	sst s1;
	(tag) =	ssettag s2;
	_ =	strace s9  }
0x27: {  	s1 =	sld [smem:$0x3FA7]  }
0x28: {  	s2 =	sld [smem:$0x3FA8]  }
0x29: {  	s4 =	sld [smem:$0x3FAA]  }
0x2a: {  	p0 =	seq.s32 s5, $0x0;
	s5 =	sld [smem:$0x3FAB]  }
0x2b: {  	s6 =	sld [smem:$0x3FAC]  }
0x2c: {  	s7 =	sld [smem:$0x3FAD]  }
0x2d: {  	s3 =	simm.s32 $0x108;
	s8 =	sld [smem:$0x3FAE]  }
0x2e: {  	s3 =	simm.s32 @!p0 $0x1082;
	s9 =	sld [smem:$0x3FAF]  }
0x2f: {  	lr =	sadd.s32 s0, s3;
	s0 =	sld [smem:$0x3FA6]  }
0x30: {  	s3 =	sld [smem:$0x3FA9]  }
0x31: {  	[smem:$0x3FB2] =	sst s10  }
0x32: {  	s10 =	sld [smem:$0x3FB0];
	_ =	sdelay $0x3  }
0x33: {  	p0 =	seq.s32 s10, $0x1;
	s10 =	sld [smem:$0x3FB2];
	_ =	sdelay $0x3  }
0x34: {  	[smem:$0x3FB2] =	sst s10  }
0x35: {  	s10 =	sld [smem:$0x3FB1];
	_ =	sdelay $0x3  }
0x36: {  	p1 =	seq.s32 s10, $0x1;
	s10 =	sld [smem:$0x3FB2];
	_ =	sdelay $0x3  }
0x37: {  	[smem:$0x3FB2] =	sst s10  }
0x38: {  	s10 =	sld [smem:$0x3FB3]  }
0x39: {  	_ = 	snop;
	(pc) =	sbr.ind lr, $3  }
0x3a: {  	_ = 	snop  }
0x3b: {  	_ = 	snop  }
0x3c: {  	p2 =	seq.s32 s10, $0x1;
	s10 =	sld [smem:$0x3FB2]  }
0x3d: {  	_ =	shalt  }
0x3e: {  	_ =	shalt  }
0x3f: {  	_ =	shalt  }
0x40: {  	_ =	shalt  }
0x41: {  	_ =	shalt  }
0x42: {  	_ =	shalt  }
0x43: {  	_ =	shalt  }
0x44: {  	_ =	shalt  }
0x45: {  	_ =	shalt  }
0x46: {  	_ =	shalt  }
0x47: {  	_ =	shalt  }
0x48: {  	_ =	shalt  }
0x49: {  	_ =	shalt  }
0x4a: {  	_ =	shalt  }
0x4b: {  	_ =	shalt  }
0x4c: {  	_ =	shalt  }
0x4d: {  	_ =	shalt  }
0x4e: {  	_ =	shalt  }
0x4f: {  	_ =	shalt  }
0x50: {  	_ =	shalt  }
0x51: {  	_ =	shalt  }
0x52: {  	_ =	shalt  }
0x53: {  	_ =	shalt  }
0x54: {  	_ =	shalt  }
0x55: {  	_ =	shalt  }
0x56: {  	_ =	shalt  }
0x57: {  	_ =	shalt  }
0x58: {  	_ =	shalt  }
0x59: {  	_ =	shalt  }
0x5a: {  	_ =	shalt  }
0x5b: {  	_ =	shalt  }
0x5c: {  	_ =	shalt  }
0x5d: {  	_ =	shalt  }
0x5e: {  	_ =	shalt  }
0x5f: {  	_ =	shalt  }
0x60: {  	_ =	shalt  }
0x61: {  	_ =	shalt  }
0x62: {  	_ =	shalt  }
0x63: {  	_ =	shalt  }
0x64: {  	_ =	shalt  }
0x65: {  	_ =	shalt  }
0x66: {  	_ =	shalt  }
0x67: {  	_ =	shalt  }
0x68: {  	_ =	shalt  }
0x69: {  	_ =	shalt  }
0x6a: {  	_ =	shalt  }
0x6b: {  	_ =	shalt  }
0x6c: {  	_ =	shalt  }
0x6d: {  	_ =	shalt  }
0x6e: {  	_ =	shalt  }
0x6f: {  	_ =	shalt  }
0x70: {  	_ =	shalt  }
0x71: {  	_ =	shalt  }
0x72: {  	_ =	shalt  }
0x73: {  	_ =	shalt  }
0x74: {  	_ =	shalt  }
0x75: {  	_ =	shalt  }
0x76: {  	_ =	shalt  }
0x77: {  	_ =	shalt  }
0x78: {  	_ =	shalt  }
0x79: {  	_ =	shalt  }
0x7a: {  	_ =	shalt  }
0x7b: {  	_ =	shalt  }
0x7c: {  	_ =	shalt  }
0x7d: {  	_ =	shalt  }
0x7e: {  	_ =	shalt  }
0x7f: {  	_ =	shalt  }
0x80: {  	_ =	shalt  }
0x81: {  	_ =	shalt  }
0x82: {  	_ =	shalt  }
0x83: {  	_ =	shalt  }
0x84: {  	_ =	shalt  }
0x85: {  	_ =	shalt  }
0x86: {  	_ =	shalt  }
0x87: {  	_ =	shalt  }
.Lfunc_end0:
.L_simem_size_0:
called_computation.1_lowered:
.L_overlay_start_0:
0x88: {  	s2 =	sld [smem:$0x3FD9]  }
0x89: {  	s3 =	sld [smem:$0x3FFE];
	_ =	sdelay $0x1  }
0x8a: {  	s1 =	srdreg.scid  }
0x8b: {  	s0 =	sand.u32 $0x1, s1  }
0x8c: {  	s17 =	sshll.u32 s0, $0xA;
	s2 =	sadd.s32 s3, s2  }
0x8d: {  	s2 =	sadd.s32 s2, s17  }
0x8e: {  	[smem:$0x3FBE] =	sst s2  }
0x8f: {  	_ = 	snop  }
0x90: {  	s2 =	sld [smem:$0x3FD0];
	(tm) =	ssettm $0x1  }
0x91: {  	s18 =	sld [smem:$0x3FFB];
	_ =	sdelay $0x3  }
0x92: {  	_ =	strace s18  }
0x93: {  	s3 =	sld [smem:$0x3FFC];
	_ =	sdelay $0x3  }
0x94: {  	_ =	strace s3  }
0x95: {  	s3 =	sld [smem:$0x3FFD];
	_ =	sdelay $0x3  }
0x96: {  	_ =	strace s3  }
0x97: {  	_ =	strace $0x8FFFFFFF  }
0x98: {  	s19 =	sld [smem:$0x3FDB];
	_ =	sdelay $0x1  }
0x99: {  	s4 =	simm.s32 $_scs_section_size  }
0x9a: {  	s5 =	simm.s32 $_size__tile_overlayer_lowered;
	s6 =	simm.s32 $_tile_overlayer_lowered  }
0x9b: {  	s22 =	simm.s32 $0x1BFF;
	s21 =	sshll.u32 s6, $0x1;
	s3 =	sadd.s32 s4, s19  }
0x9c: {  	s7 =	simm.s32 $0x0;
	s20 =	sshll.u32 s5, $0x1;
	s5 =	sadd.s32 s21, s3  }
0x9d: {  	[timem:s7], [sflag:s22] =	dma.local [hbm:s5], s20  }
0x9e: {  	_ =	swait.ge [sflag:s22], s20  }
0x9f: {  	s4 =	ssub.s32 $0x0, s20;
	[sflag:s22] =	ssyncset.done $0x0  }
0xa0: {  	[sflag:s22] =	ssyncadd.s32 s4;
	_ =	sdelay $0x1  }
0xa1: {  	s23 =	simm.s32 $0x1B8B  }
0xa2: {  	_ =	swait.ge [sflag:s23], $0x1  }
0xa3: {  	[sflag:s23] =	ssyncset.done $0x0  }
0xa4: {  	s25 =	simm.s32 $0x1B8E;
	s24 =	sld [smem:$0x3FFE];
	[sflag:s23] =	ssyncadd.s32 $0xFFFFFFFF  }
0xa5: {  	s26 =	simm.s32 $execute0_lowered;
	[smem:$0x3FD2] =	sst s25  }
0xa6: {  	s5 =	sshll.u32 s26, $0x1;
	_ =	strace $0x80000049;
	[dreg:$0x1] =	wrdreg $0xFFFFFFFF  }
0xa7: {  	s28 =	simm.s32 $_size_execute0_lowered;
	s3 =	sadd.s32 s3, s5;
	[dreg:$0x0] =	wrdreg $0x0  }
0xa8: {  	s5 =	sshll.u32 s28, $0x1;
	[dreg:$0x2] =	wrdreg s3  }
0xa9: {  	[dreg:$0x3] =	wrdreg s5  }
0xaa: {  	[dreg:$0x4] =	wrdreg $0xC0  }
0xab: {  	_ =	task [dreg:s7], $0x5FFFF  }
0xac: {  	[dreg:$0x1] =	wrdreg $0xFFFFFFFF  }
0xad: {  	[dreg:$0x0] =	wrdreg $0x60  }
0xae: {  	[dreg:$0x2] =	wrdreg s24  }
0xaf: {  	[dreg:$0x3] =	wrdreg s2  }
0xb0: {  	[dreg:$0x4] =	wrdreg $0x33000  }
0xb1: {  	[dreg:$0x5] =	wrdreg $0x9  }
0xb2: {  	_ =	task.clear_ibuf [dreg:s7], $0x6FFFF;
	_ =	strace $0x90000049  }
0xb3: {  	s29 =	simm.s32 $0x9;
	_ =	strace $0x8000004B  }
0xb4: {  	_ =	swait.ge [sflag:s29], $0x1  }
0xb5: {  	[sflag:s29] =	ssyncadd.s32 $0xFFFFFFFF  }
0xb6: {  	_ =	strace $0x9000004B  }
0xb7: {  	_ =	sfence  }
0xb8: {  	s30 =	sld [smem:$0x0];
	_ =	sdelay $0x2  }
0xb9: {  	s31 =	sshll.u32 s1, $0xD;
	s1 =	sshrl.u32 s1, $0x2  }
0xba: {  	s3 =	sand.u32 $0x4000, s31;
	s1 =	sadd.s32 s1, s30  }
0xbb: {  	s0 =	sor.u32 s3, s0;
	s1 =	sshll.u32 s1, $0x11  }
0xbc: {  	s0 =	sor.u32 s1, s0  }
0xbd: {  	s0 =	sadd.s32 $0x8F2B, s0  }
0xbe: {  	[sflag:s0] =	ssyncadd.remote.s32 $0x1  }
0xbf: {  	_ =	sfence.sel $0xFFFF  }
0xc0: {  	[dreg:$0x0] =	wrdreg $0xFFFFFFFF;
	(pc) =	sbr.abs _section_cstart, $3  }
0xc1: {  	[dreg:$0x1] =	wrdreg $0xFFFFFFFF  }
0xc2: {  	_ =	task.clear_ibuf [dreg:s7], $0x2FFFF;
	_ =	strace $0x9FFFFFFF  }
0xc3: {  	(tm) =	ssettm $0x7FFFFFFF  }
tec
execute0_lowered:
.L_overlay_start_1:
0x0: {  	(tag) =	ssettag $0x1  }
0x1: {  	s0 =	rddreg [dreg:$0x0]  }
0x2: {  	s2 =	rddreg [dreg:$0x1]  }
0x3: {  	s3 =	rddreg [dreg:$0x2]  }
0x4: {  	s4 =	simm.s32 $0x0;
	s1 =	stileid.u32;
	s5 =	srdreg.scid  }
0x5: {  	s17 =	simm.s32 $0x100;
	s18 =	simm.s32 $0x300;
	s19 =	simm.s32 $0x200  }
0x6: {  	s20 =	simm.s32 $0x2300;
	s21 =	simm.s32 $0x1;
	s22 =	simm.s32 $0x2  }
0x7: {  	s23 =	simm.s32 $0x3;
	s24 =	simm.s32 $0x0;
	[smem:$0x7FF] =	sst s4  }
0x8: {  	s7 =	smul.u32 $0x4F00, s1;
	s6 =	sand.u32 $0x1, s5;
	s5 =	sadd.s32 $0x1600, s0  }
0x9: {  	s10 =	sadd.s32 $0xBCE00, s0;
	s30 =	sshll.u32 s1, $0x6;
	_ =	strace $0x8000004A  }
0xa: {  	s8 =	smul.u32 $0x4F000, s6;
	s11 =	sshll.u32 s6, $0x4;
	s12 =	ssub.s32 $0x2, s6  }
0xb: {  	s9 =	sshrl.u32 s7, $0x3;
	s11 =	sor.u32 s1, s11;
	s29 =	sshrl.u32 s12, $0x1  }
0xc: {  	s16 =	sadd.s32 s7, s3;
	s9 =	sadd.s32 s9, s0;
	s6 =	smul.u32 $0x51, s11  }
0xd: {  	s8 =	sadd.s32 s7, s8;
	s14 =	smul.u32 $0x2880, s11;
	s15 =	ssub.s32 s12, s29  }
0xe: {  	s11 =	smul.u32 $0x510, s11;
	s8 =	sshrl.u32 s8, $0x3;
	s7 =	sadd.s32 $0xB400, s9  }
0xf: {  	s13 =	sadd.s32 s8, s0;
	s31 =	sshrl.u32 s14, $0x3;
	s8 =	sor.u32 $0x1C04, s30  }
0x10: {  	s9 =	sadd.s32 s10, s11;
	s11 =	sadd.s32 $0xBCE20, s0;
	s14 =	sshrl.u32 s16, $0x3  }
0x11: {  	s16 =	simm.s32 $0x80;
	s10 =	sadd.s32 s10, s31;
	s12 =	sadd.s32 $0x15200, s13  }
0x12: {  	s13 =	smax.u32 s15, $0x1;
	s15 =	simm.s32 $0x4;
	s10 =	sadd.s32 $0x10, s10  }
.LBB2_1:
0x13: {  	[spmem:s14], [sflag:s8] =	dma.local [hbm:s7], $0x9E0  }
0x14: {  	_ =	swait.ge [sflag:s15], $0x9E0  }
0x15: {  	[sflag:s15] =	ssyncset.done $0x0  }
0x16: {  	[sflag:s15] =	ssyncadd.s32 $0xFFFFF620  }
0x17: {  	[bflag:$0x0] =	sbarrier.arrive $0xFFFF  }
0x18: {  	[tilespmem:s4], [sflag:$0x4] =	stream.linear.gather [hbm4b:s9+s4], $0x80, $0x38;
	[tilespmem:$0x8200] =	vst v63  }
0x19: {  	_ =	swait.ge [sflag:s15], $0x80  }
0x1a: {  	[sflag:s15] =	ssyncset.done $0x0  }
0x1b: {  	[sflag:s15] =	ssyncadd.s32 $0xFFFFFF80  }
0x1c: {  	v0 =	vld [tilespmem:$0x0];
	_ =	sdelay $0x1  }
0x1d: {  	v1 =	vld [tilespmem:$0x10];
	_ =	sdelay $0x1  }
0x1e: {  	v2 =	vld [tilespmem:$0x20]  }
0x1f: {  	v3 =	vshrl.u32 v0, $0xE  }
0x20: {  	v45 =	vld [tilespmem:$0x30];
	v0 =	vand.u32 $0x3FFF, v0;
	[tilespmem:$0x100] =	vst v3  }
0x21: {  	v46 =	vshrl.u32 v1, $0xE;
	[tilespmem:$0x200] =	vst v0  }
0x22: {  	v48 =	vld [tilespmem:$0x40];
	v47 =	vand.u32 $0x3FFF, v1;
	[tilespmem:$0x110] =	vst v46  }
0x23: {  	v49 =	vshrl.u32 v2, $0xE;
	[tilespmem:$0x210] =	vst v47  }
0x24: {  	v51 =	vld [tilespmem:$0x50];
	v50 =	vand.u32 $0x3FFF, v2;
	[tilespmem:$0x120] =	vst v49  }
0x25: {  	v52 =	vshrl.u32 v45, $0xE;
	[tilespmem:$0x220] =	vst v50  }
0x26: {  	v54 =	vld [tilespmem:$0x60];
	v53 =	vand.u32 $0x3FFF, v45;
	[tilespmem:$0x130] =	vst v52  }
0x27: {  	v55 =	vshrl.u32 v48, $0xE;
	[tilespmem:$0x230] =	vst v53  }
0x28: {  	v57 =	vld [tilespmem:$0x70];
	v56 =	vand.u32 $0x3FFF, v48;
	[tilespmem:$0x140] =	vst v55  }
0x29: {  	v58 =	vshrl.u32 v51, $0xE;
	[tilespmem:$0x240] =	vst v56  }
0x2a: {  	v59 =	vand.u32 $0x3FFF, v51;
	[tilespmem:$0x150] =	vst v58  }
0x2b: {  	v60 =	vshrl.u32 v54, $0xE;
	[tilespmem:$0x250] =	vst v59  }
0x2c: {  	v61 =	vand.u32 $0x3FFF, v54;
	[tilespmem:$0x160] =	vst v60  }
0x2d: {  	v62 =	vshrl.u32 v57, $0xE;
	[tilespmem:$0x260] =	vst v61  }
0x2e: {  	v63 =	vand.u32 $0x3FFF, v57;
	[tilespmem:$0x170] =	vst v62  }
0x2f: {  	[tilespmem:$0x270] =	vst v63  }
0x30: {  	[tilespmem:s18], [sflag:$0x1] =	stream.indirect.gather [hbm4b:s5+s16], $0x20, s17, s16, $0xb8;
	[tilespmem:$0x8200] =	vst v63  }
0x31: {  	_ = 	snop  }
0x32: {  	[tilespmem:s20], [sflag:$0x1] =	stream.indirect.gather [hbm4b:s2+s16], $0x10, s19, s16, $0xb8;
	[tilespmem:$0x8200] =	vst v63  }
0x33: {  	p0 =	por $0x0, $0x0;
	s25 =	simm.s32 $0x0  }
0x34: {  	[tilespmem:s16], [sflag:$0x3] =	stream.linear.gather [hbm4b:s10+s4], $0x80, $0x38;
	[tilespmem:$0x8200] =	vst v63  }
.LBB2_2:
0x35: {  	p1 =	seq.s32 s25, $0x0  }
0x36: {  	p2 =	seq.s32 @!p1 s25, $0x50  }
0x37: {  	p2 =	por p1, !p2  }
.Ltmp0:
0x38: {  	_ = 	snop;
	(pc) =	sbr.rel @!p2 .LBB2_4-.Ltmp0, $4  }
0x39: {  	s0 =	simm.s32 @!p1 $0x2  }
0x3a: {  	_ =	swait.ge @!p1 [sflag:s0], $0x1000  }
0x3b: {  	[sflag:s0] =	ssyncset.done @!p1 $0x0  }
0x3c: {  	s26 =	sand.u32 $0x1, s25;
	[sflag:s0] =	ssyncadd.s32 @!p1 $0xFFFFF000  }
0x3d: {  	_ =	swait.ge [sflag:s23], $0x80  }
0x3e: {  	s0 =	sxor.u32 $0x1, s26;
	[sflag:s23] =	ssyncset.done $0x0  }
0x3f: {  	s28 =	sshll.u32 s0, $0x7;
	[sflag:s23] =	ssyncadd.s32 $0xFFFFFF80  }
0x40: {  	v0 =	vld [tilespmem:s28+$0x0];
	_ =	sdelay $0x1  }
0x41: {  	v1 =	vld [tilespmem:s28+$0x10];
	_ =	sdelay $0x1  }
0x42: {  	v2 =	vld [tilespmem:s28+$0x20]  }
0x43: {  	v3 =	vshrl.u32 v0, $0xE  }
0x44: {  	v45 =	vld [tilespmem:s28+$0x30];
	v0 =	vand.u32 $0x3FFF, v0;
	[tilespmem:s28+$0x100] =	vst v3  }
0x45: {  	v46 =	vshrl.u32 v1, $0xE;
	[tilespmem:s28+$0x200] =	vst v0  }
0x46: {  	v48 =	vld [tilespmem:s28+$0x40];
	v47 =	vand.u32 $0x3FFF, v1;
	[tilespmem:s28+$0x110] =	vst v46  }
0x47: {  	v49 =	vshrl.u32 v2, $0xE;
	[tilespmem:s28+$0x210] =	vst v47  }
0x48: {  	v51 =	vld [tilespmem:s28+$0x50];
	v50 =	vand.u32 $0x3FFF, v2;
	[tilespmem:s28+$0x120] =	vst v49  }
0x49: {  	v52 =	vshrl.u32 v45, $0xE;
	[tilespmem:s28+$0x220] =	vst v50  }
0x4a: {  	v54 =	vld [tilespmem:s28+$0x60];
	v53 =	vand.u32 $0x3FFF, v45;
	[tilespmem:s28+$0x130] =	vst v52  }
0x4b: {  	v55 =	vshrl.u32 v48, $0xE;
	[tilespmem:s28+$0x230] =	vst v53  }
0x4c: {  	v57 =	vld [tilespmem:s28+$0x70];
	v56 =	vand.u32 $0x3FFF, v48;
	[tilespmem:s28+$0x140] =	vst v55  }
0x4d: {  	v58 =	vshrl.u32 v51, $0xE;
	[tilespmem:s28+$0x240] =	vst v56  }
0x4e: {  	v59 =	vand.u32 $0x3FFF, v51;
	[tilespmem:s28+$0x150] =	vst v58  }
0x4f: {  	v60 =	vshrl.u32 v54, $0xE;
	[tilespmem:s28+$0x250] =	vst v59  }
0x50: {  	v61 =	vand.u32 $0x3FFF, v54;
	[tilespmem:s28+$0x160] =	vst v60  }
0x51: {  	v62 =	vshrl.u32 v57, $0xE;
	[tilespmem:s28+$0x260] =	vst v61  }
0x52: {  	s29 =	sshll.u32 s0, $0xC;
	v63 =	vand.u32 $0x3FFF, v57;
	[tilespmem:s28+$0x170] =	vst v62  }
0x53: {  	s0 =	sshll.u32 s0, $0xB;
	s30 =	sor.u32 $0x100, s28;
	s29 =	sor.u32 $0x300, s29;
	[tilespmem:s28+$0x270] =	vst v63  }
0x54: {  	[tilespmem:s29], [sflag:$0x1] =	stream.indirect.gather [hbm4b:s5+s16], $0x20, s30, s16, $0xb8;
	[tilespmem:$0x8200] =	vst v63  }
0x55: {  	p1 =	sgt.u32 s25, $0x4E;
	s0 =	sor.u32 $0x2300, s0;
	s28 =	sor.u32 $0x200, s28  }
0x56: {  	[tilespmem:s0], [sflag:$0x1] =	stream.indirect.gather [hbm4b:s2+s16], $0x10, s28, s16, $0xb8;
	[tilespmem:$0x8200] =	vst v63  }
0x57: {  	s0 =	sadd.s32 @!p1 s6, s25  }
0x58: {  	s0 =	sshll.u32 @!p1 s0, $0x4  }
0x59: {  	s29 =	simm.s32 @!p1 $0x0;
	s28 =	sshll.u32 @!p1 s26, $0x7;
	s0 =	sadd.s32 @!p1 s0, s11  }
0x5a: {  	[tilespmem:s28], [sflag:$0x3] =	stream.linear.gather @!p1 [hbm4b:s0+s29], $0x80, $0x38;
	[tilespmem:$0x8200] =	vst v63  }
.LBB2_4:
0x5b: {  	_ =	swait.ge [sflag:s21], $0x1000  }
0x5c: {  	[sflag:s21] =	ssyncset.done $0x0  }
0x5d: {  	s0 =	simm.s32 $0x1;
	[sflag:s21] =	ssyncadd.s32 $0xFFFFF000  }
0x5e: {  	s0 =	simm.s32 @!p0 $0x0;
	_ =	swait.ge [sflag:s21], $0x800  }
0x5f: {  	s28 =	sshll.u32 s0, $0xC;
	[sflag:s21] =	ssyncset.done $0x0  }
0x60: {  	s0 =	sshll.u32 s0, $0xB;
	s28 =	sor.u32 $0x400, s28;
	[sflag:s21] =	ssyncadd.s32 $0xFFFFF800  }
0x61: {  	s29 =	sor.u32 $0x2380, s0;
	v0 =	vld [tilespmem:s28+$0xF0]  }
0x62: {  	v1 =	vld [tilespmem:s29+$0x70]  }
0x63: {  	v2 =	vld [tilespmem:s29+$0xFFFFFF80]  }
0x64: {  	v3 =	vld [tilespmem:s28+$0xFFFFFF30]  }
0x65: {  	v4 =	vld [tilespmem:s29+$0xFFFFFF90]  }
0x66: {  	v5 =	vld [tilespmem:s28+$0xFFFFFF50]  }
0x67: {  	v6 =	vld [tilespmem:s29+$0xFFFFFFA0]  }
0x68: {  	v7 =	vld [tilespmem:s28+$0xFFFFFF70]  }
0x69: {  	v8 =	vld [tilespmem:s28+$0xFFFFFF90]  }
0x6a: {  	v0 =	vadd.f32 v1, v0;
	v1 =	vld [tilespmem:s29+$0xFFFFFFB0]  }
0x6b: {  	v10 =	vld [tilespmem:s29+$0xFFFFFFC0]  }
0x6c: {  	v11 =	vld [tilespmem:s28+$0xFFFFFFD0];
	v5 =	vadd.f32 v6, v5;
	v9 =	vmul.f32 $2.000000030e-01, v0  }
0x6d: {  	v3 =	vadd.f32 v4, v3;
	v4 =	vld [tilespmem:s28+$0xFFFFFFB0]  }
0x6e: {  	v6 =	vld [tilespmem:s29+$0xFFFFFFD0];
	v12 =	vmul.f32 $2.000000030e-01, v5;
	v0 =	vmax.f32 v0, v9  }
0x6f: {  	v52 =	vld [tilespmem:s28+$0x10];
	v9 =	vmul.f32 $2.000000030e-01, v3;
	v0 =	vmul.f32 $1.442695020e+00, v0;
	v1 =	vadd.f32 v1, v7  }
0x70: {  	v8 =	vadd.f32 v10, v8;
	v5 =	vmax.f32 v5, v12;
	v7 =	vld [tilespmem:s29+$0xFFFFFFE0]  }
0x71: {  	v10 =	vld [tilespmem:s29+$0xFFFFFFF0];
	(erf) = vpow2.f32 v0;
	v0 =	vmax.f32 v3, v9;
	v9 =	vmul.f32 $2.000000030e-01, v1  }
0x72: {  	v5 =	vmul.f32 $1.442695020e+00, v5;
	v3 =	vld [tilespmem:s28+$0xFFFFFFF0];
	v0 =	vmul.f32 $1.442695020e+00, v0  }
0x73: {  	v53 =	vld [tilespmem:s28+$0x70];
	v4 =	vadd.f32 v6, v4;
	v1 =	vmax.f32 v1, v9;
	v9 =	vmul.f32 $2.000000030e-01, v8  }
0x74: {  	v1 =	vmul.f32 $1.442695020e+00, v1;
	(erf) = vpow2.f32 v0;
	v0 =	vld [tilespmem:s29+$0x0]  }
0x75: {  	v7 =	vadd.f32 v7, v11;
	v11 =	vld [tilespmem:s28+$0x30];
	v8 =	vmax.f32 v8, v9;
	v9 =	vmul.f32 $2.000000030e-01, v4  }
0x76: {  	(erf) = vpow2.f32 v5;
	v5 =	vld [tilespmem:s29+$0x10];
	v8 =	vmul.f32 $1.442695020e+00, v8  }
0x77: {  	v3 =	vadd.f32 v10, v3;
	v10 =	vld [tilespmem:s28+$0x50];
	v4 =	vmax.f32 v4, v9;
	v9 =	vmul.f32 $2.000000030e-01, v7  }
0x78: {  	(erf) = vpow2.f32 v1;
	v1 =	vld [tilespmem:s29+$0x20];
	v4 =	vmul.f32 $1.442695020e+00, v4  }
0x79: {  	(erf) = vpow2.f32 v8;
	v8 =	vld [tilespmem:s29+$0x30];
	v7 =	vmax.f32 v7, v9;
	v9 =	vmul.f32 $2.000000030e-01, v3  }
0x7a: {  	v13 =	vld [tilespmem:s29+$0x50];
	v0 =	vadd.f32 v0, v52;
	v7 =	vmul.f32 $1.442695020e+00, v7  }
0x7b: {  	v6 =	vld [tilespmem:s28+$0xE0];
	v5 =	vadd.f32 v5, v11;
	(erf) = vpow2.f32 v4;
	v3 =	vmax.f32 v3, v9  }
0x7c: {  	v11 =	vld [tilespmem:s28+$0x90];
	v9 =	vmul.f32 $2.000000030e-01, v0;
	v3 =	vmul.f32 $1.442695020e+00, v3  }
0x7d: {  	v4 =	vld [tilespmem:s29+$0x40];
	(erf) = vpow2.f32 v7;
	v7 =	vmul.f32 $2.000000030e-01, v5  }
0x7e: {  	v1 =	vadd.f32 v1, v10;
	v10 =	vld [tilespmem:s29+$0x60];
	v0 =	vmax.f32 v0, v9;
	v8 =	vadd.f32 v8, v53  }
0x7f: {  	v9 =	vld [tilespmem:s28+$0xB0];
	v0 =	vmul.f32 $1.442695020e+00, v0;
	(erf) = vpow2.f32 v3;
	v3 =	vmax.f32 v5, v7  }
0x80: {  	v14 =	vmul.f32 $2.000000030e-01, v1;
	v5 =	vld [tilespmem:s28+$0xD0];
	v3 =	vmul.f32 $1.442695020e+00, v3  }
0x81: {  	v15 =	vld [tilespmem:s28+$0xFFFFFF10];
	v17 =	vmul.f32 $2.000000030e-01, v8;
	v7 =	vpop (erf);
	(erf) = vpow2.f32 v0  }
0x82: {  	v18 =	vld [tilespmem:s28+$0xFFFFFF60];
	v1 =	vmax.f32 v1, v14;
	v4 =	vadd.f32 v4, v11;
	v54 =	vpop (erf);
	[tilespmem:s28+$0xF0] =	vst v7  }
0x83: {  	v1 =	vmul.f32 $1.442695020e+00, v1;
	v6 =	vmul.f32 v7, v6;
	v8 =	vmax.f32 v8, v17;
	[tilespmem:s28+$0xFFFFFF30] =	vst v54;
	v16 =	vpop (erf)  }
0x84: {  	v55 =	vld [tilespmem:s28+$0xFFFFFF40];
	v56 =	vmul.f32 $2.000000030e-01, v4;
	(erf) = vpow2.f32 v3;
	v9 =	vadd.f32 v13, v9;
	[tilespmem:s28+$0xFFFFFF50] =	vst v16  }
0x85: {  	v7 =	vld [tilespmem:s28+$0xFFFFFF20];
	v8 =	vmul.f32 $1.442695020e+00, v8;
	v3 =	vpop (erf);
	v5 =	vadd.f32 v10, v5;
	[tilespmem:s28+$0xE0] =	vst v6  }
0x86: {  	v58 =	vld [tilespmem:s28+$0xFFFFFF80];
	v4 =	vmax.f32 v4, v56;
	[tilespmem:s28+$0xFFFFFF70] =	vst v3;
	v11 =	vpop (erf);
	(erf) = vpow2.f32 v1;
	v1 =	vmul.f32 $2.000000030e-01, v9  }
0x87: {  	v19 =	vld [tilespmem:s28+$0xFFFFFFC0];
	v2 =	vadd.f32 v2, v15;
	v4 =	vmul.f32 $1.442695020e+00, v4;
	v3 =	vmul.f32 v3, v18;
	[tilespmem:s28+$0xFFFFFF90] =	vst v11;
	v57 =	vpop (erf)  }
0x88: {  	v61 =	vld [tilespmem:s28+$0x0];
	(erf) = vpow2.f32 v8;
	v59 =	vmul.f32 $2.000000030e-01, v5;
	[tilespmem:s28+$0xFFFFFFB0] =	vst v57;
	v10 =	vpop (erf);
	v1 =	vmax.f32 v9, v1  }
0x89: {  	v20 =	vld [tilespmem:s28+$0xFFFFFFE0];
	v9 =	vmul.f32 $2.000000030e-01, v2;
	[tilespmem:s28+$0xFFFFFF60] =	vst v3;
	v6 =	vpop (erf);
	v1 =	vmul.f32 $1.442695020e+00, v1  }
0x8a: {  	v8 =	vld [tilespmem:s28+$0xFFFFFFA0];
	v7 =	vmul.f32 v54, v7;
	[tilespmem:s28+$0xFFFFFFD0] =	vst v10;
	v5 =	vmax.f32 v5, v59;
	v60 =	vpop (erf);
	(erf) = vpow2.f32 v4  }
0x8b: {  	v0 =	vld [tilespmem:s28+$0xFFFFFF00];
	[tilespmem:s28+$0xFFFFFFF0] =	vst v6;
	v2 =	vmax.f32 v2, v9;
	v4 =	vmul.f32 $1.442695020e+00, v5;
	(erf) = vpow2.f32 v1  }
0x8c: {  	[tilespmem:s28+$0xFFFFFF20] =	vst v7;
	v9 =	vld [tilespmem:s28+$0x20];
	v7 =	vmul.f32 v11, v58;
	v2 =	vmul.f32 $1.442695020e+00, v2  }
0x8d: {  	v5 =	vmul.f32 v16, v55;
	[tilespmem:s28+$0x10] =	vst v60;
	v1 =	vld [tilespmem:s28+$0x40];
	v62 =	vpop (erf);
	(erf) = vpow2.f32 v4  }
0x8e: {  	[tilespmem:s28+$0xFFFFFF80] =	vst v7;
	v4 =	vld [tilespmem:s28+$0x60];
	(erf) = vpow2.f32 v2  }
0x8f: {  	v63 =	vmul.f32 v57, v8;
	[tilespmem:s28+$0xFFFFFF40] =	vst v5;
	v5 =	vld [tilespmem:s28+$0x80]  }
0x90: {  	s0 =	sshll.u32 s26, $0xC;
	v11 =	vmul.f32 v10, v19;
	v10 =	vmul.f32 v6, v20;
	v7 =	vld [tilespmem:s28+$0xA0];
	[tilespmem:s28+$0x30] =	vst v62;
	v2 =	vpop (erf)  }
0x91: {  	s31 =	simm.s32 $0x0;
	s30 =	sor.u32 $0x300, s0;
	s0 =	sadd.s32 $0x200, s28;
	v6 =	vld [tilespmem:s28+$0xC0];
	v8 =	vmul.f32 v60, v61;
	[tilespmem:s28+$0xFFFFFFA0] =	vst v63;
	v9 =	vmul.f32 v62, v9;
	v3 =	vpop (erf)  }
.LBB2_5:
0x92: {  	v12 =	vld [tilespmem:s0+$0xF0];
	[tilespmem:s28+$0xFFFFFFC0] =	vst v11;
	v11 =	vmul.f32 v2, v1;
	s29 =	sadd.s32 $0x100, s29  }
0x93: {  	s31 =	sadd.s32 $0x10, s31;
	v13 =	vld [tilespmem:s29+$0x70];
	[tilespmem:s28+$0xFFFFFFE0] =	vst v10;
	v4 =	vmul.f32 v3, v4;
	v10 =	vpop (erf)  }
0x94: {  	p1 =	slt.u32 s31, $0x70;
	v1 =	vld [tilespmem:s29+$0xFFFFFF80];
	[tilespmem:s28+$0x0] =	vst v8;
	v5 =	vmul.f32 v10, v5;
	v8 =	vpop (erf)  }
0x95: {  	v14 =	vld [tilespmem:s0+$0xFFFFFF30];
	[tilespmem:s28+$0x20] =	vst v9;
	v7 =	vmul.f32 v8, v7  }
0x96: {  	v9 =	vld [tilespmem:s29+$0xFFFFFF90];
	[tilespmem:s28+$0x40] =	vst v11;
	v11 =	vpop (erf)  }
0x97: {  	v15 =	vld [tilespmem:s0+$0xFFFFFF50];
	[tilespmem:s28+$0x60] =	vst v4;
	v4 =	vmul.f32 v11, v6;
	v6 =	vpop (erf)  }
0x98: {  	v16 =	vld [tilespmem:s29+$0xFFFFFFA0];
	v12 =	vadd.f32 v13, v12;
	v0 =	vmul.f32 v6, v0;
	[tilespmem:s28+$0x80] =	vst v5  }
0x99: {  	v5 =	vld [tilespmem:s0+$0xFFFFFF70];
	[tilespmem:s28+$0xA0] =	vst v7  }
0x9a: {  	v7 =	vld [tilespmem:s29+$0xFFFFFFB0];
	v13 =	vmul.f32 $2.000000030e-01, v12;
	[tilespmem:s28+$0xFFFFFF00] =	vst v0  }
0x9b: {  	v0 =	vadd.f32 v9, v14;
	v9 =	vld [tilespmem:s0+$0xFFFFFF90];
	[tilespmem:s28+$0xC0] =	vst v4  }
0x9c: {  	v4 =	vld [tilespmem:s29+$0xFFFFFFC0];
	v12 =	vmax.f32 v12, v13;
	[tilespmem:s28+$0xFFFFFF10] =	vst v6  }
0x9d: {  	v6 =	vmul.f32 $2.000000030e-01, v0;
	v13 =	vadd.f32 v16, v15;
	v14 =	vld [tilespmem:s0+$0xFFFFFFB0];
	v12 =	vmul.f32 $1.442695020e+00, v12;
	[tilespmem:s28+$0x50] =	vst v2  }
0x9e: {  	v2 =	vld [tilespmem:s29+$0xFFFFFFD0];
	[tilespmem:s28+$0x70] =	vst v3  }
0x9f: {  	v3 =	vmul.f32 $2.000000030e-01, v13;
	v5 =	vadd.f32 v7, v5;
	v7 =	vld [tilespmem:s0+$0xFFFFFFD0];
	(erf) = vpow2.f32 v12;
	[tilespmem:s28+$0x90] =	vst v10  }
0xa0: {  	v0 =	vmax.f32 v0, v6;
	v6 =	vld [tilespmem:s29+$0xFFFFFFE0];
	[tilespmem:s28+$0xB0] =	vst v8  }
0xa1: {  	v3 =	vmax.f32 v13, v3;
	v8 =	vmul.f32 $2.000000030e-01, v5;
	v4 =	vadd.f32 v4, v9;
	v9 =	vld [tilespmem:s0+$0xFFFFFFF0];
	[tilespmem:s28+$0xD0] =	vst v11;
	s28 =	smov.u32 s0  }
0xa2: {  	v0 =	vmul.f32 $1.442695020e+00, v0;
	v3 =	vmul.f32 $1.442695020e+00, v3;
	v10 =	vld [tilespmem:s29+$0xFFFFFFF0]  }
0xa3: {  	v5 =	vmax.f32 v5, v8;
	v8 =	vmul.f32 $2.000000030e-01, v4;
	v2 =	vadd.f32 v2, v14;
	v11 =	vld [tilespmem:s0+$0x10]  }
0xa4: {  	v5 =	vmul.f32 $1.442695020e+00, v5;
	v12 =	vld [tilespmem:s0+$0xE0];
	(erf) = vpow2.f32 v0  }
0xa5: {  	v0 =	vmax.f32 v4, v8;
	v4 =	vmul.f32 $2.000000030e-01, v2;
	v6 =	vadd.f32 v6, v7;
	v7 =	vld [tilespmem:s29+$0x0]  }
0xa6: {  	v0 =	vmul.f32 $1.442695020e+00, v0;
	v8 =	vld [tilespmem:s0+$0x30];
	(erf) = vpow2.f32 v3  }
0xa7: {  	v2 =	vmax.f32 v2, v4;
	v3 =	vmul.f32 $2.000000030e-01, v6;
	v4 =	vadd.f32 v10, v9;
	v9 =	vld [tilespmem:s29+$0x10]  }
0xa8: {  	v2 =	vmul.f32 $1.442695020e+00, v2;
	v10 =	vld [tilespmem:s0+$0x50];
	(erf) = vpow2.f32 v5;
	v5 =	vpop (erf)  }
0xa9: {  	v3 =	vmax.f32 v6, v3;
	v6 =	vmul.f32 $2.000000030e-01, v4;
	v13 =	vld [tilespmem:s29+$0x20];
	v12 =	vmul.f32 v5, v12;
	[tilespmem:s0+$0xF0] =	vst v5  }
0xaa: {  	v3 =	vmul.f32 $1.442695020e+00, v3;
	v5 =	vadd.f32 v7, v11;
	v7 =	vld [tilespmem:s0+$0x70];
	(erf) = vpow2.f32 v0  }
0xab: {  	v0 =	vmax.f32 v4, v6;
	v4 =	vld [tilespmem:s29+$0x30];
	[tilespmem:s0+$0xE0] =	vst v12;
	(erf) = vpow2.f32 v2  }
0xac: {  	v0 =	vmul.f32 $1.442695020e+00, v0;
	v2 =	vmul.f32 $2.000000030e-01, v5;
	v6 =	vadd.f32 v9, v8;
	v8 =	vld [tilespmem:s0+$0x90]  }
0xad: {  	v9 =	vld [tilespmem:s29+$0x40];
	v11 =	vpop (erf);
	(erf) = vpow2.f32 v3  }
0xae: {  	[tilespmem:s0+$0xFFFFFF30] =	vst v11;
	v2 =	vmax.f32 v5, v2;
	v3 =	vmul.f32 $2.000000030e-01, v6;
	v5 =	vadd.f32 v13, v10;
	v10 =	vld [tilespmem:s0+$0xB0]  }
0xaf: {  	v2 =	vmul.f32 $1.442695020e+00, v2;
	v12 =	vld [tilespmem:s29+$0x50];
	v13 =	vpop (erf);
	(erf) = vpow2.f32 v0  }
0xb0: {  	[tilespmem:s0+$0xFFFFFF50] =	vst v13;
	v0 =	vmax.f32 v6, v3;
	v3 =	vmul.f32 $2.000000030e-01, v5;
	v4 =	vadd.f32 v4, v7;
	v6 =	vld [tilespmem:s0+$0xD0]  }
0xb1: {  	v7 =	vmul.f32 $1.442695020e+00, v0;
	v14 =	vld [tilespmem:s29+$0x60];
	v15 =	vpop (erf);
	(erf) = vpow2.f32 v2  }
0xb2: {  	v2 =	vld [tilespmem:s0+$0xFFFFFF10];
	[tilespmem:s0+$0xFFFFFF70] =	vst v15;
	v3 =	vmax.f32 v5, v3;
	v5 =	vmul.f32 $2.000000030e-01, v4;
	v8 =	vadd.f32 v9, v8  }
0xb3: {  	v0 =	vld [tilespmem:s0+$0xFFFFFF00];
	v3 =	vmul.f32 $1.442695020e+00, v3;
	v9 =	vpop (erf);
	(erf) = vpow2.f32 v7  }
0xb4: {  	v7 =	vld [tilespmem:s0+$0xFFFFFF20];
	[tilespmem:s0+$0xFFFFFF90] =	vst v9;
	v4 =	vmax.f32 v4, v5;
	v5 =	vmul.f32 $2.000000030e-01, v8;
	v10 =	vadd.f32 v12, v10;
	v12 =	vpop (erf)  }
0xb5: {  	v16 =	vld [tilespmem:s0+$0xFFFFFF40];
	[tilespmem:s0+$0xFFFFFFB0] =	vst v12;
	v4 =	vmul.f32 $1.442695020e+00, v4;
	(erf) = vpow2.f32 v3  }
0xb6: {  	v3 =	vld [tilespmem:s0+$0xFFFFFF60];
	v5 =	vmax.f32 v8, v5;
	v8 =	vmul.f32 $2.000000030e-01, v10;
	v6 =	vadd.f32 v14, v6;
	v14 =	vpop (erf)  }
0xb7: {  	v1 =	vadd.f32 v1, v2;
	v2 =	vld [tilespmem:s0+$0xFFFFFF80];
	[tilespmem:s0+$0xFFFFFFD0] =	vst v14;
	v5 =	vmul.f32 $1.442695020e+00, v5;
	(erf) = vpow2.f32 v4  }
0xb8: {  	v17 =	vld [tilespmem:s0+$0xFFFFFFA0];
	v4 =	vmax.f32 v10, v8;
	v21 =	vmul.f32 $2.000000030e-01, v6;
	v10 =	vpop (erf)  }
0xb9: {  	v18 =	vmul.f32 $2.000000030e-01, v1;
	v19 =	vld [tilespmem:s0+$0xFFFFFFC0];
	[tilespmem:s0+$0xFFFFFFF0] =	vst v10;
	v4 =	vmul.f32 $1.442695020e+00, v4  }
0xba: {  	v7 =	vmul.f32 v11, v7;
	v20 =	vld [tilespmem:s0+$0xFFFFFFE0];
	v6 =	vmax.f32 v6, v21;
	v8 =	vpop (erf);
	(erf) = vpow2.f32 v5  }
0xbb: {  	v1 =	vmax.f32 v1, v18;
	v18 =	vld [tilespmem:s0+$0x0];
	[tilespmem:s0+$0x10] =	vst v8;
	v5 =	vmul.f32 $1.442695020e+00, v6;
	(erf) = vpow2.f32 v4  }
0xbc: {  	v4 =	vmul.f32 v13, v16;
	v6 =	vmul.f32 $1.442695020e+00, v1;
	[tilespmem:s0+$0xFFFFFF20] =	vst v7;
	v13 =	vld [tilespmem:s0+$0x20];
	v16 =	vpop (erf)  }
.Ltmp1:
0xbd: {  	v15 =	vmul.f32 v15, v3;
	[tilespmem:s0+$0x30] =	vst v16;
	v1 =	vld [tilespmem:s0+$0x40];
	(erf) = vpow2.f32 v5;
	(pc) =	sbr.rel @p1 .LBB2_5-.Ltmp1, $4  }
0xbe: {  	v7 =	vmul.f32 v9, v2;
	[tilespmem:s0+$0xFFFFFF40] =	vst v4;
	v4 =	vld [tilespmem:s0+$0x60];
	(erf) = vpow2.f32 v6;
	v2 =	vpop (erf)  }
0xbf: {  	v6 =	vmul.f32 v12, v17;
	v11 =	vmul.f32 v14, v19;
	[tilespmem:s0+$0xFFFFFF60] =	vst v15;
	v5 =	vld [tilespmem:s0+$0x80]  }
0xc0: {  	v10 =	vmul.f32 v10, v20;
	[tilespmem:s0+$0xFFFFFF80] =	vst v7;
	v8 =	vmul.f32 v8, v18;
	v7 =	vld [tilespmem:s0+$0xA0];
	v3 =	vpop (erf)  }
0xc1: {  	s0 =	sadd.s32 $0x200, s0;
	[tilespmem:s28+$0xFFFFFFA0] =	vst v6;
	v9 =	vmul.f32 v16, v13;
	v6 =	vld [tilespmem:s28+$0xC0]  }
0xc2: {  	[tilespmem:s28+$0xFFFFFFC0] =	vst v11  }
0xc3: {  	[tilespmem:s28+$0xFFFFFFE0] =	vst v10  }
0xc4: {  	[tilespmem:s28+$0x0] =	vst v8  }
0xc5: {  	[tilespmem:s28+$0x50] =	vst v2  }
0xc6: {  	v1 =	vmul.f32 v2, v1;
	[tilespmem:s28+$0x70] =	vst v3  }
0xc7: {  	[tilespmem:s28+$0x20] =	vst v9  }
0xc8: {  	v59 =	vpop (erf);
	v4 =	vmul.f32 v3, v4;
	[tilespmem:s28+$0x40] =	vst v1  }
0xc9: {  	[tilespmem:s28+$0x90] =	vst v59  }
0xca: {  	v60 =	vpop (erf);
	v5 =	vmul.f32 v59, v5;
	[tilespmem:s28+$0x60] =	vst v4  }
0xcb: {  	v7 =	vmul.f32 v60, v7;
	[tilespmem:s28+$0xB0] =	vst v60  }
0xcc: {  	s25 =	sadd.s32 $0x1, s25;
	[tilespmem:s28+$0x80] =	vst v5  }
0xcd: {  	p1 =	sne.s32 s25, $0x51;
	v61 =	vpop (erf);
	[tilespmem:s28+$0xA0] =	vst v7  }
.Ltmp2:
0xce: {  	v62 =	vpop (erf);
	v63 =	vmul.f32 v61, v6;
	[tilespmem:s28+$0xD0] =	vst v61;
	(pc) =	sbr.rel @p1 .LBB2_2-.Ltmp2, $4  }
0xcf: {  	v0 =	vmul.f32 v62, v0;
	[tilespmem:s28+$0xFFFFFF10] =	vst v62  }
0xd0: {  	s0 =	sshll.u32 s26, $0x7;
	[tilespmem:s28+$0xC0] =	vst v63  }
0xd1: {  	p0 =	por !p0, !p0;
	s0 =	sor.u32 $0x200, s0;
	[tilespmem:s28+$0xFFFFFF00] =	vst v0  }
0xd2: {  	[spmem:s3] =	stream.indirect.scatter.add.f32 [tilespmem:s30], [sflag:$0x2], $0x20, s0, s16, $0xb8;
	[tilespmem:$0x8200] =	vst v63  }
0xd3: {  	_ =	swait.ge [sflag:s22], $0x1000  }
0xd4: {  	s24 =	sadd.s32 $0x1, s24;
	[sflag:s22] =	ssyncset.done $0x0  }
0xd5: {  	p0 =	sne.s32 s24, s13;
	[sflag:s22] =	ssyncadd.s32 $0xFFFFF000  }
.Ltmp3:
0xd6: {  	[bflag:$0x0] =	sbarrier.arrive $0xFFFF;
	(pc) =	sbr.rel @p0 .LBB2_1-.Ltmp3, $4  }
0xd7: {  	[hbm:s12], [sflag:s8] =	dma.local [spmem:s14], $0x9E0  }
0xd8: {  	_ =	swait.ge [sflag:s15], $0x9E0  }
0xd9: {  	[sflag:s15] =	ssyncset.done $0x0  }
0xda: {  	[sflag:s15] =	ssyncadd.s32 $0xFFFFF620  }
0xdb: {  	_ =	sfence.sel $0x180000  }
0xdc: {  	[bflag:$0x0] =	sbarrier.arrive $0xFFFF  }
0xdd: {  	_ =	strace $0x9000004A  }
0xde: {  	[bflag:$0x2] =	sbarrier.arrive $0xFFFF  }
0xdf: {  	p0 =	sne.s32 s1, $0x0;
	s0 =	rddreg [dreg:$0x3]  }
0xe0: {  	s0 =	sadd.s32 @!p0 $0x100000, s0  }
0xe1: {  	[sflag:s0] =	ssyncadd.tile.s32 @!p0 $0x1;
	_ =	shalt  }
.Lfunc_end2:
_tile_overlayer_lowered:
.L_overlay_start_2:
0xe2: {  	(tag) =	ssettag $0x2  }
0xe3: {  	s0 =	rddreg [dreg:$0x0];
	s2 =	stileid.u32  }
0xe4: {  	s1 =	rddreg [dreg:$0x1];
	p0 =	sne.s32 s2, $0x0  }
0xe5: {  	s3 =	rddreg [dreg:$0x2];
	[bflag:$0x3] =	sbarrier.arrive $0xFFFF;
	s2 =	simm.s32 @!p0 $0x1C04  }
0xe6: {  	[timem:s3], [sflag:s2] =	dma.local @!p0 [hbm:s0], s1  }
0xe7: {  	s0 =	simm.s32 @!p0 $0x4  }
0xe8: {  	_ =	swait.ge @!p0 [sflag:s0], s1  }
0xe9: {  	s1 =	ssub.s32 @!p0 $0x0, s1;
	[sflag:s0] =	ssyncset.done @!p0 $0x0  }
0xea: {  	[sflag:s0] =	ssyncadd.s32 @!p0 s1  }
0xeb: {  	[bflag:$0x3] =	sbarrier.arrive $0xFFFF  }
0xec: {  	_ =	shalt  }

// kernel: kernel.7.cloned.1.call-start
scs
__scs_entry_jumppad:
0x0: {  	(pc) =	sbr.rel $0x88, $3  }
0x1: {  	(tag) =	ssettag $0x0;
	lr =	simm.s32 $0x1  }
0x2: {  	[smem:$0x3F97] =	sst lr;
	_ =	strace $0xD0000000  }
0x3: {  	_ = 	snop  }
0x4: {  	_ = 	snop  }
0x5: {  	_ = 	snop  }
0x6: {  	_ = 	snop  }
0x7: {  	_ = 	snop  }
__scs_overlays_trampoline_lowered:
0x8: {  	[smem:$0x3FA6] =	sst s0  }
0x9: {  	[smem:$0x3FA7] =	sst s1  }
0xa: {  	[smem:$0x3FA8] =	sst s2  }
0xb: {  	[smem:$0x3FA9] =	sst s3  }
0xc: {  	[smem:$0x3FAA] =	sst s4  }
0xd: {  	[smem:$0x3FAB] =	sst s5  }
0xe: {  	[smem:$0x3FAC] =	sst s6  }
0xf: {  	[smem:$0x3FAD] =	sst s7  }
0x10: {  	[smem:$0x3FAE] =	sst s8  }
0x11: {  	[smem:$0x3FAF] =	sst s9;
	s0 =	simm.s32 @!p0 $0x0  }
0x12: {  	s1 =	sld [smem:$0x3F95];
	s0 =	simm.s32 @p0 $0x1  }
0x13: {  	[smem:$0x3FB0] =	sst s0;
	s0 =	simm.s32 @!p1 $0x0  }
0x14: {  	s2 =	sld [smem:$0x3F94];
	s0 =	simm.s32 @p1 $0x1  }
0x15: {  	[smem:$0x3FB1] =	sst s0;
	s0 =	simm.s32 @!p2 $0x0  }
0x16: {  	s3 =	sld [smem:$0x3FDB];
	s0 =	simm.s32 @p2 $0x1  }
0x17: {  	s4 =	simm.s32 $0x1BF5;
	[smem:$0x3FB3] =	sst s0  }
0x18: {  	s0 =	sld [smem:$0x3F96];
	_ =	swait.ge [sflag:s4], $0x0  }
0x19: {  	s7 =	sld [smem:$0x3F97]  }
0x1a: {  	s8 =	sadd.s32 $0xFFFFE003, lr  }
0x1b: {  	s9 =	sadd.s32 $0xFFFFFEF7, lr;
	s5 =	simm.s32 $0xFFFFFFFF;
	p2 =	slt.u32 s8, $0xFFFFF086  }
0x1c: {  	p1 =	slt.u32 s9, $0xF7A;
	s5 =	simm.s32 @!p2 $0x0  }
0x1d: {  	s5 =	simm.s32 @p1 $0x1;
	p0 =	seq.s32 s7, s2  }
0x1e: {  	s7 =	smul.u32 @!p0 $0xF7A, s2;
	p2 =	seq.s32 @!p0 s5, $0x0  }
0x1f: {  	s9 =	smul.u32 $0xF7A, s1;
	s8 =	simm.s32 @!p0 $0x1BF5;
	p2 =	por !p2, p0  }
0x20: {  	[sflag:s8] =	ssyncset.s32 @!p0 $0xFFFFF086;
	s6 =	sadd.s32 @!p0 s3, s7;
	s7 =	simm.s32 @!p0 $0x108  }
0x21: {  	s3 =	sadd.s32 s3, s9;
	s6 =	sadd.s32 @!p0 $0x88, s6;
	s7 =	simm.s32 @p2 $0x1082  }
0x22: {  	[simem:s7], [sflag:s8] =	dma.local @!p0 [hbm:s6], $0xF7A  }
0x23: {  	s9 =	sor.u32 $0xD0000000, s2;
	s6 =	simm.s32 $0x108;
	_ =	swait.ge @!p0 [sflag:s8], $0x0  }
0x24: {  	s3 =	sadd.s32 $0x88, s3;
	s6 =	simm.s32 @!p1 $0x1082;
	[sflag:s4] =	ssyncset.s32 $0xFFFFF086  }
0x25: {  	[simem:s6], [sflag:s4] =	dma.local [hbm:s3], $0xF7A  }
0x26: {  	[smem:$0x3F97] =	sst s1;
	(tag) =	ssettag s2;
	_ =	strace s9  }
0x27: {  	s1 =	sld [smem:$0x3FA7]  }
0x28: {  	s2 =	sld [smem:$0x3FA8]  }
0x29: {  	s4 =	sld [smem:$0x3FAA]  }
0x2a: {  	p0 =	seq.s32 s5, $0x0;
	s5 =	sld [smem:$0x3FAB]  }
0x2b: {  	s6 =	sld [smem:$0x3FAC]  }
0x2c: {  	s7 =	sld [smem:$0x3FAD]  }
0x2d: {  	s3 =	simm.s32 $0x108;
	s8 =	sld [smem:$0x3FAE]  }
0x2e: {  	s3 =	simm.s32 @!p0 $0x1082;
	s9 =	sld [smem:$0x3FAF]  }
0x2f: {  	lr =	sadd.s32 s0, s3;
	s0 =	sld [smem:$0x3FA6]  }
0x30: {  	s3 =	sld [smem:$0x3FA9]  }
0x31: {  	[smem:$0x3FB2] =	sst s10  }
0x32: {  	s10 =	sld [smem:$0x3FB0];
	_ =	sdelay $0x3  }
0x33: {  	p0 =	seq.s32 s10, $0x1;
	s10 =	sld [smem:$0x3FB2];
	_ =	sdelay $0x3  }
0x34: {  	[smem:$0x3FB2] =	sst s10  }
0x35: {  	s10 =	sld [smem:$0x3FB1];
	_ =	sdelay $0x3  }
0x36: {  	p1 =	seq.s32 s10, $0x1;
	s10 =	sld [smem:$0x3FB2];
	_ =	sdelay $0x3  }
0x37: {  	[smem:$0x3FB2] =	sst s10  }
0x38: {  	s10 =	sld [smem:$0x3FB3]  }
0x39: {  	_ = 	snop;
	(pc) =	sbr.ind lr, $3  }
0x3a: {  	_ = 	snop  }
0x3b: {  	_ = 	snop  }
0x3c: {  	p2 =	seq.s32 s10, $0x1;
	s10 =	sld [smem:$0x3FB2]  }
0x3d: {  	_ =	shalt  }
0x3e: {  	_ =	shalt  }
0x3f: {  	_ =	shalt  }
0x40: {  	_ =	shalt  }
0x41: {  	_ =	shalt  }
0x42: {  	_ =	shalt  }
0x43: {  	_ =	shalt  }
0x44: {  	_ =	shalt  }
0x45: {  	_ =	shalt  }
0x46: {  	_ =	shalt  }
0x47: {  	_ =	shalt  }
0x48: {  	_ =	shalt  }
0x49: {  	_ =	shalt  }
0x4a: {  	_ =	shalt  }
0x4b: {  	_ =	shalt  }
0x4c: {  	_ =	shalt  }
0x4d: {  	_ =	shalt  }
0x4e: {  	_ =	shalt  }
0x4f: {  	_ =	shalt  }
0x50: {  	_ =	shalt  }
0x51: {  	_ =	shalt  }
0x52: {  	_ =	shalt  }
0x53: {  	_ =	shalt  }
0x54: {  	_ =	shalt  }
0x55: {  	_ =	shalt  }
0x56: {  	_ =	shalt  }
0x57: {  	_ =	shalt  }
0x58: {  	_ =	shalt  }
0x59: {  	_ =	shalt  }
0x5a: {  	_ =	shalt  }
0x5b: {  	_ =	shalt  }
0x5c: {  	_ =	shalt  }
0x5d: {  	_ =	shalt  }
0x5e: {  	_ =	shalt  }
0x5f: {  	_ =	shalt  }
0x60: {  	_ =	shalt  }
0x61: {  	_ =	shalt  }
0x62: {  	_ =	shalt  }
0x63: {  	_ =	shalt  }
0x64: {  	_ =	shalt  }
0x65: {  	_ =	shalt  }
0x66: {  	_ =	shalt  }
0x67: {  	_ =	shalt  }
0x68: {  	_ =	shalt  }
0x69: {  	_ =	shalt  }
0x6a: {  	_ =	shalt  }
0x6b: {  	_ =	shalt  }
0x6c: {  	_ =	shalt  }
0x6d: {  	_ =	shalt  }
0x6e: {  	_ =	shalt  }
0x6f: {  	_ =	shalt  }
0x70: {  	_ =	shalt  }
0x71: {  	_ =	shalt  }
0x72: {  	_ =	shalt  }
0x73: {  	_ =	shalt  }
0x74: {  	_ =	shalt  }
0x75: {  	_ =	shalt  }
0x76: {  	_ =	shalt  }
0x77: {  	_ =	shalt  }
0x78: {  	_ =	shalt  }
0x79: {  	_ =	shalt  }
0x7a: {  	_ =	shalt  }
0x7b: {  	_ =	shalt  }
0x7c: {  	_ =	shalt  }
0x7d: {  	_ =	shalt  }
0x7e: {  	_ =	shalt  }
0x7f: {  	_ =	shalt  }
0x80: {  	_ =	shalt  }
0x81: {  	_ =	shalt  }
0x82: {  	_ =	shalt  }
0x83: {  	_ =	shalt  }
0x84: {  	_ =	shalt  }
0x85: {  	_ =	shalt  }
0x86: {  	_ =	shalt  }
0x87: {  	_ =	shalt  }
.Lfunc_end0:
.L_simem_size_0:
called_computation_lowered:
.L_overlay_start_0:
0x88: {  	s2 =	sld [smem:$0x3FD9]  }
0x89: {  	s3 =	sld [smem:$0x3FFE];
	_ =	sdelay $0x1  }
0x8a: {  	s1 =	srdreg.scid  }
0x8b: {  	s0 =	sand.u32 $0x1, s1  }
0x8c: {  	s17 =	sshll.u32 s0, $0xA;
	s2 =	sadd.s32 s3, s2  }
0x8d: {  	s2 =	sadd.s32 s2, s17  }
0x8e: {  	[smem:$0x3FBE] =	sst s2  }
0x8f: {  	_ = 	snop  }
0x90: {  	s2 =	sld [smem:$0x3FD0];
	(tm) =	ssettm $0x1  }
0x91: {  	s18 =	sld [smem:$0x3FFB];
	_ =	sdelay $0x3  }
0x92: {  	_ =	strace s18  }
0x93: {  	s3 =	sld [smem:$0x3FFC];
	_ =	sdelay $0x3  }
0x94: {  	_ =	strace s3  }
0x95: {  	s3 =	sld [smem:$0x3FFD];
	_ =	sdelay $0x3  }
0x96: {  	_ =	strace s3  }
0x97: {  	_ =	strace $0x8FFFFFFF  }
0x98: {  	s19 =	sld [smem:$0x3FDB];
	_ =	sdelay $0x1  }
0x99: {  	s4 =	simm.s32 $_scs_section_size  }
0x9a: {  	s5 =	simm.s32 $_size__tile_overlayer_lowered;
	s6 =	simm.s32 $_tile_overlayer_lowered  }
0x9b: {  	s22 =	simm.s32 $0x1BFF;
	s21 =	sshll.u32 s6, $0x1;
	s3 =	sadd.s32 s4, s19  }
0x9c: {  	s7 =	simm.s32 $0x0;
	s20 =	sshll.u32 s5, $0x1;
	s5 =	sadd.s32 s21, s3  }
0x9d: {  	[timem:s7], [sflag:s22] =	dma.local [hbm:s5], s20  }
0x9e: {  	_ =	swait.ge [sflag:s22], s20  }
0x9f: {  	s4 =	ssub.s32 $0x0, s20;
	[sflag:s22] =	ssyncset.done $0x0  }
0xa0: {  	[sflag:s22] =	ssyncadd.s32 s4;
	_ =	sdelay $0x1  }
0xa1: {  	s23 =	simm.s32 $0x1B8B  }
0xa2: {  	_ =	swait.ge [sflag:s23], $0x1  }
0xa3: {  	[sflag:s23] =	ssyncset.done $0x0  }
0xa4: {  	s25 =	simm.s32 $0x1B8E;
	s24 =	sld [smem:$0x3FFE];
	[sflag:s23] =	ssyncadd.s32 $0xFFFFFFFF  }
0xa5: {  	s26 =	simm.s32 $execute0_lowered;
	[smem:$0x3FD2] =	sst s25  }
0xa6: {  	s5 =	sshll.u32 s26, $0x1;
	_ =	strace $0x80000046;
	[dreg:$0x1] =	wrdreg $0xFFFFFFFF  }
0xa7: {  	s28 =	simm.s32 $_size_execute0_lowered;
	s3 =	sadd.s32 s3, s5;
	[dreg:$0x0] =	wrdreg $0x0  }
0xa8: {  	s5 =	sshll.u32 s28, $0x1;
	[dreg:$0x2] =	wrdreg s3  }
0xa9: {  	[dreg:$0x3] =	wrdreg s5  }
0xaa: {  	[dreg:$0x4] =	wrdreg $0xC0  }
0xab: {  	_ =	task [dreg:s7], $0x5FFFF  }
0xac: {  	[dreg:$0x1] =	wrdreg $0xFFFFFFFF  }
0xad: {  	[dreg:$0x0] =	wrdreg $0x60  }
0xae: {  	[dreg:$0x2] =	wrdreg s24  }
0xaf: {  	[dreg:$0x3] =	wrdreg s2  }
0xb0: {  	[dreg:$0x4] =	wrdreg $0x65E00  }
0xb1: {  	[dreg:$0x5] =	wrdreg $0x9  }
0xb2: {  	_ =	task.clear_ibuf [dreg:s7], $0x6FFFF;
	_ =	strace $0x90000046  }
0xb3: {  	s29 =	simm.s32 $0x9;
	_ =	strace $0x80000048  }
0xb4: {  	_ =	swait.ge [sflag:s29], $0x1  }
0xb5: {  	[sflag:s29] =	ssyncadd.s32 $0xFFFFFFFF  }
0xb6: {  	_ =	strace $0x90000048  }
0xb7: {  	_ =	sfence  }
0xb8: {  	s30 =	sld [smem:$0x0];
	_ =	sdelay $0x2  }
0xb9: {  	s31 =	sshll.u32 s1, $0xD;
	s1 =	sshrl.u32 s1, $0x2  }
0xba: {  	s3 =	sand.u32 $0x4000, s31;
	s1 =	sadd.s32 s1, s30  }
0xbb: {  	s0 =	sor.u32 s3, s0;
	s1 =	sshll.u32 s1, $0x11  }
0xbc: {  	s0 =	sor.u32 s1, s0  }
0xbd: {  	s0 =	sadd.s32 $0x8F2B, s0  }
0xbe: {  	[sflag:s0] =	ssyncadd.remote.s32 $0x1  }
0xbf: {  	_ =	sfence.sel $0xFFFF  }
0xc0: {  	[dreg:$0x0] =	wrdreg $0xFFFFFFFF;
	(pc) =	sbr.abs _section_cstart, $3  }
0xc1: {  	[dreg:$0x1] =	wrdreg $0xFFFFFFFF  }
0xc2: {  	_ =	task.clear_ibuf [dreg:s7], $0x2FFFF;
	_ =	strace $0x9FFFFFFF  }
0xc3: {  	(tm) =	ssettm $0x7FFFFFFF  }
tec
execute0_lowered:
.L_overlay_start_1:
0x0: {  	(tag) =	ssettag $0x1  }
0x1: {  	s0 =	rddreg [dreg:$0x0]  }
0x2: {  	s2 =	rddreg [dreg:$0x1]  }
0x3: {  	s3 =	rddreg [dreg:$0x2];
	s4 =	simm.s32 $0x0  }
0x4: {  	s11 =	stileid.u32;
	s1 =	srdreg.scid;
	s16 =	simm.s32 $0x50  }
0x5: {  	s21 =	simm.s32 $0x1;
	[smem:$0x7FF] =	sst s4;
	s28 =	smul.u32 $0x16380, s11  }
0x6: {  	s1 =	sand.u32 $0x1, s1;
	s5 =	sadd.s32 $0x1600, s0;
	s6 =	sadd.s32 $0x2D600, s0  }
0x7: {  	_ =	strace $0x80000047;
	s7 =	smul.u32 $0x163800, s1;
	s9 =	sshll.u32 s1, $0x4  }
0x8: {  	s1 =	ssub.s32 $0x2, s1;
	s8 =	sshrl.u32 s28, $0x3;
	s9 =	sor.u32 s11, s9  }
0x9: {  	s29 =	sshrl.u32 s1, $0x1;
	s4 =	sadd.s32 s28, s3;
	s11 =	sshll.u32 s11, $0x6  }
0xa: {  	s8 =	sadd.s32 s8, s0;
	s7 =	sadd.s32 s28, s7;
	s10 =	smul.u32 $0x2850, s9  }
0xb: {  	s1 =	ssub.s32 s1, s29;
	s11 =	sor.u32 $0x1C04, s11;
	s7 =	sshrl.u32 s7, $0x3  }
0xc: {  	s8 =	sadd.s32 $0x37800, s8;
	s31 =	smax.u32 s1, $0x1;
	[dreg:$0x5] =	wrdreg s11  }
0xd: {  	s0 =	sadd.s32 s7, s0;
	s7 =	smul.u32 $0x81, s9;
	[dreg:$0x4] =	wrdreg s8  }
0xe: {  	s1 =	sshrl.u32 s4, $0x3;
	s9 =	smul.u32 $0x50A, s9;
	[dreg:$0x9] =	wrdreg s31  }
0xf: {  	s10 =	sshrl.u32 s10, $0x3;
	[dreg:$0xa] =	wrdreg s1;
	s0 =	sadd.s32 $0x64000, s0  }
0x10: {  	s30 =	sadd.s32 s6, s10;
	s9 =	sadd.s32 s6, s9;
	[dreg:$0x8] =	wrdreg s0  }
0x11: {  	s23 =	simm.s32 $0x3;
	s8 =	sadd.s32 $0xA, s30;
	[dreg:$0x6] =	wrdreg s9  }
0x12: {  	s24 =	simm.s32 $0x0;
	s4 =	simm.s32 $0x4;
	[dreg:$0x7] =	wrdreg s8  }
.LBB2_1:
0x13: {  	s0 =	rddreg [dreg:$0x4]  }
0x14: {  	[spmem:s1], [sflag:s11] =	dma.local [hbm:s0], $0x2C70  }
0x15: {  	_ =	swait.ge [sflag:s4], $0x2C70  }
0x16: {  	[sflag:s4] =	ssyncset.done $0x0  }
0x17: {  	[sflag:s4] =	ssyncadd.s32 $0xFFFFD390  }
0x18: {  	[bflag:$0x0] =	sbarrier.arrive $0xFFFF  }
0x19: {  	s22 =	simm.s32 $0x0;
	s25 =	rddreg [dreg:$0x6]  }
0x1a: {  	[tilespmem:s22], [sflag:$0x4] =	stream.linear.gather [hbm4b:s25+s22], $0x50, $0x38;
	[tilespmem:$0x1C960] =	vst v63  }
0x1b: {  	_ =	swait.ge [sflag:s4], $0x50  }
0x1c: {  	[sflag:s4] =	ssyncset.done $0x0  }
0x1d: {  	[sflag:s4] =	ssyncadd.s32 $0xFFFFFFB0  }
0x1e: {  	v0 =	vld [tilespmem:$0x0];
	_ =	sdelay $0x1  }
0x1f: {  	v1 =	vld [tilespmem:$0x10];
	_ =	sdelay $0x1  }
0x20: {  	v2 =	vld [tilespmem:$0x20]  }
0x21: {  	v3 =	vshrl.u32 v0, $0xE  }
0x22: {  	v54 =	vld [tilespmem:$0x30];
	v0 =	vand.u32 $0x3FFF, v0;
	[tilespmem:$0xA0] =	vst v3  }
0x23: {  	v55 =	vshrl.u32 v1, $0xE;
	[tilespmem:$0x140] =	vst v0  }
0x24: {  	v57 =	vld [tilespmem:$0x40];
	v56 =	vand.u32 $0x3FFF, v1;
	[tilespmem:$0xB0] =	vst v55  }
0x25: {  	v58 =	vshrl.u32 v2, $0xE;
	[tilespmem:$0x150] =	vst v56  }
0x26: {  	v59 =	vand.u32 $0x3FFF, v2;
	[tilespmem:$0xC0] =	vst v58  }
0x27: {  	v60 =	vshrl.u32 v54, $0xE;
	[tilespmem:$0x160] =	vst v59  }
0x28: {  	v61 =	vand.u32 $0x3FFF, v54;
	[tilespmem:$0xD0] =	vst v60  }
0x29: {  	v62 =	vshrl.u32 v57, $0xE;
	[tilespmem:$0x170] =	vst v61  }
0x2a: {  	v63 =	vand.u32 $0x3FFF, v57;
	[tilespmem:$0xE0] =	vst v62  }
0x2b: {  	s26 =	simm.s32 $0xA0;
	s28 =	simm.s32 $0x1E0;
	[tilespmem:$0x180] =	vst v63  }
0x2c: {  	[tilespmem:s28], [sflag:$0x1] =	stream.indirect.gather [hbm4b:s5+s16], $0x90, s26, s16, $0xb8;
	[tilespmem:$0x1C960] =	vst v63  }
0x2d: {  	s29 =	simm.s32 $0x140;
	s30 =	simm.s32 $0x5BE0  }
0x2e: {  	[tilespmem:s30], [sflag:$0x1] =	stream.indirect.gather [hbm4b:s2+s16], $0x10, s29, s16, $0xb8;
	[tilespmem:$0x1C960] =	vst v63  }
0x2f: {  	s25 =	simm.s32 $0x0;
	s31 =	rddreg [dreg:$0x7]  }
0x30: {  	[tilespmem:s16], [sflag:$0x3] =	stream.linear.gather [hbm4b:s31+s22], $0x50, $0x38;
	[tilespmem:$0x1C960] =	vst v63  }
.LBB2_2:
0x31: {  	p0 =	seq.s32 s25, $0x0  }
0x32: {  	p1 =	seq.s32 @!p0 s25, $0x80  }
0x33: {  	p1 =	por p0, !p1  }
.Ltmp0:
0x34: {  	_ = 	snop;
	(pc) =	sbr.rel @!p1 .LBB2_4-.Ltmp0, $4  }
0x35: {  	s0 =	simm.s32 @!p0 $0x2  }
0x36: {  	_ =	swait.ge @!p0 [sflag:s0], $0x2D00  }
0x37: {  	[sflag:s0] =	ssyncset.done @!p0 $0x0  }
0x38: {  	s26 =	sand.u32 $0x1, s25;
	[sflag:s0] =	ssyncadd.s32 @!p0 $0xFFFFD300  }
0x39: {  	s0 =	sxor.u32 $0x1, s26;
	_ =	swait.ge [sflag:s23], $0x50  }
0x3a: {  	[sflag:s23] =	ssyncset.done $0x0;
	s1 =	smul.u32 $0x50, s0  }
0x3b: {  	[sflag:s23] =	ssyncadd.s32 $0xFFFFFFB0  }
0x3c: {  	v0 =	vld [tilespmem:s1+$0x0];
	_ =	sdelay $0x1  }
0x3d: {  	v1 =	vld [tilespmem:s1+$0x10];
	_ =	sdelay $0x1  }
0x3e: {  	v2 =	vld [tilespmem:s1+$0x20]  }
0x3f: {  	v3 =	vshrl.u32 v0, $0xE  }
0x40: {  	v54 =	vld [tilespmem:s1+$0x30];
	v0 =	vand.u32 $0x3FFF, v0;
	[tilespmem:s1+$0xA0] =	vst v3  }
0x41: {  	v55 =	vshrl.u32 v1, $0xE;
	[tilespmem:s1+$0x140] =	vst v0  }
0x42: {  	v57 =	vld [tilespmem:s1+$0x40];
	v56 =	vand.u32 $0x3FFF, v1;
	[tilespmem:s1+$0xB0] =	vst v55  }
0x43: {  	v58 =	vshrl.u32 v2, $0xE;
	[tilespmem:s1+$0x150] =	vst v56  }
0x44: {  	v59 =	vand.u32 $0x3FFF, v2;
	[tilespmem:s1+$0xC0] =	vst v58  }
0x45: {  	v60 =	vshrl.u32 v54, $0xE;
	[tilespmem:s1+$0x160] =	vst v59  }
0x46: {  	s4 =	smul.u32 $0xB400, s0;
	v61 =	vand.u32 $0x3FFF, v54;
	[tilespmem:s1+$0xD0] =	vst v60  }
0x47: {  	v62 =	vshrl.u32 v57, $0xE;
	[tilespmem:s1+$0x170] =	vst v61  }
0x48: {  	p0 =	sgt.u32 s25, $0x7E;
	s4 =	sshrl.u32 s4, $0x2;
	v63 =	vand.u32 $0x3FFF, v57;
	[tilespmem:s1+$0xE0] =	vst v62  }
0x49: {  	s0 =	smul.u32 $0x1400, s0;
	s8 =	sadd.s32 $0xA0, s1;
	s4 =	sadd.s32 $0x1E0, s4;
	[tilespmem:s1+$0x180] =	vst v63  }
0x4a: {  	[tilespmem:s4], [sflag:$0x1] =	stream.indirect.gather [hbm4b:s5+s16], $0x90, s8, s16, $0xb8;
	[tilespmem:$0x1C960] =	vst v63  }
0x4b: {  	s0 =	sshrl.u32 s0, $0x2;
	s4 =	sadd.s32 @!p0 s7, s25  }
0x4c: {  	s0 =	sadd.s32 $0x5BE0, s0;
	s1 =	sadd.s32 $0x140, s1;
	s4 =	smul.u32 @!p0 $0x50, s4  }
0x4d: {  	[tilespmem:s0], [sflag:$0x1] =	stream.indirect.gather [hbm4b:s2+s16], $0x10, s1, s16, $0xb8;
	[tilespmem:$0x1C960] =	vst v63  }
0x4e: {  	s0 =	smul.u32 @!p0 $0x140, s26;
	s1 =	sshrl.u32 @!p0 s4, $0x3  }
0x4f: {  	s1 =	sadd.s32 @!p0 s6, s1  }
0x50: {  	s4 =	simm.s32 @!p0 $0x0;
	s0 =	sshrl.u32 @!p0 s0, $0x2;
	s1 =	sadd.s32 @!p0 $0x14, s1  }
0x51: {  	[tilespmem:s0], [sflag:$0x3] =	stream.linear.gather @!p0 [hbm4b:s1+s4], $0x50, $0x38;
	[tilespmem:$0x1C960] =	vst v63  }
.LBB2_4:
0x52: {  	_ =	swait.ge [sflag:s21], $0x2D00;
	s0 =	smul.u32 $0xB400, s26  }
0x53: {  	s1 =	smul.u32 $0x1400, s26;
	[sflag:s21] =	ssyncset.done $0x0  }
0x54: {  	[sflag:s21] =	ssyncadd.s32 $0xFFFFD300;
	s0 =	sshrl.u32 s0, $0x2  }
0x55: {  	s1 =	sshrl.u32 s1, $0x2;
	_ =	swait.ge [sflag:s21], $0x500;
	s28 =	sadd.s32 $0x1E0, s0  }
0x56: {  	s31 =	sadd.s32 $0x5BE0, s1;
	[sflag:s21] =	ssyncset.done $0x0;
	v0 =	vmov s28  }
0x57: {  	s29 =	simm.s32 $0x0;
	v1 =	vmov s31;
	[sflag:s21] =	ssyncadd.s32 $0xFFFFFB00  }
.LBB2_5:
0x58: {  	s0 =	smul.u32 $0x240, s29;
	_ =	sdelay $0x1  }
0x59: {  	s4 =	sshll.u32 s29, $0x4;
	s31 =	sshra.s32 s0, $0x2  }
0x5a: {  	s0 =	sand.u32 $0x3FFFFFF0, s4;
	v2 =	vld.idx.msk [tilespmem:v0+s31+$0x80 ss:$0x1], $0xffff  }
0x5b: {  	v3 =	vld.idx.msk [tilespmem:v1+s0+$0x0 ss:$0x1], $0xffff;
	_ =	sdelay $0x4  }
0x5c: {  	v2 =	vadd.f32 v3, v2;
	_ =	sdelay $0x1  }
0x5d: {  	v3 =	vmul.f32 $2.000000030e-01, v2;
	_ =	sdelay $0x1  }
0x5e: {  	v2 =	vmax.f32 v2, v3  }
0x5f: {  	s1 =	sor.u32 $0x1, s29;
	v2 =	vmul.f32 $1.442695020e+00, v2  }
0x60: {  	s8 =	smul.u32 $0x240, s1;
	s1 =	sshll.u32 s1, $0x4  }
0x61: {  	s1 =	sand.u32 $0x3FFFFFF0, s1;
	(erf) = vpow2.f32 v2  }
0x62: {  	s0 =	sshra.s32 s8, $0x2;
	v4 =	vld.idx.msk [tilespmem:v1+s1+$0x0 ss:$0x1], $0xffff  }
0x63: {  	s4 =	sor.u32 $0x2, s29;
	v2 =	vld.idx.msk [tilespmem:v0+s0+$0x80 ss:$0x1], $0xffff  }
0x64: {  	s8 =	smul.u32 $0x240, s4;
	s4 =	sshll.u32 s4, $0x4  }
0x65: {  	s4 =	sand.u32 $0x3FFFFFF0, s4  }
0x66: {  	s1 =	sshra.s32 s8, $0x2;
	v6 =	vld.idx.msk [tilespmem:v1+s4+$0x0 ss:$0x1], $0xffff  }
0x67: {  	v5 =	vld.idx.msk [tilespmem:v0+s1+$0x80 ss:$0x1], $0xffff  }
0x68: {  	v7 =	vld.idx.msk [tilespmem:v0+s31+$0x0 ss:$0x1], $0xffff;
	v2 =	vadd.f32 v4, v2;
	_ =	sdelay $0x1  }
0x69: {  	v33 =	vmul.f32 $2.000000030e-01, v2;
	v3 =	vpop (erf)  }
0x6a: {  	s9 =	sor.u32 $0x3, s29;
	v32 =	vbroadcast v3, $0x0  }
0x6b: {  	s10 =	smul.u32 $0x240, s9;
	s4 =	sshll.u32 s9, $0x4;
	v5 =	vadd.f32 v6, v5;
	v2 =	vmax.f32 v2, v33  }
0x6c: {  	s11 =	sor.u32 $0x4, s29;
	s4 =	sand.u32 $0x3FFFFFF0, s4;
	v2 =	vmul.f32 $1.442695020e+00, v2;
	v4 =	vmul.f32 v32, v7  }
0x6d: {  	s17 =	sshra.s32 s10, $0x2;
	s9 =	smul.u32 $0x240, s11;
	v37 =	vld.idx.msk [tilespmem:v1+s4+$0x0 ss:$0x1], $0xffff;
	v34 =	vmul.f32 $2.000000030e-01, v5  }
0x6e: {  	(erf) = vpow2.f32 v2;
	v2 =	vld.idx.msk [tilespmem:v0+s17+$0x80 ss:$0x1], $0xffff;
	[tilespmem:v0+s31+$0x0 ss:$0x1] =	vst.idx.msk $0xffff, v4  }
0x6f: {  	s12 =	sshll.u32 s11, $0x4;
	s18 =	sshra.s32 s9, $0x2;
	v35 =	vmax.f32 v5, v34;
	v36 =	vld.idx.msk [tilespmem:v0+s31+$0x10 ss:$0x1], $0xffff  }
0x70: {  	s4 =	sand.u32 $0x3FFFFFF0, s12;
	v39 =	vld.idx.msk [tilespmem:v0+s18+$0x80 ss:$0x1], $0xffff;
	v4 =	vmul.f32 $1.442695020e+00, v35  }
0x71: {  	v40 =	vld.idx.msk [tilespmem:v1+s4+$0x0 ss:$0x1], $0xffff  }
0x72: {  	v38 =	vbroadcast v3, $0x1;
	(erf) = vpow2.f32 v4;
	_ =	sdelay $0x1  }
0x73: {  	v2 =	vadd.f32 v37, v2;
	v5 =	vmul.f32 v38, v36;
	_ =	sdelay $0x1  }
0x74: {  	s13 =	sor.u32 $0x5, s29;
	v8 =	vld.idx.msk [tilespmem:v0+s0+$0x0 ss:$0x1], $0xffff;
	v7 =	vadd.f32 v40, v39;
	v9 =	vmul.f32 $2.000000030e-01, v2  }
0x75: {  	s14 =	smul.u32 $0x240, s13  }
0x76: {  	v42 =	vmul.f32 $2.000000030e-01, v7;
	v2 =	vmax.f32 v2, v9;
	[tilespmem:v0+s31+$0x10 ss:$0x1] =	vst.idx.msk $0xffff, v5;
	v5 =	vpop (erf)  }
0x77: {  	s19 =	sshra.s32 s14, $0x2;
	v10 =	vld.idx.msk [tilespmem:v0+s1+$0x0 ss:$0x1], $0xffff;
	s4 =	sshll.u32 s13, $0x4;
	v2 =	vmul.f32 $1.442695020e+00, v2;
	v12 =	vbroadcast v5, $0x0  }
0x78: {  	v13 =	vld.idx.msk [tilespmem:v0+s19+$0x80 ss:$0x1], $0xffff;
	s4 =	sand.u32 $0x3FFFFFF0, s4  }
0x79: {  	v44 =	vld.idx.msk [tilespmem:v1+s4+$0x0 ss:$0x1], $0xffff;
	(erf) = vpow2.f32 v2;
	v2 =	vmax.f32 v7, v42;
	v4 =	vpop (erf);
	v8 =	vmul.f32 v12, v8  }
0x7a: {  	s15 =	sor.u32 $0x6, s29;
	v2 =	vmul.f32 $1.442695020e+00, v2;
	v43 =	vbroadcast v4, $0x0  }
0x7b: {  	s22 =	smul.u32 $0x240, s15;
	[tilespmem:v0+s0+$0x0 ss:$0x1] =	vst.idx.msk $0xffff, v8  }
0x7c: {  	(erf) = vpow2.f32 v2;
	v45 =	vmul.f32 v43, v10;
	v8 =	vld.idx.msk [tilespmem:v0+s0+$0x10 ss:$0x1], $0xffff  }
0x7d: {  	s20 =	sshra.s32 s22, $0x2;
	v41 =	vld.idx.msk [tilespmem:v0+s31+$0x20 ss:$0x1], $0xffff  }
0x7e: {  	v52 =	vld.idx.msk [tilespmem:v0+s20+$0x80 ss:$0x1], $0xffff;
	s4 =	sshll.u32 s15, $0x4;
	v48 =	vadd.f32 v44, v13;
	[tilespmem:v0+s1+$0x0 ss:$0x1] =	vst.idx.msk $0xffff, v45  }
0x7f: {  	s30 =	sor.u32 $0x7, s29;
	s4 =	sand.u32 $0x3FFFFFF0, s4;
	v50 =	vbroadcast v5, $0x1;
	v2 =	vld.idx.msk [tilespmem:v0+s1+$0x10 ss:$0x1], $0xffff  }
0x80: {  	s11 =	sshll.u32 s30, $0x4;
	v14 =	vld.idx.msk [tilespmem:v1+s4+$0x0 ss:$0x1], $0xffff;
	v51 =	vmul.f32 $2.000000030e-01, v48;
	v11 =	vbroadcast v3, $0x2  }
0x81: {  	s10 =	smul.u32 $0x240, s30;
	v47 =	vld.idx.msk [tilespmem:v0+s17+$0x0 ss:$0x1], $0xffff;
	s8 =	sand.u32 $0x3FFFFFF0, s11;
	v8 =	vmul.f32 v50, v8  }
0x82: {  	v17 =	vld.idx.msk [tilespmem:v1+s8+$0x0 ss:$0x1], $0xffff;
	v15 =	vbroadcast v4, $0x1;
	v6 =	vmul.f32 v11, v41;
	v10 =	vmax.f32 v48, v51  }
0x83: {  	v49 =	vld.idx.msk [tilespmem:v0+s18+$0x0 ss:$0x1], $0xffff;
	s4 =	sshra.s32 s10, $0x2;
	v10 =	vmul.f32 $1.442695020e+00, v10  }
0x84: {  	v53 =	vld.idx.msk [tilespmem:v0+s4+$0x80 ss:$0x1], $0xffff;
	[tilespmem:v0+s31+$0x20 ss:$0x1] =	vst.idx.msk $0xffff, v6;
	v7 =	vpop (erf);
	v2 =	vmul.f32 v15, v2  }
0x85: {  	v57 =	vadd.f32 v14, v52;
	v46 =	vld.idx.msk [tilespmem:v0+s31+$0x30 ss:$0x1], $0xffff;
	(erf) = vpow2.f32 v10;
	v16 =	vbroadcast v7, $0x0;
	[tilespmem:v0+s0+$0x10 ss:$0x1] =	vst.idx.msk $0xffff, v8;
	v8 =	vpop (erf)  }
0x86: {  	[tilespmem:v0+s1+$0x10 ss:$0x1] =	vst.idx.msk $0xffff, v2;
	v2 =	vbroadcast v8, $0x0  }
0x87: {  	v13 =	vmul.f32 $2.000000030e-01, v57;
	v6 =	vmul.f32 v16, v47  }
0x88: {  	v54 =	vbroadcast v3, $0x3;
	v55 =	vld.idx.msk [tilespmem:v0+s0+$0x20 ss:$0x1], $0xffff;
	v2 =	vmul.f32 v2, v49  }
0x89: {  	v59 =	vadd.f32 v17, v53;
	v60 =	vbroadcast v5, $0x2;
	v61 =	vbroadcast v4, $0x2;
	[tilespmem:v0+s17+$0x0 ss:$0x1] =	vst.idx.msk $0xffff, v6;
	v56 =	vld.idx.msk [tilespmem:v0+s1+$0x20 ss:$0x1], $0xffff  }
0x8a: {  	v9 =	vmul.f32 v46, v54;
	v6 =	vmax.f32 v57, v13;
	v58 =	vld.idx.msk [tilespmem:v0+s17+$0x10 ss:$0x1], $0xffff;
	[tilespmem:v0+s18+$0x0 ss:$0x1] =	vst.idx.msk $0xffff, v2  }
0x8b: {  	v6 =	vmul.f32 $1.442695020e+00, v6;
	v2 =	vmul.f32 $2.000000030e-01, v59;
	v63 =	vld.idx.msk [tilespmem:v0+s18+$0x10 ss:$0x1], $0xffff  }
0x8c: {  	v19 =	vld.idx.msk [tilespmem:v0+s19+$0x0 ss:$0x1], $0xffff;
	v62 =	vbroadcast v7, $0x1;
	v22 =	vbroadcast v8, $0x1  }
0x8d: {  	[tilespmem:v0+s31+$0x30 ss:$0x1] =	vst.idx.msk $0xffff, v9;
	(erf) = vpow2.f32 v6;
	v12 =	vmul.f32 v60, v55;
	v2 =	vmax.f32 v59, v2  }
0x8e: {  	v21 =	vld.idx.msk [tilespmem:v0+s31+$0x40 ss:$0x1], $0xffff;
	v10 =	vpop (erf);
	v18 =	vmul.f32 v61, v56;
	v2 =	vmul.f32 $1.442695020e+00, v2  }
0x8f: {  	v24 =	vbroadcast v10, $0x0;
	v20 =	vmul.f32 v62, v58;
	[tilespmem:v0+s0+$0x20 ss:$0x1] =	vst.idx.msk $0xffff, v12  }
0x90: {  	s12 =	sor.u32 $0x8, s29;
	s8 =	sor.u32 $0x9, s29;
	v23 =	vld.idx.msk [tilespmem:v0+s0+$0x30 ss:$0x1], $0xffff;
	[tilespmem:v0+s1+$0x20 ss:$0x1] =	vst.idx.msk $0xffff, v18;
	(erf) = vpow2.f32 v2;
	v2 =	vmul.f32 v22, v63  }
0x91: {  	s13 =	smul.u32 $0x240, s12;
	s11 =	sshll.u32 s8, $0x4;
	v25 =	vbroadcast v3, $0x4;
	v26 =	vmul.f32 v24, v19;
	[tilespmem:v0+s17+$0x10 ss:$0x1] =	vst.idx.msk $0xffff, v20;
	v13 =	vld.idx.msk [tilespmem:v0+s1+$0x30 ss:$0x1], $0xffff  }
0x92: {  	s15 =	sand.u32 $0x3FFFFFF0, s11;
	s11 =	sor.u32 $0xB, s29;
	v28 =	vld.idx.msk [tilespmem:v0+s17+$0x20 ss:$0x1], $0xffff;
	[tilespmem:v0+s18+$0x10 ss:$0x1] =	vst.idx.msk $0xffff, v2  }
0x93: {  	s14 =	sshll.u32 s12, $0x4;
	s30 =	sshra.s32 s13, $0x2;
	s13 =	sshll.u32 s11, $0x4;
	v27 =	vbroadcast v5, $0x3;
	[tilespmem:v0+s19+$0x0 ss:$0x1] =	vst.idx.msk $0xffff, v26;
	v2 =	vmul.f32 v21, v25;
	v29 =	vld.idx.msk [tilespmem:v0+s18+$0x20 ss:$0x1], $0xffff  }
0x94: {  	s9 =	sand.u32 $0x3FFFFFF0, s14;
	s14 =	sand.u32 $0x3FFFFFF0, s13;
	v30 =	vbroadcast v4, $0x3;
	v31 =	vld.idx.msk [tilespmem:v0+s19+$0x10 ss:$0x1], $0xffff  }
0x95: {  	s10 =	sor.u32 $0xA, s29;
	v14 =	vld.idx.msk [tilespmem:v1+s14+$0x0 ss:$0x1], $0xffff;
	v6 =	vmul.f32 v23, v27;
	[tilespmem:v0+s31+$0x40 ss:$0x1] =	vst.idx.msk $0xffff, v2;
	v2 =	vbroadcast v7, $0x2  }
0x96: {  	s12 =	sshll.u32 s10, $0x4;
	v32 =	vld.idx.msk [tilespmem:v0+s20+$0x0 ss:$0x1], $0xffff;
	v34 =	vbroadcast v8, $0x2;
	v33 =	vmul.f32 v13, v30  }
0x97: {  	s22 =	sand.u32 $0x3FFFFFF0, s12;
	s12 =	sor.u32 $0xC, s29;
	v35 =	vld.idx.msk [tilespmem:v0+s4+$0x0 ss:$0x1], $0xffff;
	v37 =	vbroadcast v10, $0x1;
	[tilespmem:v0+s0+$0x30 ss:$0x1] =	vst.idx.msk $0xffff, v6;
	v2 =	vmul.f32 v2, v28  }
0x98: {  	v16 =	vld.idx.msk [tilespmem:v1+s22+$0x0 ss:$0x1], $0xffff;
	s22 =	sshll.u32 s12, $0x4;
	v9 =	vpop (erf);
	[tilespmem:v0+s1+$0x30 ss:$0x1] =	vst.idx.msk $0xffff, v33;
	v11 =	vmul.f32 v34, v29  }
0x99: {  	s22 =	sand.u32 $0x3FFFFFF0, s22;
	v38 =	vbroadcast v9, $0x0;
	v18 =	vld.idx.msk [tilespmem:v0+s1+$0x40 ss:$0x1], $0xffff;
	v6 =	vpop (erf);
	[tilespmem:v0+s17+$0x20 ss:$0x1] =	vst.idx.msk $0xffff, v2;
	v2 =	vmul.f32 v37, v31  }
0x9a: {  	v15 =	vld.idx.msk [tilespmem:v1+s22+$0x0 ss:$0x1], $0xffff;
	v39 =	vbroadcast v6, $0x0;
	[tilespmem:v0+s18+$0x20 ss:$0x1] =	vst.idx.msk $0xffff, v11  }
0x9b: {  	v41 =	vmul.f32 v38, v32;
	[tilespmem:v0+s19+$0x10 ss:$0x1] =	vst.idx.msk $0xffff, v2;
	v42 =	vld.idx.msk [tilespmem:v0+s18+$0x30 ss:$0x1], $0xffff  }
0x9c: {  	v44 =	vbroadcast v4, $0x4;
	v2 =	vmul.f32 v39, v35;
	v45 =	vld.idx.msk [tilespmem:v0+s19+$0x20 ss:$0x1], $0xffff  }
0x9d: {  	v24 =	vld.idx.msk [tilespmem:v1+s15+$0x0 ss:$0x1], $0xffff;
	[tilespmem:v0+s20+$0x0 ss:$0x1] =	vst.idx.msk $0xffff, v41  }
0x9e: {  	v48 =	vbroadcast v8, $0x3;
	v47 =	vld.idx.msk [tilespmem:v0+s20+$0x10 ss:$0x1], $0xffff;
	[tilespmem:v0+s4+$0x0 ss:$0x1] =	vst.idx.msk $0xffff, v2;
	v2 =	vmul.f32 v18, v44  }
0x9f: {  	v51 =	vbroadcast v10, $0x2;
	v22 =	vld.idx.msk [tilespmem:v0+s30+$0x80 ss:$0x1], $0xffff  }
0xa0: {  	v23 =	vld.idx.msk [tilespmem:v1+s9+$0x0 ss:$0x1], $0xffff;
	[tilespmem:v0+s1+$0x40 ss:$0x1] =	vst.idx.msk $0xffff, v2;
	v2 =	vmul.f32 v42, v48  }
0xa1: {  	v53 =	vbroadcast v9, $0x1;
	v36 =	vld.idx.msk [tilespmem:v0+s0+$0x40 ss:$0x1], $0xffff;
	v55 =	vmul.f32 v51, v45  }
0xa2: {  	s13 =	sor.u32 $0xD, s29;
	v19 =	vld.idx.msk [tilespmem:v0+s17+$0x30 ss:$0x1], $0xffff;
	[tilespmem:v0+s18+$0x30 ss:$0x1] =	vst.idx.msk $0xffff, v2  }
0xa3: {  	s14 =	sshll.u32 s13, $0x4;
	v49 =	vld.idx.msk [tilespmem:v0+s4+$0x10 ss:$0x1], $0xffff;
	v2 =	vmul.f32 v53, v47;
	[tilespmem:v0+s19+$0x20 ss:$0x1] =	vst.idx.msk $0xffff, v55  }
0xa4: {  	s14 =	sand.u32 $0x3FFFFFF0, s14;
	[tilespmem:v0+s31+$0x80 ss:$0x1] =	vst.idx.msk $0xffff, v3;
	v40 =	vbroadcast v5, $0x4;
	s9 =	sor.u32 $0xE, s29;
	v59 =	vld.idx.msk [tilespmem:v0+s19+$0x30 ss:$0x1], $0xffff  }
0xa5: {  	v46 =	vbroadcast v7, $0x3;
	s22 =	sor.u32 $0xF, s29;
	s15 =	sshll.u32 s9, $0x4;
	v13 =	vld.idx.msk [tilespmem:v1+s14+$0x0 ss:$0x1], $0xffff;
	[tilespmem:v0+s20+$0x10 ss:$0x1] =	vst.idx.msk $0xffff, v2  }
0xa6: {  	[tilespmem:v0+s0+$0x80 ss:$0x1] =	vst.idx.msk $0xffff, v5;
	s14 =	sand.u32 $0x3FFFFFF0, s15;
	s15 =	sshll.u32 s22, $0x4;
	v43 =	vmul.f32 v36, v40;
	v56 =	vbroadcast v6, $0x1;
	v2 =	vld.idx.msk [tilespmem:v0+s20+$0x20 ss:$0x1], $0xffff  }
0xa7: {  	[tilespmem:v0+s1+$0x80 ss:$0x1] =	vst.idx.msk $0xffff, v4;
	s15 =	sand.u32 $0x3FFFFFF0, s15;
	v50 =	vld.idx.msk [tilespmem:v0+s31+$0x50 ss:$0x1], $0xffff;
	v28 =	vbroadcast v10, $0x3;
	v11 =	vmul.f32 v19, v46  }
0xa8: {  	v60 =	vbroadcast v3, $0x5;
	v12 =	vld.idx.msk [tilespmem:v1+s15+$0x0 ss:$0x1], $0xffff;
	[tilespmem:v0+s0+$0x40 ss:$0x1] =	vst.idx.msk $0xffff, v43;
	v58 =	vmul.f32 v56, v49  }
0xa9: {  	v26 =	vbroadcast v9, $0x2;
	v52 =	vld.idx.msk [tilespmem:v0+s0+$0x50 ss:$0x1], $0xffff;
	[tilespmem:v0+s17+$0x30 ss:$0x1] =	vst.idx.msk $0xffff, v11;
	v29 =	vmul.f32 v59, v28  }
0xaa: {  	v61 =	vbroadcast v5, $0x5;
	v62 =	vbroadcast v4, $0x5;
	v57 =	vld.idx.msk [tilespmem:v0+s17+$0x40 ss:$0x1], $0xffff;
	[tilespmem:v0+s4+$0x10 ss:$0x1] =	vst.idx.msk $0xffff, v58  }
0xab: {  	v22 =	vadd.f32 v23, v22;
	v21 =	vld.idx.msk [tilespmem:v0+s4+$0x20 ss:$0x1], $0xffff;
	v2 =	vmul.f32 v26, v2;
	[tilespmem:v0+s19+$0x30 ss:$0x1] =	vst.idx.msk $0xffff, v29  }
0xac: {  	s8 =	smul.u32 $0x240, s8;
	[tilespmem:v0+s17+$0x80 ss:$0x1] =	vst.idx.msk $0xffff, v7;
	v30 =	vbroadcast v7, $0x4;
	v32 =	vbroadcast v8, $0x4;
	v33 =	vld.idx.msk [tilespmem:v0+s19+$0x40 ss:$0x1], $0xffff  }
0xad: {  	v34 =	vmul.f32 $2.000000030e-01, v22;
	v54 =	vld.idx.msk [tilespmem:v0+s1+$0x50 ss:$0x1], $0xffff;
	v11 =	vmul.f32 v50, v60;
	[tilespmem:v0+s20+$0x20 ss:$0x1] =	vst.idx.msk $0xffff, v2  }
0xae: {  	s8 =	sshra.s32 s8, $0x2;
	[tilespmem:v0+s19+$0x80 ss:$0x1] =	vst.idx.msk $0xffff, v10;
	v31 =	vbroadcast v6, $0x2;
	v63 =	vmul.f32 v52, v61;
	v2 =	vld.idx.msk [tilespmem:v0+s20+$0x30 ss:$0x1], $0xffff  }
0xaf: {  	v39 =	vbroadcast v10, $0x4;
	v60 =	vld.idx.msk [tilespmem:v0+s8+$0x80 ss:$0x1], $0xffff;
	[tilespmem:v0+s31+$0x50 ss:$0x1] =	vst.idx.msk $0xffff, v11;
	v18 =	vmul.f32 v57, v30  }
0xb0: {  	v41 =	vbroadcast v9, $0x3;
	v20 =	vld.idx.msk [tilespmem:v0+s18+$0x40 ss:$0x1], $0xffff;
	[tilespmem:v0+s0+$0x50 ss:$0x1] =	vst.idx.msk $0xffff, v63;
	v17 =	vmul.f32 v31, v21  }
0xb1: {  	v40 =	vmax.f32 v22, v34;
	v35 =	vld.idx.msk [tilespmem:v0+s31+$0x60 ss:$0x1], $0xffff;
	[tilespmem:v0+s17+$0x40 ss:$0x1] =	vst.idx.msk $0xffff, v18;
	v23 =	vmul.f32 v33, v39  }
0xb2: {  	v37 =	vbroadcast v3, $0x6;
	v44 =	vld.idx.msk [tilespmem:v0+s17+$0x50 ss:$0x1], $0xffff;
	[tilespmem:v0+s4+$0x20 ss:$0x1] =	vst.idx.msk $0xffff, v17;
	v17 =	vmul.f32 $1.442695020e+00, v40  }
0xb3: {  	v3 =	vbroadcast v3, $0x7;
	v38 =	vld.idx.msk [tilespmem:v0+s0+$0x60 ss:$0x1], $0xffff;
	v2 =	vmul.f32 v2, v41;
	[tilespmem:v0+s19+$0x40 ss:$0x1] =	vst.idx.msk $0xffff, v23  }
0xb4: {  	[tilespmem:v0+s18+$0x80 ss:$0x1] =	vst.idx.msk $0xffff, v8;
	v43 =	vbroadcast v5, $0x6;
	(erf) = vpow2.f32 v17;
	v23 =	vld.idx.msk [tilespmem:v0+s19+$0x50 ss:$0x1], $0xffff  }
0xb5: {  	v25 =	vmul.f32 v54, v62;
	v42 =	vld.idx.msk [tilespmem:v0+s4+$0x30 ss:$0x1], $0xffff;
	[tilespmem:v0+s20+$0x30 ss:$0x1] =	vst.idx.msk $0xffff, v2;
	v2 =	vbroadcast v7, $0x5  }
0xb6: {  	[tilespmem:v0+s20+$0x80 ss:$0x1] =	vst.idx.msk $0xffff, v9;
	v5 =	vbroadcast v5, $0x7;
	v11 =	vld.idx.msk [tilespmem:v1+s14+$0x0 ss:$0x1], $0xffff;
	v45 =	vmul.f32 v35, v37  }
0xb7: {  	v54 =	vbroadcast v10, $0x5;
	[tilespmem:v0+s1+$0x50 ss:$0x1] =	vst.idx.msk $0xffff, v25;
	v49 =	vld.idx.msk [tilespmem:v0+s20+$0x40 ss:$0x1], $0xffff;
	v2 =	vmul.f32 v44, v2  }
0xb8: {  	s11 =	smul.u32 $0x240, s11;
	v47 =	vbroadcast v6, $0x3;
	v36 =	vmul.f32 v20, v32;
	v27 =	vld.idx.msk [tilespmem:v0+s1+$0x60 ss:$0x1], $0xffff;
	[tilespmem:v0+s31+$0x60 ss:$0x1] =	vst.idx.msk $0xffff, v45  }
0xb9: {  	v57 =	vld.idx.msk [tilespmem:v0+s30+$0x0 ss:$0x1], $0xffff;
	v20 =	vmul.f32 v38, v43;
	[tilespmem:v0+s17+$0x50 ss:$0x1] =	vst.idx.msk $0xffff, v2;
	v2 =	vmul.f32 v23, v54  }
0xba: {  	s11 =	sshra.s32 s11, $0x2;
	v55 =	vbroadcast v9, $0x4;
	[tilespmem:v0+s18+$0x40 ss:$0x1] =	vst.idx.msk $0xffff, v36;
	v50 =	vld.idx.msk [tilespmem:v0+s31+$0x70 ss:$0x1], $0xffff;
	v19 =	vmul.f32 v42, v47  }
0xbb: {  	v48 =	vbroadcast v4, $0x6;
	v4 =	vbroadcast v4, $0x7;
	v45 =	vld.idx.msk [tilespmem:v0+s11+$0x80 ss:$0x1], $0xffff;
	[tilespmem:v0+s0+$0x60 ss:$0x1] =	vst.idx.msk $0xffff, v20  }
0xbc: {  	v52 =	vbroadcast v8, $0x5;
	v46 =	vld.idx.msk [tilespmem:v0+s18+$0x50 ss:$0x1], $0xffff;
	[tilespmem:v0+s4+$0x30 ss:$0x1] =	vst.idx.msk $0xffff, v19;
	v17 =	vmul.f32 v49, v55  }
0xbd: {  	v63 =	vbroadcast v7, $0x6;
	v53 =	vld.idx.msk [tilespmem:v0+s0+$0x70 ss:$0x1], $0xffff;
	v51 =	vmul.f32 v27, v48;
	[tilespmem:v0+s19+$0x50 ss:$0x1] =	vst.idx.msk $0xffff, v2;
	v2 =	vpop (erf)  }
0xbe: {  	s10 =	smul.u32 $0x240, s10;
	v59 =	vbroadcast v6, $0x4;
	v56 =	vld.idx.msk [tilespmem:v0+s4+$0x40 ss:$0x1], $0xffff;
	[tilespmem:v0+s20+$0x40 ss:$0x1] =	vst.idx.msk $0xffff, v17;
	v62 =	vbroadcast v2, $0x0  }
0xbf: {  	s12 =	smul.u32 $0x240, s12;
	v32 =	vbroadcast v8, $0x6;
	[tilespmem:v0+s1+$0x60 ss:$0x1] =	vst.idx.msk $0xffff, v51;
	v21 =	vmul.f32 v50, v3;
	v3 =	vld.idx.msk [tilespmem:v0+s20+$0x50 ss:$0x1], $0xffff  }
0xc0: {  	s10 =	sshra.s32 s10, $0x2;
	v8 =	vbroadcast v8, $0x7;
	v31 =	vld.idx.msk [tilespmem:v0+s1+$0x70 ss:$0x1], $0xffff;
	v17 =	vmul.f32 v62, v57  }
0xc1: {  	s12 =	sshra.s32 s12, $0x2;
	v36 =	vbroadcast v9, $0x5;
	v18 =	vmul.f32 v46, v52;
	v39 =	vld.idx.msk [tilespmem:v0+s10+$0x80 ss:$0x1], $0xffff  }
0xc2: {  	s13 =	smul.u32 $0x240, s13;
	v48 =	vbroadcast v9, $0x6;
	v9 =	vbroadcast v9, $0x7;
	v46 =	vld.idx.msk [tilespmem:v0+s12+$0x80 ss:$0x1], $0xffff;
	[tilespmem:v0+s30+$0x0 ss:$0x1] =	vst.idx.msk $0xffff, v17  }
0xc3: {  	[tilespmem:v0+s18+$0x50 ss:$0x1] =	vst.idx.msk $0xffff, v18;
	v19 =	vadd.f32 v24, v60;
	v18 =	vmul.f32 v56, v59;
	v37 =	vld.idx.msk [tilespmem:v0+s30+$0x10 ss:$0x1], $0xffff  }
0xc4: {  	s13 =	sshra.s32 s13, $0x2;
	[tilespmem:v0+s4+$0x80 ss:$0x1] =	vst.idx.msk $0xffff, v6;
	v33 =	vbroadcast v10, $0x6;
	v61 =	vld.idx.msk [tilespmem:v0+s18+$0x60 ss:$0x1], $0xffff;
	v3 =	vmul.f32 v3, v36  }
0xc5: {  	s9 =	smul.u32 $0x240, s9;
	v10 =	vbroadcast v10, $0x7;
	v50 =	vld.idx.msk [tilespmem:v0+s13+$0x80 ss:$0x1], $0xffff;
	v38 =	vmul.f32 $2.000000030e-01, v19;
	[tilespmem:v0+s4+$0x40 ss:$0x1] =	vst.idx.msk $0xffff, v18  }
0xc6: {  	v52 =	vbroadcast v6, $0x6;
	v34 =	vld.idx.msk [tilespmem:v0+s4+$0x50 ss:$0x1], $0xffff;
	[tilespmem:v0+s20+$0x50 ss:$0x1] =	vst.idx.msk $0xffff, v3;
	v3 =	vbroadcast v2, $0x1  }
0xc7: {  	s22 =	smul.u32 $0x240, s22;
	s9 =	sshra.s32 s9, $0x2;
	v5 =	vmul.f32 v53, v5;
	[tilespmem:v0+s31+$0x70 ss:$0x1] =	vst.idx.msk $0xffff, v21;
	v42 =	vbroadcast v6, $0x5;
	v19 =	vmax.f32 v19, v38  }
0xc8: {  	v16 =	vadd.f32 v16, v39;
	v54 =	vld.idx.msk [tilespmem:v0+s9+$0x80 ss:$0x1], $0xffff;
	v19 =	vmul.f32 $1.442695020e+00, v19;
	v3 =	vmul.f32 v3, v37  }
0xc9: {  	s15 =	sshra.s32 s22, $0x2;
	[tilespmem:v0+s0+$0x70 ss:$0x1] =	vst.idx.msk $0xffff, v5;
	v7 =	vbroadcast v7, $0x7;
	v35 =	vmul.f32 v61, v32;
	v58 =	vld.idx.msk [tilespmem:v0+s17+$0x60 ss:$0x1], $0xffff  }
0xca: {  	v15 =	vadd.f32 v15, v46;
	v55 =	vld.idx.msk [tilespmem:v0+s15+$0x80 ss:$0x1], $0xffff;
	(erf) = vpow2.f32 v19;
	[tilespmem:v0+s30+$0x10 ss:$0x1] =	vst.idx.msk $0xffff, v3;
	v3 =	vmul.f32 $2.000000030e-01, v16  }
0xcb: {  	v4 =	vmul.f32 v31, v4;
	[tilespmem:v0+s18+$0x60 ss:$0x1] =	vst.idx.msk $0xffff, v35;
	v30 =	vld.idx.msk [tilespmem:v0+s19+$0x60 ss:$0x1], $0xffff;
	v17 =	vmul.f32 v34, v42  }
0xcc: {  	v13 =	vadd.f32 v13, v50;
	v41 =	vld.idx.msk [tilespmem:v0+s18+$0x70 ss:$0x1], $0xffff;
	v56 =	vmul.f32 $2.000000030e-01, v15;
	v3 =	vmax.f32 v16, v3  }
0xcd: {  	v14 =	vadd.f32 v14, v45;
	v53 =	vbroadcast v2, $0x2;
	v44 =	vld.idx.msk [tilespmem:v0+s20+$0x60 ss:$0x1], $0xffff;
	[tilespmem:v0+s4+$0x50 ss:$0x1] =	vst.idx.msk $0xffff, v17;
	v3 =	vmul.f32 $1.442695020e+00, v3  }
0xce: {  	v15 =	vmax.f32 v15, v56;
	v23 =	vmul.f32 v58, v63;
	v58 =	vmul.f32 $2.000000030e-01, v13;
	v47 =	vld.idx.msk [tilespmem:v0+s4+$0x60 ss:$0x1], $0xffff  }
0xcf: {  	v51 =	vld.idx.msk [tilespmem:v0+s8+$0x0 ss:$0x1], $0xffff;
	[tilespmem:v0+s1+$0x70 ss:$0x1] =	vst.idx.msk $0xffff, v4;
	v11 =	vadd.f32 v11, v54;
	(erf) = vpow2.f32 v3;
	v3 =	vmul.f32 $2.000000030e-01, v14  }
0xd0: {  	v15 =	vmul.f32 $1.442695020e+00, v15;
	v12 =	vadd.f32 v12, v55;
	v18 =	vmul.f32 v30, v33;
	v49 =	vld.idx.msk [tilespmem:v0+s30+$0x20 ss:$0x1], $0xffff  }
0xd1: {  	v61 =	vmul.f32 $2.000000030e-01, v11;
	[tilespmem:v0+s17+$0x60 ss:$0x1] =	vst.idx.msk $0xffff, v23;
	v8 =	vmul.f32 v41, v8;
	v60 =	vmax.f32 v13, v58  }
0xd2: {  	v63 =	vmul.f32 $1.442695020e+00, v60;
	v20 =	vmul.f32 $2.000000030e-01, v12;
	[tilespmem:v0+s19+$0x60 ss:$0x1] =	vst.idx.msk $0xffff, v18  }
0xd3: {  	v40 =	vld.idx.msk [tilespmem:v0+s17+$0x70 ss:$0x1], $0xffff;
	v18 =	vmul.f32 v44, v48;
	v19 =	vmul.f32 v47, v52;
	v14 =	vmax.f32 v14, v3;
	v3 =	vpop (erf)  }
0xd4: {  	[tilespmem:v0+s30+$0x80 ss:$0x1] =	vst.idx.msk $0xffff, v2;
	v22 =	vmax.f32 v11, v61;
	v43 =	vld.idx.msk [tilespmem:v0+s19+$0x70 ss:$0x1], $0xffff;
	v14 =	vmul.f32 $1.442695020e+00, v14;
	v57 =	vbroadcast v3, $0x0  }
0xd5: {  	v5 =	vmul.f32 $1.442695020e+00, v22;
	v12 =	vmax.f32 v12, v20;
	[tilespmem:v0+s20+$0x60 ss:$0x1] =	vst.idx.msk $0xffff, v18;
	v23 =	vmul.f32 v53, v49  }
0xd6: {  	v21 =	vld.idx.msk [tilespmem:v0+s20+$0x70 ss:$0x1], $0xffff;
	[tilespmem:v0+s4+$0x60 ss:$0x1] =	vst.idx.msk $0xffff, v19;
	(erf) = vpow2.f32 v14;
	v59 =	vmul.f32 v57, v51  }
0xd7: {  	v12 =	vmul.f32 $1.442695020e+00, v12;
	v25 =	vld.idx.msk [tilespmem:v0+s4+$0x70 ss:$0x1], $0xffff;
	[tilespmem:v0+s30+$0x20 ss:$0x1] =	vst.idx.msk $0xffff, v23;
	(erf) = vpow2.f32 v15  }
0xd8: {  	v7 =	vmul.f32 v40, v7;
	v29 =	vld.idx.msk [tilespmem:v0+s30+$0x30 ss:$0x1], $0xffff;
	(erf) = vpow2.f32 v63;
	[tilespmem:v0+s8+$0x0 ss:$0x1] =	vst.idx.msk $0xffff, v59  }
0xd9: {  	[tilespmem:v0+s18+$0x70 ss:$0x1] =	vst.idx.msk $0xffff, v8;
	v10 =	vmul.f32 v43, v10;
	(erf) = vpow2.f32 v5;
	v24 =	vld.idx.msk [tilespmem:v0+s8+$0x10 ss:$0x1], $0xffff  }
0xda: {  	v6 =	vbroadcast v6, $0x7;
	v62 =	vld.idx.msk [tilespmem:v0+s10+$0x0 ss:$0x1], $0xffff;
	[tilespmem:v0+s17+$0x70 ss:$0x1] =	vst.idx.msk $0xffff, v7;
	v4 =	vpop (erf);
	(erf) = vpow2.f32 v12  }
0xdb: {  	v33 =	vbroadcast v2, $0x3;
	[tilespmem:v0+s19+$0x70 ss:$0x1] =	vst.idx.msk $0xffff, v10;
	v9 =	vmul.f32 v21, v9  }
0xdc: {  	v27 =	vbroadcast v3, $0x1;
	v7 =	vmul.f32 v25, v6;
	[tilespmem:v0+s8+$0x80 ss:$0x1] =	vst.idx.msk $0xffff, v3  }
0xdd: {  	v28 =	vld.idx.msk [tilespmem:v0+s11+$0x0 ss:$0x1], $0xffff;
	[tilespmem:v0+s20+$0x70 ss:$0x1] =	vst.idx.msk $0xffff, v9;
	v26 =	vbroadcast v4, $0x0  }
0xde: {  	v30 =	vld.idx.msk [tilespmem:v0+s12+$0x0 ss:$0x1], $0xffff;
	[tilespmem:v0+s4+$0x70 ss:$0x1] =	vst.idx.msk $0xffff, v7;
	v10 =	vmul.f32 v29, v33;
	v8 =	vmul.f32 v27, v24  }
0xdf: {  	v34 =	vld.idx.msk [tilespmem:v0+s13+$0x0 ss:$0x1], $0xffff;
	[tilespmem:v0+s10+$0x80 ss:$0x1] =	vst.idx.msk $0xffff, v4;
	v13 =	vmul.f32 v26, v62;
	v5 =	vpop (erf)  }
0xe0: {  	v39 =	vld.idx.msk [tilespmem:v0+s9+$0x0 ss:$0x1], $0xffff;
	[tilespmem:v0+s30+$0x30 ss:$0x1] =	vst.idx.msk $0xffff, v10;
	v32 =	vbroadcast v5, $0x0;
	v6 =	vpop (erf)  }
0xe1: {  	v41 =	vld.idx.msk [tilespmem:v0+s15+$0x0 ss:$0x1], $0xffff;
	[tilespmem:v0+s10+$0x0 ss:$0x1] =	vst.idx.msk $0xffff, v13;
	v37 =	vbroadcast v6, $0x0;
	v7 =	vpop (erf)  }
0xe2: {  	[tilespmem:v0+s8+$0x10 ss:$0x1] =	vst.idx.msk $0xffff, v8;
	v36 =	vmul.f32 v32, v28;
	v40 =	vbroadcast v7, $0x0;
	v8 =	vpop (erf)  }
0xe3: {  	v31 =	vld.idx.msk [tilespmem:v0+s10+$0x10 ss:$0x1], $0xffff;
	[tilespmem:v0+s11+$0x80 ss:$0x1] =	vst.idx.msk $0xffff, v5;
	v11 =	vmul.f32 v37, v30;
	v46 =	vbroadcast v8, $0x0;
	v9 =	vpop (erf)  }
0xe4: {  	v35 =	vld.idx.msk [tilespmem:v0+s8+$0x20 ss:$0x1], $0xffff;
	[tilespmem:v0+s11+$0x0 ss:$0x1] =	vst.idx.msk $0xffff, v36;
	v45 =	vmul.f32 v40, v34;
	v48 =	vbroadcast v9, $0x0  }
0xe5: {  	v43 =	vld.idx.msk [tilespmem:v0+s11+$0x10 ss:$0x1], $0xffff;
	[tilespmem:v0+s12+$0x0 ss:$0x1] =	vst.idx.msk $0xffff, v11;
	v12 =	vmul.f32 v46, v39  }
0xe6: {  	v38 =	vbroadcast v4, $0x1;
	v47 =	vld.idx.msk [tilespmem:v0+s12+$0x10 ss:$0x1], $0xffff;
	[tilespmem:v0+s13+$0x0 ss:$0x1] =	vst.idx.msk $0xffff, v45;
	v15 =	vmul.f32 v48, v41  }
0xe7: {  	v42 =	vbroadcast v3, $0x2;
	v52 =	vld.idx.msk [tilespmem:v0+s13+$0x10 ss:$0x1], $0xffff;
	[tilespmem:v0+s9+$0x0 ss:$0x1] =	vst.idx.msk $0xffff, v12  }
0xe8: {  	v50 =	vbroadcast v5, $0x1;
	v13 =	vmul.f32 v38, v31;
	[tilespmem:v0+s15+$0x0 ss:$0x1] =	vst.idx.msk $0xffff, v15;
	v56 =	vld.idx.msk [tilespmem:v0+s9+$0x10 ss:$0x1], $0xffff  }
0xe9: {  	v54 =	vbroadcast v6, $0x1;
	[tilespmem:v0+s12+$0x80 ss:$0x1] =	vst.idx.msk $0xffff, v6;
	v10 =	vmul.f32 v42, v35;
	v58 =	vld.idx.msk [tilespmem:v0+s15+$0x10 ss:$0x1], $0xffff  }
0xea: {  	v44 =	vld.idx.msk [tilespmem:v0+s30+$0x40 ss:$0x1], $0xffff;
	v57 =	vbroadcast v7, $0x1;
	[tilespmem:v0+s10+$0x10 ss:$0x1] =	vst.idx.msk $0xffff, v13;
	v14 =	vmul.f32 v50, v43  }
0xeb: {  	v62 =	vbroadcast v8, $0x1;
	v49 =	vld.idx.msk [tilespmem:v0+s10+$0x20 ss:$0x1], $0xffff;
	[tilespmem:v0+s8+$0x20 ss:$0x1] =	vst.idx.msk $0xffff, v10;
	v12 =	vmul.f32 v54, v47  }
0xec: {  	v21 =	vbroadcast v9, $0x1;
	v53 =	vld.idx.msk [tilespmem:v0+s8+$0x30 ss:$0x1], $0xffff;
	[tilespmem:v0+s11+$0x10 ss:$0x1] =	vst.idx.msk $0xffff, v14;
	v61 =	vmul.f32 v57, v52  }
0xed: {  	v51 =	vbroadcast v2, $0x4;
	v60 =	vld.idx.msk [tilespmem:v0+s11+$0x20 ss:$0x1], $0xffff;
	[tilespmem:v0+s12+$0x10 ss:$0x1] =	vst.idx.msk $0xffff, v12;
	v13 =	vmul.f32 v62, v56  }
0xee: {  	v55 =	vbroadcast v4, $0x2;
	v63 =	vld.idx.msk [tilespmem:v0+s12+$0x20 ss:$0x1], $0xffff;
	[tilespmem:v0+s13+$0x10 ss:$0x1] =	vst.idx.msk $0xffff, v61;
	v14 =	vmul.f32 v21, v58  }
0xef: {  	v59 =	vbroadcast v3, $0x3;
	v10 =	vmul.f32 v44, v51;
	v24 =	vld.idx.msk [tilespmem:v0+s13+$0x20 ss:$0x1], $0xffff;
	[tilespmem:v0+s9+$0x10 ss:$0x1] =	vst.idx.msk $0xffff, v13  }
0xf0: {  	v23 =	vbroadcast v5, $0x2;
	v11 =	vmul.f32 v55, v49;
	v28 =	vld.idx.msk [tilespmem:v0+s9+$0x20 ss:$0x1], $0xffff;
	[tilespmem:v0+s15+$0x10 ss:$0x1] =	vst.idx.msk $0xffff, v14  }
0xf1: {  	v26 =	vbroadcast v6, $0x2;
	[tilespmem:v0+s30+$0x40 ss:$0x1] =	vst.idx.msk $0xffff, v10;
	v10 =	vmul.f32 v53, v59;
	v14 =	vld.idx.msk [tilespmem:v0+s15+$0x20 ss:$0x1], $0xffff  }
0xf2: {  	v29 =	vbroadcast v7, $0x2;
	[tilespmem:v0+s10+$0x20 ss:$0x1] =	vst.idx.msk $0xffff, v11;
	v12 =	vmul.f32 v23, v60  }
0xf3: {  	v32 =	vbroadcast v8, $0x2;
	[tilespmem:v0+s8+$0x30 ss:$0x1] =	vst.idx.msk $0xffff, v10;
	v11 =	vmul.f32 v26, v63  }
0xf4: {  	v35 =	vbroadcast v9, $0x2;
	v22 =	vld.idx.msk [tilespmem:v0+s10+$0x30 ss:$0x1], $0xffff;
	[tilespmem:v0+s11+$0x20 ss:$0x1] =	vst.idx.msk $0xffff, v12;
	v10 =	vmul.f32 v29, v24  }
0xf5: {  	v31 =	vld.idx.msk [tilespmem:v0+s11+$0x30 ss:$0x1], $0xffff;
	[tilespmem:v0+s12+$0x20 ss:$0x1] =	vst.idx.msk $0xffff, v11;
	v11 =	vmul.f32 v32, v28  }
0xf6: {  	v34 =	vld.idx.msk [tilespmem:v0+s12+$0x30 ss:$0x1], $0xffff;
	[tilespmem:v0+s13+$0x20 ss:$0x1] =	vst.idx.msk $0xffff, v10;
	v14 =	vmul.f32 v35, v14  }
0xf7: {  	v27 =	vbroadcast v4, $0x3;
	v38 =	vld.idx.msk [tilespmem:v0+s13+$0x30 ss:$0x1], $0xffff;
	[tilespmem:v0+s9+$0x20 ss:$0x1] =	vst.idx.msk $0xffff, v11  }
0xf8: {  	v37 =	vbroadcast v5, $0x3;
	v41 =	vld.idx.msk [tilespmem:v0+s9+$0x30 ss:$0x1], $0xffff;
	[tilespmem:v0+s15+$0x20 ss:$0x1] =	vst.idx.msk $0xffff, v14  }
0xf9: {  	[tilespmem:v0+s13+$0x80 ss:$0x1] =	vst.idx.msk $0xffff, v7;
	v39 =	vbroadcast v6, $0x3;
	v13 =	vmul.f32 v22, v27;
	v14 =	vld.idx.msk [tilespmem:v0+s15+$0x30 ss:$0x1], $0xffff  }
0xfa: {  	[tilespmem:v0+s9+$0x80 ss:$0x1] =	vst.idx.msk $0xffff, v8;
	v43 =	vbroadcast v7, $0x3;
	v10 =	vmul.f32 v31, v37  }
0xfb: {  	v46 =	vbroadcast v8, $0x3;
	v25 =	vld.idx.msk [tilespmem:v0+s8+$0x40 ss:$0x1], $0xffff;
	[tilespmem:v0+s10+$0x30 ss:$0x1] =	vst.idx.msk $0xffff, v13;
	v42 =	vmul.f32 v34, v39  }
0xfc: {  	v48 =	vbroadcast v9, $0x3;
	v36 =	vld.idx.msk [tilespmem:v0+s10+$0x40 ss:$0x1], $0xffff;
	[tilespmem:v0+s11+$0x30 ss:$0x1] =	vst.idx.msk $0xffff, v10;
	v45 =	vmul.f32 v38, v43  }
0xfd: {  	v44 =	vld.idx.msk [tilespmem:v0+s11+$0x40 ss:$0x1], $0xffff;
	[tilespmem:v0+s12+$0x30 ss:$0x1] =	vst.idx.msk $0xffff, v42;
	v50 =	vmul.f32 v41, v46  }
0xfe: {  	v30 =	vbroadcast v3, $0x4;
	v47 =	vld.idx.msk [tilespmem:v0+s12+$0x40 ss:$0x1], $0xffff;
	[tilespmem:v0+s13+$0x30 ss:$0x1] =	vst.idx.msk $0xffff, v45;
	v13 =	vmul.f32 v14, v48  }
0xff: {  	v40 =	vbroadcast v4, $0x4;
	v51 =	vld.idx.msk [tilespmem:v0+s13+$0x40 ss:$0x1], $0xffff;
	[tilespmem:v0+s9+$0x30 ss:$0x1] =	vst.idx.msk $0xffff, v50  }
0x100: {  	v49 =	vbroadcast v5, $0x4;
	v33 =	vmul.f32 v25, v30;
	v10 =	vld.idx.msk [tilespmem:v0+s9+$0x40 ss:$0x1], $0xffff;
	[tilespmem:v0+s15+$0x30 ss:$0x1] =	vst.idx.msk $0xffff, v13  }
0x101: {  	[tilespmem:v0+s15+$0x80 ss:$0x1] =	vst.idx.msk $0xffff, v9;
	v53 =	vbroadcast v6, $0x4;
	v11 =	vmul.f32 v36, v40;
	v55 =	vld.idx.msk [tilespmem:v0+s15+$0x40 ss:$0x1], $0xffff  }
0x102: {  	v54 =	vbroadcast v7, $0x4;
	v56 =	vld.idx.msk [tilespmem:v0+s30+$0x50 ss:$0x1], $0xffff;
	[tilespmem:v0+s8+$0x40 ss:$0x1] =	vst.idx.msk $0xffff, v33;
	v52 =	vmul.f32 v44, v49  }
0x103: {  	v58 =	vbroadcast v8, $0x4;
	v59 =	vld.idx.msk [tilespmem:v0+s8+$0x50 ss:$0x1], $0xffff;
	[tilespmem:v0+s10+$0x40 ss:$0x1] =	vst.idx.msk $0xffff, v11;
	v11 =	vmul.f32 v47, v53  }
0x104: {  	v60 =	vbroadcast v9, $0x4;
	v61 =	vld.idx.msk [tilespmem:v0+s10+$0x50 ss:$0x1], $0xffff;
	[tilespmem:v0+s11+$0x40 ss:$0x1] =	vst.idx.msk $0xffff, v52;
	v57 =	vmul.f32 v51, v54  }
0x105: {  	v62 =	vbroadcast v2, $0x5;
	[tilespmem:v0+s12+$0x40 ss:$0x1] =	vst.idx.msk $0xffff, v11;
	v63 =	vld.idx.msk [tilespmem:v0+s11+$0x50 ss:$0x1], $0xffff;
	v10 =	vmul.f32 v10, v58  }
0x106: {  	v21 =	vbroadcast v3, $0x5;
	[tilespmem:v0+s13+$0x40 ss:$0x1] =	vst.idx.msk $0xffff, v57;
	v22 =	vld.idx.msk [tilespmem:v0+s12+$0x50 ss:$0x1], $0xffff;
	v14 =	vmul.f32 v55, v60  }
0x107: {  	v23 =	vmul.f32 v56, v62;
	v24 =	vbroadcast v4, $0x5;
	v25 =	vld.idx.msk [tilespmem:v0+s13+$0x50 ss:$0x1], $0xffff;
	[tilespmem:v0+s9+$0x40 ss:$0x1] =	vst.idx.msk $0xffff, v10  }
0x108: {  	v26 =	vbroadcast v5, $0x5;
	v13 =	vmul.f32 v59, v21;
	[tilespmem:v0+s15+$0x40 ss:$0x1] =	vst.idx.msk $0xffff, v14;
	v27 =	vld.idx.msk [tilespmem:v0+s9+$0x50 ss:$0x1], $0xffff  }
0x109: {  	v29 =	vbroadcast v6, $0x5;
	[tilespmem:v0+s30+$0x50 ss:$0x1] =	vst.idx.msk $0xffff, v23;
	v28 =	vmul.f32 v61, v24;
	v30 =	vld.idx.msk [tilespmem:v0+s15+$0x50 ss:$0x1], $0xffff  }
0x10a: {  	v32 =	vbroadcast v7, $0x5;
	v31 =	vld.idx.msk [tilespmem:v0+s30+$0x60 ss:$0x1], $0xffff;
	[tilespmem:v0+s8+$0x50 ss:$0x1] =	vst.idx.msk $0xffff, v13;
	v12 =	vmul.f32 v63, v26  }
0x10b: {  	v34 =	vbroadcast v8, $0x5;
	v33 =	vld.idx.msk [tilespmem:v0+s8+$0x60 ss:$0x1], $0xffff;
	[tilespmem:v0+s10+$0x50 ss:$0x1] =	vst.idx.msk $0xffff, v28;
	v11 =	vmul.f32 v22, v29  }
0x10c: {  	v36 =	vbroadcast v9, $0x5;
	v35 =	vld.idx.msk [tilespmem:v0+s10+$0x60 ss:$0x1], $0xffff;
	[tilespmem:v0+s11+$0x50 ss:$0x1] =	vst.idx.msk $0xffff, v12;
	v14 =	vmul.f32 v25, v32  }
0x10d: {  	v37 =	vbroadcast v2, $0x6;
	[tilespmem:v0+s12+$0x50 ss:$0x1] =	vst.idx.msk $0xffff, v11;
	v38 =	vld.idx.msk [tilespmem:v0+s11+$0x60 ss:$0x1], $0xffff;
	v16 =	vmul.f32 v27, v34  }
0x10e: {  	v39 =	vbroadcast v3, $0x6;
	[tilespmem:v0+s13+$0x50 ss:$0x1] =	vst.idx.msk $0xffff, v14;
	v40 =	vld.idx.msk [tilespmem:v0+s12+$0x60 ss:$0x1], $0xffff;
	v15 =	vmul.f32 v30, v36  }
0x10f: {  	v41 =	vbroadcast v4, $0x6;
	v11 =	vmul.f32 v31, v37;
	v42 =	vld.idx.msk [tilespmem:v0+s13+$0x60 ss:$0x1], $0xffff;
	[tilespmem:v0+s9+$0x50 ss:$0x1] =	vst.idx.msk $0xffff, v16  }
0x110: {  	v43 =	vbroadcast v5, $0x6;
	v10 =	vmul.f32 v33, v39;
	[tilespmem:v0+s15+$0x50 ss:$0x1] =	vst.idx.msk $0xffff, v15;
	v44 =	vld.idx.msk [tilespmem:v0+s9+$0x60 ss:$0x1], $0xffff  }
0x111: {  	v46 =	vbroadcast v6, $0x6;
	v45 =	vmul.f32 v35, v41;
	[tilespmem:v0+s30+$0x60 ss:$0x1] =	vst.idx.msk $0xffff, v11;
	v47 =	vld.idx.msk [tilespmem:v0+s15+$0x60 ss:$0x1], $0xffff  }
0x112: {  	v49 =	vbroadcast v7, $0x6;
	[tilespmem:v0+s8+$0x60 ss:$0x1] =	vst.idx.msk $0xffff, v10;
	v48 =	vld.idx.msk [tilespmem:v0+s30+$0x70 ss:$0x1], $0xffff;
	v14 =	vmul.f32 v38, v43  }
0x113: {  	v51 =	vbroadcast v8, $0x6;
	v50 =	vld.idx.msk [tilespmem:v0+s8+$0x70 ss:$0x1], $0xffff;
	[tilespmem:v0+s10+$0x60 ss:$0x1] =	vst.idx.msk $0xffff, v45;
	v12 =	vmul.f32 v40, v46  }
0x114: {  	v53 =	vbroadcast v9, $0x6;
	v52 =	vld.idx.msk [tilespmem:v0+s10+$0x70 ss:$0x1], $0xffff;
	[tilespmem:v0+s11+$0x60 ss:$0x1] =	vst.idx.msk $0xffff, v14;
	v16 =	vmul.f32 v42, v49  }
0x115: {  	v2 =	vbroadcast v2, $0x7;
	[tilespmem:v0+s12+$0x60 ss:$0x1] =	vst.idx.msk $0xffff, v12;
	v55 =	vld.idx.msk [tilespmem:v0+s11+$0x70 ss:$0x1], $0xffff;
	v54 =	vmul.f32 v44, v51  }
0x116: {  	v3 =	vbroadcast v3, $0x7;
	[tilespmem:v0+s13+$0x60 ss:$0x1] =	vst.idx.msk $0xffff, v16;
	v56 =	vld.idx.msk [tilespmem:v0+s12+$0x70 ss:$0x1], $0xffff;
	v13 =	vmul.f32 v47, v53  }
0x117: {  	v4 =	vbroadcast v4, $0x7;
	v2 =	vmul.f32 v48, v2;
	v57 =	vld.idx.msk [tilespmem:v0+s13+$0x70 ss:$0x1], $0xffff;
	[tilespmem:v0+s9+$0x60 ss:$0x1] =	vst.idx.msk $0xffff, v54  }
0x118: {  	v5 =	vbroadcast v5, $0x7;
	v3 =	vmul.f32 v50, v3;
	[tilespmem:v0+s15+$0x60 ss:$0x1] =	vst.idx.msk $0xffff, v13;
	v58 =	vld.idx.msk [tilespmem:v0+s9+$0x70 ss:$0x1], $0xffff  }
0x119: {  	v59 =	vbroadcast v6, $0x7;
	[tilespmem:v0+s30+$0x70 ss:$0x1] =	vst.idx.msk $0xffff, v2;
	v2 =	vmul.f32 v52, v4;
	v60 =	vld.idx.msk [tilespmem:v0+s15+$0x70 ss:$0x1], $0xffff  }
0x11a: {  	v61 =	vbroadcast v7, $0x7;
	[tilespmem:v0+s8+$0x70 ss:$0x1] =	vst.idx.msk $0xffff, v3;
	v3 =	vmul.f32 v55, v5  }
0x11b: {  	p0 =	slt.u32 s29, $0x40;
	v62 =	vbroadcast v8, $0x7;
	[tilespmem:v0+s10+$0x70 ss:$0x1] =	vst.idx.msk $0xffff, v2;
	v2 =	vmul.f32 v56, v59  }
.Ltmp1:
0x11c: {  	v63 =	vbroadcast v9, $0x7;
	[tilespmem:v0+s11+$0x70 ss:$0x1] =	vst.idx.msk $0xffff, v3;
	v3 =	vmul.f32 v57, v61;
	(pc) =	sbr.rel @p0 .LBB2_5-.Ltmp1, $4  }
0x11d: {  	[tilespmem:v0+s12+$0x70 ss:$0x1] =	vst.idx.msk $0xffff, v2;
	v2 =	vmul.f32 v58, v62  }
0x11e: {  	[tilespmem:v0+s13+$0x70 ss:$0x1] =	vst.idx.msk $0xffff, v3;
	v3 =	vmul.f32 v60, v63  }
0x11f: {  	s31 =	sadd.s32 $0x10, s29;
	[tilespmem:v0+s9+$0x70 ss:$0x1] =	vst.idx.msk $0xffff, v2  }
0x120: {  	s29 =	smov.u32 s31;
	[tilespmem:v0+s15+$0x70 ss:$0x1] =	vst.idx.msk $0xffff, v3  }
0x121: {  	s25 =	sadd.s32 $0x1, s25  }
0x122: {  	s0 =	smul.u32 $0x140, s26;
	p0 =	sne.s32 s25, $0x81  }
.Ltmp2:
0x123: {  	_ = 	snop;
	(pc) =	sbr.rel @p0 .LBB2_2-.Ltmp2, $4  }
0x124: {  	_ = 	snop  }
0x125: {  	s0 =	sshrl.u32 s0, $0x2  }
0x126: {  	s0 =	sadd.s32 $0x140, s0  }
0x127: {  	[spmem:s3] =	stream.indirect.scatter.add.f32 [tilespmem:s28], [sflag:$0x2], $0x90, s0, s16, $0xb8;
	[tilespmem:$0x1C960] =	vst v63  }
0x128: {  	s0 =	simm.s32 $0x2  }
0x129: {  	_ =	swait.ge [sflag:s0], $0x2D00  }
0x12a: {  	[sflag:s0] =	ssyncset.done $0x0  }
0x12b: {  	[sflag:s0] =	ssyncadd.s32 $0xFFFFD300  }
0x12c: {  	[bflag:$0x0] =	sbarrier.arrive $0xFFFF  }
0x12d: {  	s11 =	rddreg [dreg:$0x5]  }
0x12e: {  	s30 =	rddreg [dreg:$0x8]  }
0x12f: {  	s4 =	simm.s32 $0x4;
	s1 =	rddreg [dreg:$0xa]  }
0x130: {  	[hbm:s30], [sflag:s11] =	dma.local [spmem:s1], $0x2C70  }
0x131: {  	_ =	swait.ge [sflag:s4], $0x2C70  }
0x132: {  	s24 =	sadd.s32 $0x1, s24;
	s31 =	rddreg [dreg:$0x9]  }
0x133: {  	p0 =	sne.s32 s24, s31  }
.Ltmp3:
0x134: {  	_ = 	snop;
	(pc) =	sbr.rel @p0 .LBB2_1-.Ltmp3, $3  }
0x135: {  	_ =	sdelay $0x1  }
0x136: {  	[sflag:s4] =	ssyncset.done $0x0  }
0x137: {  	[sflag:s4] =	ssyncadd.s32 $0xFFFFD390  }
0x138: {  	_ =	sfence.sel $0x180000  }
0x139: {  	[bflag:$0x0] =	sbarrier.arrive $0xFFFF  }
0x13a: {  	_ =	strace $0x90000047  }
0x13b: {  	s0 =	stileid.u32;
	[bflag:$0x2] =	sbarrier.arrive $0xFFFF  }
0x13c: {  	p0 =	sne.s32 s0, $0x0;
	s0 =	rddreg [dreg:$0x3]  }
0x13d: {  	s0 =	sadd.s32 @!p0 $0x100000, s0  }
0x13e: {  	[sflag:s0] =	ssyncadd.tile.s32 @!p0 $0x1;
	_ =	shalt  }
.Lfunc_end2:
_tile_overlayer_lowered:
.L_overlay_start_2:
0x13f: {  	(tag) =	ssettag $0x2  }
0x140: {  	s0 =	rddreg [dreg:$0x0];
	s2 =	stileid.u32  }
0x141: {  	s1 =	rddreg [dreg:$0x1];
	p0 =	sne.s32 s2, $0x0  }
0x142: {  	s3 =	rddreg [dreg:$0x2];
	[bflag:$0x3] =	sbarrier.arrive $0xFFFF;
	s2 =	simm.s32 @!p0 $0x1C04  }
0x143: {  	[timem:s3], [sflag:s2] =	dma.local @!p0 [hbm:s0], s1  }
0x144: {  	s0 =	simm.s32 @!p0 $0x4  }
0x145: {  	_ =	swait.ge @!p0 [sflag:s0], s1  }
0x146: {  	s1 =	ssub.s32 @!p0 $0x0, s1;
	[sflag:s0] =	ssyncset.done @!p0 $0x0  }
0x147: {  	[sflag:s0] =	ssyncadd.s32 @!p0 s1  }
0x148: {  	[bflag:$0x3] =	sbarrier.arrive $0xFFFF  }
0x149: {  	_ =	shalt  }

</sc_bundles>
